<compile_context>
chip_gen: v7x
topology: tpu7x:2x2x1
jax: 0.10.2.dev20260603
libtpu: 0.0.44.dev20260713+nightly
codegen_flags: <defaults>
</compile_context>

<pallas_src>
import jax
import jax.numpy as jnp
from jax import lax
from jax.experimental import pallas as pl
from jax.experimental.pallas import tpu as pltpu
from jax.experimental.pallas import tpu_sc as plsc

S = 4096
D = 768
NE = 8
BLK = 512
NT = S // BLK
EB = 512
P = S + NE * EB
NBLK = P // EB
NBLK_PAD = 16
NC = 2
NS = 16
NW = NC * NS
CHUNK = S // NW
L = 16



def _stage1_body(x_ref, encw_ref, encb_ref, gcw_ref, coefb_ref,
                 mlpw_ref, mlpb_ref, expb_ref,
                 hs_ref, base_ref, idx_ref):
    h = jnp.maximum(x_ref[...] @ encw_ref[...] + encb_ref[...][None, :], 0.0)
    lz = h @ gcw_ref[...]
    logits = lz[:, :NE]
    m = jnp.max(logits, axis=-1, keepdims=True)
    ssum = jnp.sum(jnp.exp(logits - m), axis=-1, keepdims=True)
    top_gate = 1.0 / ssum
    lane = lax.broadcasted_iota(jnp.int32, logits.shape, 1)
    idx = jnp.min(jnp.where(logits == m, lane, NE), axis=-1, keepdims=True)
    z = lz[:, NE:NE + 2] + coefb_ref[...]
    zm = jnp.max(z, axis=-1, keepdims=True)
    ze = jnp.exp(z - zm)
    c = ze / jnp.sum(ze, axis=-1, keepdims=True)
    scale = top_gate * c[:, 0:1]
    hs_ref[...] = h * scale
    onehot = jnp.where(lane == idx, 1.0, 0.0)
    base_ref[...] = ((h @ mlpw_ref[...] + mlpb_ref[...][None, :]) * c[:, 1:2]
                     + (onehot @ expb_ref[...]) * scale).astype(jnp.bfloat16)
    idx_ref[...] = lax.squeeze(idx, [1])


def _stage1(x, enc_W, enc_b, gate_W, coef_W, coef_b, mlp_W, mlp_b, expert_b):
    full = lambda r, c: pl.BlockSpec((r, c), lambda i: (0, 0))
    gc_W = jnp.concatenate([gate_W, coef_W], axis=1)
    return pl.pallas_call(
        _stage1_body,
        grid=(NT,),
        in_specs=[
            pl.BlockSpec((BLK, D), lambda i: (i, 0)),
            full(D, D), pl.BlockSpec((D,), lambda i: (0,)),
            full(D, NE + 2), full(1, 2),
            full(D, D), pl.BlockSpec((D,), lambda i: (0,)), full(NE, D),
        ],
        out_specs=[
            pl.BlockSpec((BLK, D), lambda i: (i, 0)),
            pl.BlockSpec((BLK, D), lambda i: (i, 0)),
            pl.BlockSpec((BLK,), lambda i: (i,)),
        ],
        out_shape=[
            jax.ShapeDtypeStruct((S, D), jnp.float32),
            jax.ShapeDtypeStruct((S, D), jnp.bfloat16),
            jax.ShapeDtypeStruct((S,), jnp.int32),
        ],
    )(x, enc_W, enc_b, gc_W, coef_b.reshape(1, 2),
      mlp_W, mlp_b, expert_b)



def _router_body(idx_hbm, hs_hbm, hsort_hbm, pos_hbm, b2e_hbm,
                 idx_all, pos_v, rows_v, b2e_v, sem):
    wid = lax.axis_index("s") * NC + lax.axis_index("c")
    base = wid * CHUNK
    pltpu.sync_copy(idx_hbm, idx_all)
    rows_cp = pltpu.async_copy(hs_hbm.at[pl.ds(base, CHUNK)], rows_v, sem)

    zero = jnp.int32(0)
    zvec = jnp.zeros((L,), jnp.int32)
    one = jnp.ones((L,), jnp.int32)

    def hist_step(i, acc):
        v = idx_all[pl.ds(i * L, L)]
        return tuple(acc[e] + jnp.where(v == e, one, zvec)
                     for e in range(NE))

    prev = lax.fori_loop(0, base // L, hist_step, (zvec,) * NE)
    restv = lax.fori_loop(base // L, S // L, hist_step, (zvec,) * NE)
    pre = [jnp.sum(prev[e]) for e in range(NE)]
    tot = [pre[e] + jnp.sum(restv[e]) for e in range(NE)]

    off = [zero]
    for e in range(NE):
        padc = ((tot[e] + (EB - 1)) // EB) * EB
        off.append(off[-1] + padc)

    start = [off[e] + pre[e] for e in range(NE)]
    for k in range(CHUNK // L):
        v = idx_all[pl.ds(base + k * L, L)]
        pos = jnp.zeros((L,), jnp.int32)
        for e in range(NE):
            msk = v == e
            mi = jnp.where(msk, 1, 0)
            cs = plsc.cumsum(mi)
            pos = jnp.where(msk, start[e] + cs - 1, pos)
            start[e] = start[e] + jnp.sum(mi)
        pos_v[pl.ds(k * L, L)] = pos

    pltpu.sync_copy(pos_v, pos_hbm.at[pl.ds(base, CHUNK)])
    rows_cp.wait()
    pltpu.async_copy(rows_v, hsort_hbm.at[pos_v], sem).wait()

    @pl.when(wid == 0)
    def _b2e():
        used = off[NE] // EB
        for t in range(NBLK_PAD // L):
            j = lax.iota(jnp.int32, L) + t * L
            bstart = jnp.minimum(j * EB, off[NE] - 1)
            acc = zero
            for e in range(1, NE):
                acc = acc + jnp.where(bstart >= off[e], 1, 0)
            b2e_v[pl.ds(t * L, L)] = acc
            b2e_v[pl.ds(NBLK_PAD + t * L, L)] = jnp.minimum(j, used - 1)
            b2e_v[pl.ds(2 * NBLK_PAD + t * L, L)] = (
                jnp.where(j < used, j, NBLK))
        pltpu.sync_copy(b2e_v, b2e_hbm)


def _router(idx, hs):
    mesh = plsc.VectorSubcoreMesh(core_axis_name="c", subcore_axis_name="s")
    return pl.kernel(
        _router_body,
        out_type=[
            jax.ShapeDtypeStruct((P, D), jnp.float32),
            jax.ShapeDtypeStruct((S,), jnp.int32),
            jax.ShapeDtypeStruct((3 * NBLK_PAD,), jnp.int32),
        ],
        mesh=mesh,
        compiler_params=pltpu.CompilerParams(needs_layout_passes=False),
        scratch_types=[
            pltpu.VMEM((S,), jnp.int32),
            pltpu.VMEM((CHUNK,), jnp.int32),
            pltpu.VMEM((CHUNK, D), jnp.float32),
            pltpu.VMEM((3 * NBLK_PAD,), jnp.int32),
            pltpu.SemaphoreType.DMA,
        ],
    )(idx, hs)



def _expert_body(b2e_ref, hs_ref, ew_ref, out_ref):
    out_ref[...] = jnp.dot(hs_ref[...], ew_ref[0],
                           preferred_element_type=jnp.float32)


def _expert_mm(b2e, hsort, expert_W):
    grid_spec = pltpu.PrefetchScalarGridSpec(
        num_scalar_prefetch=1,
        grid=(NBLK,),
        in_specs=[
            pl.BlockSpec((EB, D), lambda i, b2e: (b2e[NBLK_PAD + i], 0)),
            pl.BlockSpec((1, D, D), lambda i, b2e: (b2e[i], 0, 0)),
        ],
        out_specs=pl.BlockSpec((EB, D), lambda i, b2e: (b2e[2 * NBLK_PAD + i], 0)),
    )
    return pl.pallas_call(
        _expert_body,
        grid_spec=grid_spec,
        out_shape=jax.ShapeDtypeStruct((P + EB, D), jnp.float32),
    )(b2e, hsort, expert_W)



def _gather_body(ye_hbm, pos_hbm, moe_hbm, pos_v, rows_v, sem):
    wid = lax.axis_index("s") * NC + lax.axis_index("c")
    base = wid * CHUNK
    pltpu.sync_copy(pos_hbm.at[pl.ds(base, CHUNK)], pos_v)
    pltpu.async_copy(ye_hbm.at[pos_v], rows_v, sem).wait()
    pltpu.sync_copy(rows_v, moe_hbm.at[pl.ds(base, CHUNK)])


def _gather(ye, pos):
    mesh = plsc.VectorSubcoreMesh(core_axis_name="c", subcore_axis_name="s")
    return pl.kernel(
        _gather_body,
        out_type=jax.ShapeDtypeStruct((S, D), jnp.float32),
        mesh=mesh,
        compiler_params=pltpu.CompilerParams(needs_layout_passes=False),
        scratch_types=[
            pltpu.VMEM((CHUNK,), jnp.int32),
            pltpu.VMEM((CHUNK, D), jnp.float32),
            pltpu.SemaphoreType.DMA,
        ],
    )(ye, pos)



def _final_body(moe_ref, base_ref, decw_ref, decb_ref, out_ref):
    out_ref[...] = ((moe_ref[...] + base_ref[...].astype(jnp.float32))
                    @ decw_ref[...] + decb_ref[...])


def _final(moe, base, dec_W, dec_b):
    full = lambda r, c: pl.BlockSpec((r, c), lambda i: (0, 0))
    return pl.pallas_call(
        _final_body,
        grid=(NT,),
        in_specs=[
            pl.BlockSpec((BLK, D), lambda i: (i, 0)),
            pl.BlockSpec((BLK, D), lambda i: (i, 0)),
            full(D, D), full(1, D),
        ],
        out_specs=pl.BlockSpec((BLK, D), lambda i: (i, 0)),
        out_shape=jax.ShapeDtypeStruct((S, D), jnp.float32),
    )(moe, base, dec_W, dec_b.reshape(1, D))


def kernel(x, enc_W, enc_b, gate_W, expert_W, expert_b, mlp_W, mlp_b,
           coef_W, coef_b, dec_W, dec_b):
    hs, base, idx = _stage1(x, enc_W, enc_b, gate_W, coef_W, coef_b,
                            mlp_W, mlp_b, expert_b)
    hsort, pos, b2e = _router(idx, hs)
    ye = _expert_mm(b2e, hsort, expert_W)
    moe = _gather(ye, pos)
    return _final(moe, base, dec_W, dec_b)

# --- scband reference (transcript-rebuilt; emitter-appended) ---
"""Pipeline reference for scband-mo-eautoencoder-44049184588242 (READ-ONLY COPY).

The authoritative reference and input builder live on the scoring server;
editing this copy changes nothing except your own understanding.
"""

import jax, jax.numpy as jnp
import numpy as np

INPUT_DIM = 768
HIDDEN_DIM = 768
NUM_EXPERTS = 8
TOKENS = 4096


def setup_inputs(seed: int = 0) -> dict:
    key = jax.random.key(seed)
    ks = jax.random.split(key, 8)
    s = 0.02
    return {
        "x": jax.random.normal(ks[0], (TOKENS, INPUT_DIM), dtype=jnp.float32),
        "enc_W": jax.random.normal(ks[1], (INPUT_DIM, HIDDEN_DIM), dtype=jnp.float32) * s,
        "enc_b": jnp.zeros((HIDDEN_DIM,), dtype=jnp.float32),
        "gate_W": jax.random.normal(ks[2], (HIDDEN_DIM, NUM_EXPERTS), dtype=jnp.float32) * s,
        "expert_W": jax.random.normal(ks[3], (NUM_EXPERTS, HIDDEN_DIM, HIDDEN_DIM), dtype=jnp.float32) * s,
        "expert_b": jnp.zeros((NUM_EXPERTS, HIDDEN_DIM), dtype=jnp.float32),
        "mlp_W": jax.random.normal(ks[4], (HIDDEN_DIM, HIDDEN_DIM), dtype=jnp.float32) * s,
        "mlp_b": jnp.zeros((HIDDEN_DIM,), dtype=jnp.float32),
        "coef_W": jax.random.normal(ks[5], (HIDDEN_DIM, 2), dtype=jnp.float32) * s,
        "coef_b": jnp.zeros((2,), dtype=jnp.float32),
        "dec_W": jax.random.normal(ks[6], (HIDDEN_DIM, INPUT_DIM), dtype=jnp.float32) * s,
        "dec_b": jnp.zeros((INPUT_DIM,), dtype=jnp.float32),
    }


def _moe_residual(h, gate_W, expert_W, expert_b, mlp_W, mlp_b, coef_W, coef_b):
    # Top-1 gate (DeepSpeed-style TopKGate with k=1, no bias on wg)
    logits = h @ gate_W                      # [S, E]
    gates = jax.nn.softmax(logits, axis=-1)  # [S, E]
    idx = jnp.argmax(gates, axis=-1)         # [S] chosen expert per token
    top_gate = jnp.take_along_axis(gates, idx[:, None], axis=-1)  # [S, 1]
    onehot = jax.nn.one_hot(idx, NUM_EXPERTS, dtype=h.dtype)      # [S, E]
    # Dispatch tokens to experts (dense dispatch, capacity unbounded)
    xe = jnp.einsum('se,sd->esd', onehot, h)                      # [E, S, D]
    ye = jnp.einsum('esd,edh->esh', xe, expert_W) + expert_b[:, None, :]
    moe_out = jnp.einsum('esh,se->sh', ye, onehot) * top_gate     # [S, D]
    # Residual MoE (use_residual=True): shared MLP + learned 2-way coefficient
    mlp_out = h @ mlp_W + mlp_b
    coef = jax.nn.softmax(h @ coef_W + coef_b, axis=-1)           # [S, 2]
    out = moe_out * coef[:, 0:1] + mlp_out * coef[:, 1:2]
    return out


def reference(x, enc_W, enc_b, gate_W, expert_W, expert_b, mlp_W, mlp_b, coef_W, coef_b, dec_W, dec_b):
    h = jax.nn.relu(x @ enc_W + enc_b)
    h = _moe_residual(h, gate_W, expert_W, expert_b, mlp_W, mlp_b, coef_W, coef_b)
    return h @ dec_W + dec_b

if __name__ == "__main__":
    import jax
    _d = setup_inputs()
    print(jax.jit(kernel)(*tuple(_d.values())))

</pallas_src>

<mosaic_0001>
#map = affine_map<(d0, d1) -> (0, 0)>
#map1 = affine_map<(d0, d1) -> (0)>
module attributes {stable_mosaic.version = 14 : i64} {
  func.func @_gather_body(%arg0: i32, %arg1: i32, %arg2: memref<8704x768xf32, #tpu.memory_space<hbm>>, %arg3: memref<4096xi32, #tpu.memory_space<hbm>>, %arg4: memref<4096x768xf32, #tpu.memory_space<hbm>>, %arg5: memref<128xi32, #tpu.memory_space<vmem>>, %arg6: memref<128x768xf32, #tpu.memory_space<vmem>>, %arg7: memref<!tpu.dma_semaphore, #tpu.memory_space<semaphore_mem>>) attributes {dimension_semantics = [#tpu.dimension_semantics<core_parallel>, #tpu.dimension_semantics<subcore_parallel>], iteration_bounds = array<i64: 2, 16>, scalar_prefetch = 0 : i64, scratch_operands = 3 : i64, tpu.core_type = #tpu.core_type<sc_vector_subcore>, window_params = [{transform_indices = #map}, {transform_indices = #map1}, {transform_indices = #map}]} {
    %mul3A = arith.constant 2 : i32
    %mul3A_0 = arith.muli %arg1, %mul3A : i32
    %add3A = arith.addi %mul3A_0, %arg0 : i32
    %mul3A_1 = arith.constant 128 : i32
    %mul3A_2 = arith.muli %add3A, %mul3A_1 : i32
    "tpu.region"() ({
      %run_scoped3A = tpu.sem_alloc : memref<!tpu.dma_semaphore, #tpu.memory_space<semaphore_mem>>
      %dma_start3A_7 = tpu.memref_slice %arg3[%mul3A_2] : memref<4096xi32, #tpu.memory_space<hbm>> -> memref<128xi32, #tpu.memory_space<hbm>>
      %dma_start3A_8 = tpu.memref_slice %arg3[%mul3A_2] : memref<4096xi32, #tpu.memory_space<hbm>> -> memref<128xi32, #tpu.memory_space<hbm>>
      tpu.enqueue_dma source(%dma_start3A_8 : memref<128xi32, #tpu.memory_space<hbm>>) target(%arg5 : memref<128xi32, #tpu.memory_space<vmem>>) target_semaphore(%run_scoped3A : memref<!tpu.dma_semaphore, #tpu.memory_space<semaphore_mem>>)
      %dma_wait3A_9 = tpu.memref_slice %arg3[%mul3A_2] : memref<4096xi32, #tpu.memory_space<hbm>> -> memref<128xi32, #tpu.memory_space<hbm>>
      %dma_wait3A_10 = tpu.memref_slice %arg3[%mul3A_2] : memref<4096xi32, #tpu.memory_space<hbm>> -> memref<128xi32, #tpu.memory_space<hbm>>
      tpu.wait_dma2 semaphore(%run_scoped3A : memref<!tpu.dma_semaphore, #tpu.memory_space<semaphore_mem>>) src(%dma_wait3A_10 : memref<128xi32, #tpu.memory_space<hbm>>) dst(%arg5 : memref<128xi32, #tpu.memory_space<vmem>>)
      tpu.yield
    }) : () -> ()
    %dma_start3A = arith.constant 0 : i32
    %dma_start3A_3 = arith.constant 0 : i32
    %dma_start3A_4 = tpu.memref_slice %arg2[%dma_start3A, %dma_start3A_3] : memref<8704x768xf32, #tpu.memory_space<hbm>> -> memref<8704x768xf32, #tpu.memory_space<hbm>>
    tpu.enqueue_indirect_dma source(%dma_start3A_4 : memref<8704x768xf32, #tpu.memory_space<hbm>>) target(%arg6 : memref<128x768xf32, #tpu.memory_space<vmem>>) offsets(%arg5 : memref<128xi32, #tpu.memory_space<vmem>>) semaphore(%arg7 : memref<!tpu.dma_semaphore, #tpu.memory_space<semaphore_mem>>)
    %dma_wait3A = arith.constant 0 : i32
    %dma_wait3A_5 = arith.constant 0 : i32
    %dma_wait3A_6 = tpu.memref_slice %arg2[%dma_wait3A, %dma_wait3A_5] : memref<8704x768xf32, #tpu.memory_space<hbm>> -> memref<8704x768xf32, #tpu.memory_space<hbm>>
    tpu.wait_indirect_dma semaphore(%arg7 : memref<!tpu.dma_semaphore, #tpu.memory_space<semaphore_mem>>) src(%dma_wait3A_6 : memref<8704x768xf32, #tpu.memory_space<hbm>>) dst(%arg6 : memref<128x768xf32, #tpu.memory_space<vmem>>)
    "tpu.region"() ({
      %run_scoped3A = tpu.sem_alloc : memref<!tpu.dma_semaphore, #tpu.memory_space<semaphore_mem>>
      %dma_start3A_7 = arith.constant 0 : i32
      %dma_start3A_8 = tpu.memref_slice %arg4[%mul3A_2, %dma_start3A_7] : memref<4096x768xf32, #tpu.memory_space<hbm>> -> memref<128x768xf32, #tpu.memory_space<hbm>>
      %dma_start3A_9 = arith.constant 0 : i32
      %dma_start3A_10 = tpu.memref_slice %arg4[%mul3A_2, %dma_start3A_9] : memref<4096x768xf32, #tpu.memory_space<hbm>> -> memref<128x768xf32, #tpu.memory_space<hbm>>
      tpu.enqueue_dma source(%arg6 : memref<128x768xf32, #tpu.memory_space<vmem>>) target(%dma_start3A_10 : memref<128x768xf32, #tpu.memory_space<hbm>>) target_semaphore(%run_scoped3A : memref<!tpu.dma_semaphore, #tpu.memory_space<semaphore_mem>>)
      %dma_wait3A_11 = arith.constant 0 : i32
      %dma_wait3A_12 = tpu.memref_slice %arg4[%mul3A_2, %dma_wait3A_11] : memref<4096x768xf32, #tpu.memory_space<hbm>> -> memref<128x768xf32, #tpu.memory_space<hbm>>
      %dma_wait3A_13 = arith.constant 0 : i32
      %dma_wait3A_14 = tpu.memref_slice %arg4[%mul3A_2, %dma_wait3A_13] : memref<4096x768xf32, #tpu.memory_space<hbm>> -> memref<128x768xf32, #tpu.memory_space<hbm>>
      tpu.wait_dma2 semaphore(%run_scoped3A : memref<!tpu.dma_semaphore, #tpu.memory_space<semaphore_mem>>) src(%arg6 : memref<128x768xf32, #tpu.memory_space<vmem>>) dst(%dma_wait3A_14 : memref<128x768xf32, #tpu.memory_space<hbm>>)
      tpu.yield
    }) : () -> ()
    return
  }
}

#map = affine_map<(d0, d1) -> (0)>
#map1 = affine_map<(d0, d1) -> (0, 0)>
module attributes {stable_mosaic.version = 14 : i64} {
  func.func @_router_body(%arg0: i32, %arg1: i32, %arg2: memref<4096xi32, #tpu.memory_space<hbm>>, %arg3: memref<4096x768xf32, #tpu.memory_space<hbm>>, %arg4: memref<8192x768xf32, #tpu.memory_space<hbm>>, %arg5: memref<4096xi32, #tpu.memory_space<hbm>>, %arg6: memref<48xi32, #tpu.memory_space<hbm>>, %arg7: memref<4096xi32, #tpu.memory_space<vmem>>, %arg8: memref<128xi32, #tpu.memory_space<vmem>>, %arg9: memref<128x768xf32, #tpu.memory_space<vmem>>, %arg10: memref<48xi32, #tpu.memory_space<vmem>>, %arg11: memref<!tpu.dma_semaphore, #tpu.memory_space<semaphore_mem>>) attributes {dimension_semantics = [#tpu.dimension_semantics<core_parallel>, #tpu.dimension_semantics<subcore_parallel>], iteration_bounds = array<i64: 2, 16>, scalar_prefetch = 0 : i64, scratch_operands = 5 : i64, tpu.core_type = #tpu.core_type<sc_vector_subcore>, window_params = [{transform_indices = #map}, {transform_indices = #map1}, {transform_indices = #map1}, {transform_indices = #map}, {transform_indices = #map}]} {
    %mul3A = arith.constant 2 : i32
    %mul3A_0 = arith.muli %arg1, %mul3A : i32
    %add3A = arith.addi %mul3A_0, %arg0 : i32
    %mul3A_1 = arith.constant 128 : i32
    %mul3A_2 = arith.muli %add3A, %mul3A_1 : i32
    "tpu.region"() ({
      %run_scoped3A = tpu.sem_alloc : memref<!tpu.dma_semaphore, #tpu.memory_space<semaphore_mem>>
      tpu.enqueue_dma source(%arg2 : memref<4096xi32, #tpu.memory_space<hbm>>) target(%arg7 : memref<4096xi32, #tpu.memory_space<vmem>>) target_semaphore(%run_scoped3A : memref<!tpu.dma_semaphore, #tpu.memory_space<semaphore_mem>>)
      tpu.wait_dma2 semaphore(%run_scoped3A : memref<!tpu.dma_semaphore, #tpu.memory_space<semaphore_mem>>) src(%arg2 : memref<4096xi32, #tpu.memory_space<hbm>>) dst(%arg7 : memref<4096xi32, #tpu.memory_space<vmem>>)
      tpu.yield
    }) : () -> ()
    %dma_start3A = arith.constant 0 : i32
    %dma_start3A_3 = tpu.memref_slice %arg3[%mul3A_2, %dma_start3A] : memref<4096x768xf32, #tpu.memory_space<hbm>> -> memref<128x768xf32, #tpu.memory_space<hbm>>
    %dma_start3A_4 = arith.constant 0 : i32
    %dma_start3A_5 = tpu.memref_slice %arg3[%mul3A_2, %dma_start3A_4] : memref<4096x768xf32, #tpu.memory_space<hbm>> -> memref<128x768xf32, #tpu.memory_space<hbm>>
    tpu.enqueue_dma source(%dma_start3A_5 : memref<128x768xf32, #tpu.memory_space<hbm>>) target(%arg9 : memref<128x768xf32, #tpu.memory_space<vmem>>) target_semaphore(%arg11 : memref<!tpu.dma_semaphore, #tpu.memory_space<semaphore_mem>>)
    %broadcast_in_dim3A = arith.constant 0 : i32
    %broadcast_in_dim3A_6 = vector.broadcast %broadcast_in_dim3A : i32 to vector<16xi32>
    %broadcast_in_dim3A_7 = arith.constant 1 : i32
    %broadcast_in_dim3A_8 = vector.broadcast %broadcast_in_dim3A_7 : i32 to vector<16xi32>
    %jit3A = arith.constant 16 : i32
    %div3A = arith.divsi %mul3A_2, %jit3A : i32
    %sign3A = arith.constant 0 : i32
    %sign3A_9 = arith.cmpi sgt, %mul3A_2, %sign3A : i32
    %sign3A_10 = arith.extui %sign3A_9 : i1 to i32
    %sign3A_11 = arith.constant 0 : i32
    %sign3A_12 = arith.cmpi slt, %mul3A_2, %sign3A_11 : i32
    %sign3A_13 = arith.extui %sign3A_12 : i1 to i32
    %sign3A_14 = arith.subi %sign3A_10, %sign3A_13 : i32
    %sign3A_15 = arith.constant 0 : i32
    %sign3A_16 = arith.cmpi sgt, %jit3A, %sign3A_15 : i32
    %sign3A_17 = arith.extui %sign3A_16 : i1 to i32
    %sign3A_18 = arith.constant 0 : i32
    %sign3A_19 = arith.cmpi slt, %jit3A, %sign3A_18 : i32
    %sign3A_20 = arith.extui %sign3A_19 : i1 to i32
    %sign3A_21 = arith.subi %sign3A_17, %sign3A_20 : i32
    %ne3A = arith.cmpi ne, %sign3A_14, %sign3A_21 : i32
    %rem3A = arith.remsi %mul3A_2, %jit3A : i32
    %ne3A_22 = arith.constant 0 : i32
    %ne3A_23 = arith.cmpi ne, %rem3A, %ne3A_22 : i32
    %and3A = arith.andi %ne3A, %ne3A_23 : i1
    %sub3A = arith.constant 1 : i32
    %sub3A_24 = arith.subi %div3A, %sub3A : i32
    %select_n3A = arith.select %and3A, %sub3A_24, %div3A : i32
    %while3A = arith.constant 0 : i32
    %while3A_25 = arith.subi %select_n3A, %while3A : i32
    %while3A_26 = arith.addi %while3A, %while3A_25 : i32
    %while3A_27 = arith.constant 1 : i32
    %while3A_28 = arith.divsi %while3A_25, %while3A_27 : i32
    %while3A_29 = arith.muli %while3A_28, %while3A_27 : i32
    %while3A_30 = arith.addi %while3A, %while3A_29 : i32
    %while3A_31 = arith.constant 1 : i32
    %while3A_32:8 = scf.for %while3A_1864 = %while3A to %while3A_30 step %while3A_31 iter_args(%while3A_1865 = %broadcast_in_dim3A_6, %while3A_1866 = %broadcast_in_dim3A_6, %while3A_1867 = %broadcast_in_dim3A_6, %while3A_1868 = %broadcast_in_dim3A_6, %while3A_1869 = %broadcast_in_dim3A_6, %while3A_1870 = %broadcast_in_dim3A_6, %while3A_1871 = %broadcast_in_dim3A_6, %while3A_1872 = %broadcast_in_dim3A_6) -> (vector<16xi32>, vector<16xi32>, vector<16xi32>, vector<16xi32>, vector<16xi32>, vector<16xi32>, vector<16xi32>, vector<16xi32>)  : i32 {
      %mul3A_1873 = arith.constant 16 : i32
      %mul3A_1874 = arith.muli %while3A_1864, %mul3A_1873 : i32
      %get3A_1875 = arith.index_cast %mul3A_1874 : i32 to index
      %get3A_1876 = tpu.vector_load %arg7[%get3A_1875] {strides = array<i32>} : memref<4096xi32, #tpu.memory_space<vmem>>, vector<16xi32>,
      %eq3A_1877 = arith.constant 0 : i32
      %eq3A_1878 = vector.broadcast %eq3A_1877 : i32 to vector<16xi32>
      %eq3A_1879 = arith.cmpi eq, %get3A_1876, %eq3A_1878 : vector<16xi32>
      %select_n3A_1880 = arith.select %eq3A_1879, %broadcast_in_dim3A_8, %broadcast_in_dim3A_6 : vector<16xi1>, vector<16xi32>
      %add3A_1881 = arith.addi %while3A_1865, %select_n3A_1880 : vector<16xi32>
      %eq3A_1882 = arith.constant 1 : i32
      %eq3A_1883 = vector.broadcast %eq3A_1882 : i32 to vector<16xi32>
      %eq3A_1884 = arith.cmpi eq, %get3A_1876, %eq3A_1883 : vector<16xi32>
      %select_n3A_1885 = arith.select %eq3A_1884, %broadcast_in_dim3A_8, %broadcast_in_dim3A_6 : vector<16xi1>, vector<16xi32>
      %add3A_1886 = arith.addi %while3A_1866, %select_n3A_1885 : vector<16xi32>
      %eq3A_1887 = arith.constant 2 : i32
      %eq3A_1888 = vector.broadcast %eq3A_1887 : i32 to vector<16xi32>
      %eq3A_1889 = arith.cmpi eq, %get3A_1876, %eq3A_1888 : vector<16xi32>
      %select_n3A_1890 = arith.select %eq3A_1889, %broadcast_in_dim3A_8, %broadcast_in_dim3A_6 : vector<16xi1>, vector<16xi32>
      %add3A_1891 = arith.addi %while3A_1867, %select_n3A_1890 : vector<16xi32>
      %eq3A_1892 = arith.constant 3 : i32
      %eq3A_1893 = vector.broadcast %eq3A_1892 : i32 to vector<16xi32>
      %eq3A_1894 = arith.cmpi eq, %get3A_1876, %eq3A_1893 : vector<16xi32>
      %select_n3A_1895 = arith.select %eq3A_1894, %broadcast_in_dim3A_8, %broadcast_in_dim3A_6 : vector<16xi1>, vector<16xi32>
      %add3A_1896 = arith.addi %while3A_1868, %select_n3A_1895 : vector<16xi32>
      %eq3A_1897 = arith.constant 4 : i32
      %eq3A_1898 = vector.broadcast %eq3A_1897 : i32 to vector<16xi32>
      %eq3A_1899 = arith.cmpi eq, %get3A_1876, %eq3A_1898 : vector<16xi32>
      %select_n3A_1900 = arith.select %eq3A_1899, %broadcast_in_dim3A_8, %broadcast_in_dim3A_6 : vector<16xi1>, vector<16xi32>
      %add3A_1901 = arith.addi %while3A_1869, %select_n3A_1900 : vector<16xi32>
      %eq3A_1902 = arith.constant 5 : i32
      %eq3A_1903 = vector.broadcast %eq3A_1902 : i32 to vector<16xi32>
      %eq3A_1904 = arith.cmpi eq, %get3A_1876, %eq3A_1903 : vector<16xi32>
      %select_n3A_1905 = arith.select %eq3A_1904, %broadcast_in_dim3A_8, %broadcast_in_dim3A_6 : vector<16xi1>, vector<16xi32>
      %add3A_1906 = arith.addi %while3A_1870, %select_n3A_1905 : vector<16xi32>
      %eq3A_1907 = arith.constant 6 : i32
      %eq3A_1908 = vector.broadcast %eq3A_1907 : i32 to vector<16xi32>
      %eq3A_1909 = arith.cmpi eq, %get3A_1876, %eq3A_1908 : vector<16xi32>
      %select_n3A_1910 = arith.select %eq3A_1909, %broadcast_in_dim3A_8, %broadcast_in_dim3A_6 : vector<16xi1>, vector<16xi32>
      %add3A_1911 = arith.addi %while3A_1871, %select_n3A_1910 : vector<16xi32>
      %eq3A_1912 = arith.constant 7 : i32
      %eq3A_1913 = vector.broadcast %eq3A_1912 : i32 to vector<16xi32>
      %eq3A_1914 = arith.cmpi eq, %get3A_1876, %eq3A_1913 : vector<16xi32>
      %select_n3A_1915 = arith.select %eq3A_1914, %broadcast_in_dim3A_8, %broadcast_in_dim3A_6 : vector<16xi1>, vector<16xi32>
      %add3A_1916 = arith.addi %while3A_1872, %select_n3A_1915 : vector<16xi32>
      scf.yield %add3A_1881, %add3A_1886, %add3A_1891, %add3A_1896, %add3A_1901, %add3A_1906, %add3A_1911, %add3A_1916 : vector<16xi32>, vector<16xi32>, vector<16xi32>, vector<16xi32>, vector<16xi32>, vector<16xi32>, vector<16xi32>, vector<16xi32>
    }
    %while3A_33 = arith.constant 1 : i32
    %while3A_34:8 = scf.for %while3A_1864 = %while3A_30 to %while3A_26 step %while3A_33 iter_args(%while3A_1865 = %while3A_32#0, %while3A_1866 = %while3A_32#1, %while3A_1867 = %while3A_32#2, %while3A_1868 = %while3A_32#3, %while3A_1869 = %while3A_32#4, %while3A_1870 = %while3A_32#5, %while3A_1871 = %while3A_32#6, %while3A_1872 = %while3A_32#7) -> (vector<16xi32>, vector<16xi32>, vector<16xi32>, vector<16xi32>, vector<16xi32>, vector<16xi32>, vector<16xi32>, vector<16xi32>)  : i32 {
      %mul3A_1873 = arith.constant 16 : i32
      %mul3A_1874 = arith.muli %while3A_1864, %mul3A_1873 : i32
      %get3A_1875 = arith.index_cast %mul3A_1874 : i32 to index
      %get3A_1876 = tpu.vector_load %arg7[%get3A_1875] {strides = array<i32>} : memref<4096xi32, #tpu.memory_space<vmem>>, vector<16xi32>,
      %eq3A_1877 = arith.constant 0 : i32
      %eq3A_1878 = vector.broadcast %eq3A_1877 : i32 to vector<16xi32>
      %eq3A_1879 = arith.cmpi eq, %get3A_1876, %eq3A_1878 : vector<16xi32>
      %select_n3A_1880 = arith.select %eq3A_1879, %broadcast_in_dim3A_8, %broadcast_in_dim3A_6 : vector<16xi1>, vector<16xi32>
      %add3A_1881 = arith.addi %while3A_1865, %select_n3A_1880 : vector<16xi32>
      %eq3A_1882 = arith.constant 1 : i32
      %eq3A_1883 = vector.broadcast %eq3A_1882 : i32 to vector<16xi32>
      %eq3A_1884 = arith.cmpi eq, %get3A_1876, %eq3A_1883 : vector<16xi32>
      %select_n3A_1885 = arith.select %eq3A_1884, %broadcast_in_dim3A_8, %broadcast_in_dim3A_6 : vector<16xi1>, vector<16xi32>
      %add3A_1886 = arith.addi %while3A_1866, %select_n3A_1885 : vector<16xi32>
      %eq3A_1887 = arith.constant 2 : i32
      %eq3A_1888 = vector.broadcast %eq3A_1887 : i32 to vector<16xi32>
      %eq3A_1889 = arith.cmpi eq, %get3A_1876, %eq3A_1888 : vector<16xi32>
      %select_n3A_1890 = arith.select %eq3A_1889, %broadcast_in_dim3A_8, %broadcast_in_dim3A_6 : vector<16xi1>, vector<16xi32>
      %add3A_1891 = arith.addi %while3A_1867, %select_n3A_1890 : vector<16xi32>
      %eq3A_1892 = arith.constant 3 : i32
      %eq3A_1893 = vector.broadcast %eq3A_1892 : i32 to vector<16xi32>
      %eq3A_1894 = arith.cmpi eq, %get3A_1876, %eq3A_1893 : vector<16xi32>
      %select_n3A_1895 = arith.select %eq3A_1894, %broadcast_in_dim3A_8, %broadcast_in_dim3A_6 : vector<16xi1>, vector<16xi32>
      %add3A_1896 = arith.addi %while3A_1868, %select_n3A_1895 : vector<16xi32>
      %eq3A_1897 = arith.constant 4 : i32
      %eq3A_1898 = vector.broadcast %eq3A_1897 : i32 to vector<16xi32>
      %eq3A_1899 = arith.cmpi eq, %get3A_1876, %eq3A_1898 : vector<16xi32>
      %select_n3A_1900 = arith.select %eq3A_1899, %broadcast_in_dim3A_8, %broadcast_in_dim3A_6 : vector<16xi1>, vector<16xi32>
      %add3A_1901 = arith.addi %while3A_1869, %select_n3A_1900 : vector<16xi32>
      %eq3A_1902 = arith.constant 5 : i32
      %eq3A_1903 = vector.broadcast %eq3A_1902 : i32 to vector<16xi32>
      %eq3A_1904 = arith.cmpi eq, %get3A_1876, %eq3A_1903 : vector<16xi32>
      %select_n3A_1905 = arith.select %eq3A_1904, %broadcast_in_dim3A_8, %broadcast_in_dim3A_6 : vector<16xi1>, vector<16xi32>
      %add3A_1906 = arith.addi %while3A_1870, %select_n3A_1905 : vector<16xi32>
      %eq3A_1907 = arith.constant 6 : i32
      %eq3A_1908 = vector.broadcast %eq3A_1907 : i32 to vector<16xi32>
      %eq3A_1909 = arith.cmpi eq, %get3A_1876, %eq3A_1908 : vector<16xi32>
      %select_n3A_1910 = arith.select %eq3A_1909, %broadcast_in_dim3A_8, %broadcast_in_dim3A_6 : vector<16xi1>, vector<16xi32>
      %add3A_1911 = arith.addi %while3A_1871, %select_n3A_1910 : vector<16xi32>
      %eq3A_1912 = arith.constant 7 : i32
      %eq3A_1913 = vector.broadcast %eq3A_1912 : i32 to vector<16xi32>
      %eq3A_1914 = arith.cmpi eq, %get3A_1876, %eq3A_1913 : vector<16xi32>
      %select_n3A_1915 = arith.select %eq3A_1914, %broadcast_in_dim3A_8, %broadcast_in_dim3A_6 : vector<16xi1>, vector<16xi32>
      %add3A_1916 = arith.addi %while3A_1872, %select_n3A_1915 : vector<16xi32>
      scf.yield %add3A_1881, %add3A_1886, %add3A_1891, %add3A_1896, %add3A_1901, %add3A_1906, %add3A_1911, %add3A_1916 : vector<16xi32>, vector<16xi32>, vector<16xi32>, vector<16xi32>, vector<16xi32>, vector<16xi32>, vector<16xi32>, vector<16xi32>
    }
    %jit3A_35 = arith.constant 16 : i32
    %div3A_36 = arith.divsi %mul3A_2, %jit3A_35 : i32
    %sign3A_37 = arith.constant 0 : i32
    %sign3A_38 = arith.cmpi sgt, %mul3A_2, %sign3A_37 : i32
    %sign3A_39 = arith.extui %sign3A_38 : i1 to i32
    %sign3A_40 = arith.constant 0 : i32
    %sign3A_41 = arith.cmpi slt, %mul3A_2, %sign3A_40 : i32
    %sign3A_42 = arith.extui %sign3A_41 : i1 to i32
    %sign3A_43 = arith.subi %sign3A_39, %sign3A_42 : i32
    %sign3A_44 = arith.constant 0 : i32
    %sign3A_45 = arith.cmpi sgt, %jit3A_35, %sign3A_44 : i32
    %sign3A_46 = arith.extui %sign3A_45 : i1 to i32
    %sign3A_47 = arith.constant 0 : i32
    %sign3A_48 = arith.cmpi slt, %jit3A_35, %sign3A_47 : i32
    %sign3A_49 = arith.extui %sign3A_48 : i1 to i32
    %sign3A_50 = arith.subi %sign3A_46, %sign3A_49 : i32
    %ne3A_51 = arith.cmpi ne, %sign3A_43, %sign3A_50 : i32
    %rem3A_52 = arith.remsi %mul3A_2, %jit3A_35 : i32
    %ne3A_53 = arith.constant 0 : i32
    %ne3A_54 = arith.cmpi ne, %rem3A_52, %ne3A_53 : i32
    %and3A_55 = arith.andi %ne3A_51, %ne3A_54 : i1
    %sub3A_56 = arith.constant 1 : i32
    %sub3A_57 = arith.subi %div3A_36, %sub3A_56 : i32
    %select_n3A_58 = arith.select %and3A_55, %sub3A_57, %div3A_36 : i32
    %while3A_59 = arith.constant 256 : i32
    %while3A_60 = arith.subi %while3A_59, %select_n3A_58 : i32
    %while3A_61 = arith.addi %select_n3A_58, %while3A_60 : i32
    %while3A_62 = arith.constant 1 : i32
    %while3A_63 = arith.divsi %while3A_60, %while3A_62 : i32
    %while3A_64 = arith.muli %while3A_63, %while3A_62 : i32
    %while3A_65 = arith.addi %select_n3A_58, %while3A_64 : i32
    %while3A_66 = arith.constant 1 : i32
    %while3A_67:8 = scf.for %while3A_1864 = %select_n3A_58 to %while3A_65 step %while3A_66 iter_args(%while3A_1865 = %broadcast_in_dim3A_6, %while3A_1866 = %broadcast_in_dim3A_6, %while3A_1867 = %broadcast_in_dim3A_6, %while3A_1868 = %broadcast_in_dim3A_6, %while3A_1869 = %broadcast_in_dim3A_6, %while3A_1870 = %broadcast_in_dim3A_6, %while3A_1871 = %broadcast_in_dim3A_6, %while3A_1872 = %broadcast_in_dim3A_6) -> (vector<16xi32>, vector<16xi32>, vector<16xi32>, vector<16xi32>, vector<16xi32>, vector<16xi32>, vector<16xi32>, vector<16xi32>)  : i32 {
      %mul3A_1873 = arith.constant 16 : i32
      %mul3A_1874 = arith.muli %while3A_1864, %mul3A_1873 : i32
      %get3A_1875 = arith.index_cast %mul3A_1874 : i32 to index
      %get3A_1876 = tpu.vector_load %arg7[%get3A_1875] {strides = array<i32>} : memref<4096xi32, #tpu.memory_space<vmem>>, vector<16xi32>,
      %eq3A_1877 = arith.constant 0 : i32
      %eq3A_1878 = vector.broadcast %eq3A_1877 : i32 to vector<16xi32>
      %eq3A_1879 = arith.cmpi eq, %get3A_1876, %eq3A_1878 : vector<16xi32>
      %select_n3A_1880 = arith.select %eq3A_1879, %broadcast_in_dim3A_8, %broadcast_in_dim3A_6 : vector<16xi1>, vector<16xi32>
      %add3A_1881 = arith.addi %while3A_1865, %select_n3A_1880 : vector<16xi32>
      %eq3A_1882 = arith.constant 1 : i32
      %eq3A_1883 = vector.broadcast %eq3A_1882 : i32 to vector<16xi32>
      %eq3A_1884 = arith.cmpi eq, %get3A_1876, %eq3A_1883 : vector<16xi32>
      %select_n3A_1885 = arith.select %eq3A_1884, %broadcast_in_dim3A_8, %broadcast_in_dim3A_6 : vector<16xi1>, vector<16xi32>
      %add3A_1886 = arith.addi %while3A_1866, %select_n3A_1885 : vector<16xi32>
      %eq3A_1887 = arith.constant 2 : i32
      %eq3A_1888 = vector.broadcast %eq3A_1887 : i32 to vector<16xi32>
      %eq3A_1889 = arith.cmpi eq, %get3A_1876, %eq3A_1888 : vector<16xi32>
      %select_n3A_1890 = arith.select %eq3A_1889, %broadcast_in_dim3A_8, %broadcast_in_dim3A_6 : vector<16xi1>, vector<16xi32>
      %add3A_1891 = arith.addi %while3A_1867, %select_n3A_1890 : vector<16xi32>
      %eq3A_1892 = arith.constant 3 : i32
      %eq3A_1893 = vector.broadcast %eq3A_1892 : i32 to vector<16xi32>
      %eq3A_1894 = arith.cmpi eq, %get3A_1876, %eq3A_1893 : vector<16xi32>
      %select_n3A_1895 = arith.select %eq3A_1894, %broadcast_in_dim3A_8, %broadcast_in_dim3A_6 : vector<16xi1>, vector<16xi32>
      %add3A_1896 = arith.addi %while3A_1868, %select_n3A_1895 : vector<16xi32>
      %eq3A_1897 = arith.constant 4 : i32
      %eq3A_1898 = vector.broadcast %eq3A_1897 : i32 to vector<16xi32>
      %eq3A_1899 = arith.cmpi eq, %get3A_1876, %eq3A_1898 : vector<16xi32>
      %select_n3A_1900 = arith.select %eq3A_1899, %broadcast_in_dim3A_8, %broadcast_in_dim3A_6 : vector<16xi1>, vector<16xi32>
      %add3A_1901 = arith.addi %while3A_1869, %select_n3A_1900 : vector<16xi32>
      %eq3A_1902 = arith.constant 5 : i32
      %eq3A_1903 = vector.broadcast %eq3A_1902 : i32 to vector<16xi32>
      %eq3A_1904 = arith.cmpi eq, %get3A_1876, %eq3A_1903 : vector<16xi32>
      %select_n3A_1905 = arith.select %eq3A_1904, %broadcast_in_dim3A_8, %broadcast_in_dim3A_6 : vector<16xi1>, vector<16xi32>
      %add3A_1906 = arith.addi %while3A_1870, %select_n3A_1905 : vector<16xi32>
      %eq3A_1907 = arith.constant 6 : i32
      %eq3A_1908 = vector.broadcast %eq3A_1907 : i32 to vector<16xi32>
      %eq3A_1909 = arith.cmpi eq, %get3A_1876, %eq3A_1908 : vector<16xi32>
      %select_n3A_1910 = arith.select %eq3A_1909, %broadcast_in_dim3A_8, %broadcast_in_dim3A_6 : vector<16xi1>, vector<16xi32>
      %add3A_1911 = arith.addi %while3A_1871, %select_n3A_1910 : vector<16xi32>
      %eq3A_1912 = arith.constant 7 : i32
      %eq3A_1913 = vector.broadcast %eq3A_1912 : i32 to vector<16xi32>
      %eq3A_1914 = arith.cmpi eq, %get3A_1876, %eq3A_1913 : vector<16xi32>
      %select_n3A_1915 = arith.select %eq3A_1914, %broadcast_in_dim3A_8, %broadcast_in_dim3A_6 : vector<16xi1>, vector<16xi32>
      %add3A_1916 = arith.addi %while3A_1872, %select_n3A_1915 : vector<16xi32>
      scf.yield %add3A_1881, %add3A_1886, %add3A_1891, %add3A_1896, %add3A_1901, %add3A_1906, %add3A_1911, %add3A_1916 : vector<16xi32>, vector<16xi32>, vector<16xi32>, vector<16xi32>, vector<16xi32>, vector<16xi32>, vector<16xi32>, vector<16xi32>
    }
    %while3A_68 = arith.constant 1 : i32
    %while3A_69:8 = scf.for %while3A_1864 = %while3A_65 to %while3A_61 step %while3A_68 iter_args(%while3A_1865 = %while3A_67#0, %while3A_1866 = %while3A_67#1, %while3A_1867 = %while3A_67#2, %while3A_1868 = %while3A_67#3, %while3A_1869 = %while3A_67#4, %while3A_1870 = %while3A_67#5, %while3A_1871 = %while3A_67#6, %while3A_1872 = %while3A_67#7) -> (vector<16xi32>, vector<16xi32>, vector<16xi32>, vector<16xi32>, vector<16xi32>, vector<16xi32>, vector<16xi32>, vector<16xi32>)  : i32 {
      %mul3A_1873 = arith.constant 16 : i32
      %mul3A_1874 = arith.muli %while3A_1864, %mul3A_1873 : i32
      %get3A_1875 = arith.index_cast %mul3A_1874 : i32 to index
      %get3A_1876 = tpu.vector_load %arg7[%get3A_1875] {strides = array<i32>} : memref<4096xi32, #tpu.memory_space<vmem>>, vector<16xi32>,
      %eq3A_1877 = arith.constant 0 : i32
      %eq3A_1878 = vector.broadcast %eq3A_1877 : i32 to vector<16xi32>
      %eq3A_1879 = arith.cmpi eq, %get3A_1876, %eq3A_1878 : vector<16xi32>
      %select_n3A_1880 = arith.select %eq3A_1879, %broadcast_in_dim3A_8, %broadcast_in_dim3A_6 : vector<16xi1>, vector<16xi32>
      %add3A_1881 = arith.addi %while3A_1865, %select_n3A_1880 : vector<16xi32>
      %eq3A_1882 = arith.constant 1 : i32
      %eq3A_1883 = vector.broadcast %eq3A_1882 : i32 to vector<16xi32>
      %eq3A_1884 = arith.cmpi eq, %get3A_1876, %eq3A_1883 : vector<16xi32>
      %select_n3A_1885 = arith.select %eq3A_1884, %broadcast_in_dim3A_8, %broadcast_in_dim3A_6 : vector<16xi1>, vector<16xi32>
      %add3A_1886 = arith.addi %while3A_1866, %select_n3A_1885 : vector<16xi32>
      %eq3A_1887 = arith.constant 2 : i32
      %eq3A_1888 = vector.broadcast %eq3A_1887 : i32 to vector<16xi32>
      %eq3A_1889 = arith.cmpi eq, %get3A_1876, %eq3A_1888 : vector<16xi32>
      %select_n3A_1890 = arith.select %eq3A_1889, %broadcast_in_dim3A_8, %broadcast_in_dim3A_6 : vector<16xi1>, vector<16xi32>
      %add3A_1891 = arith.addi %while3A_1867, %select_n3A_1890 : vector<16xi32>
      %eq3A_1892 = arith.constant 3 : i32
      %eq3A_1893 = vector.broadcast %eq3A_1892 : i32 to vector<16xi32>
      %eq3A_1894 = arith.cmpi eq, %get3A_1876, %eq3A_1893 : vector<16xi32>
      %select_n3A_1895 = arith.select %eq3A_1894, %broadcast_in_dim3A_8, %broadcast_in_dim3A_6 : vector<16xi1>, vector<16xi32>
      %add3A_1896 = arith.addi %while3A_1868, %select_n3A_1895 : vector<16xi32>
      %eq3A_1897 = arith.constant 4 : i32
      %eq3A_1898 = vector.broadcast %eq3A_1897 : i32 to vector<16xi32>
      %eq3A_1899 = arith.cmpi eq, %get3A_1876, %eq3A_1898 : vector<16xi32>
      %select_n3A_1900 = arith.select %eq3A_1899, %broadcast_in_dim3A_8, %broadcast_in_dim3A_6 : vector<16xi1>, vector<16xi32>
      %add3A_1901 = arith.addi %while3A_1869, %select_n3A_1900 : vector<16xi32>
      %eq3A_1902 = arith.constant 5 : i32
      %eq3A_1903 = vector.broadcast %eq3A_1902 : i32 to vector<16xi32>
      %eq3A_1904 = arith.cmpi eq, %get3A_1876, %eq3A_1903 : vector<16xi32>
      %select_n3A_1905 = arith.select %eq3A_1904, %broadcast_in_dim3A_8, %broadcast_in_dim3A_6 : vector<16xi1>, vector<16xi32>
      %add3A_1906 = arith.addi %while3A_1870, %select_n3A_1905 : vector<16xi32>
      %eq3A_1907 = arith.constant 6 : i32
      %eq3A_1908 = vector.broadcast %eq3A_1907 : i32 to vector<16xi32>
      %eq3A_1909 = arith.cmpi eq, %get3A_1876, %eq3A_1908 : vector<16xi32>
      %select_n3A_1910 = arith.select %eq3A_1909, %broadcast_in_dim3A_8, %broadcast_in_dim3A_6 : vector<16xi1>, vector<16xi32>
      %add3A_1911 = arith.addi %while3A_1871, %select_n3A_1910 : vector<16xi32>
      %eq3A_1912 = arith.constant 7 : i32
      %eq3A_1913 = vector.broadcast %eq3A_1912 : i32 to vector<16xi32>
      %eq3A_1914 = arith.cmpi eq, %get3A_1876, %eq3A_1913 : vector<16xi32>
      %select_n3A_1915 = arith.select %eq3A_1914, %broadcast_in_dim3A_8, %broadcast_in_dim3A_6 : vector<16xi1>, vector<16xi32>
      %add3A_1916 = arith.addi %while3A_1872, %select_n3A_1915 : vector<16xi32>
      scf.yield %add3A_1881, %add3A_1886, %add3A_1891, %add3A_1896, %add3A_1901, %add3A_1906, %add3A_1911, %add3A_1916 : vector<16xi32>, vector<16xi32>, vector<16xi32>, vector<16xi32>, vector<16xi32>, vector<16xi32>, vector<16xi32>, vector<16xi32>
    }
    %reduce_sum3A = arith.constant true
    %reduce_sum3A_70 = vector.broadcast %reduce_sum3A : i1 to vector<16xi1>
    %reduce_sum3A_71 = tpu.scan <sum>, %while3A_34#0 masked %reduce_sum3A_70 : vector<16xi32>, vector<16xi1> -> vector<16xi32>
    %reduce_sum3A_72 = vector.extract %reduce_sum3A_71[15] : i32 from vector<16xi32>
    %reduce_sum3A_73 = arith.constant true
    %reduce_sum3A_74 = vector.broadcast %reduce_sum3A_73 : i1 to vector<16xi1>
    %reduce_sum3A_75 = tpu.scan <sum>, %while3A_34#1 masked %reduce_sum3A_74 : vector<16xi32>, vector<16xi1> -> vector<16xi32>
    %reduce_sum3A_76 = vector.extract %reduce_sum3A_75[15] : i32 from vector<16xi32>
    %reduce_sum3A_77 = arith.constant true
    %reduce_sum3A_78 = vector.broadcast %reduce_sum3A_77 : i1 to vector<16xi1>
    %reduce_sum3A_79 = tpu.scan <sum>, %while3A_34#2 masked %reduce_sum3A_78 : vector<16xi32>, vector<16xi1> -> vector<16xi32>
    %reduce_sum3A_80 = vector.extract %reduce_sum3A_79[15] : i32 from vector<16xi32>
    %reduce_sum3A_81 = arith.constant true
    %reduce_sum3A_82 = vector.broadcast %reduce_sum3A_81 : i1 to vector<16xi1>
    %reduce_sum3A_83 = tpu.scan <sum>, %while3A_34#3 masked %reduce_sum3A_82 : vector<16xi32>, vector<16xi1> -> vector<16xi32>
    %reduce_sum3A_84 = vector.extract %reduce_sum3A_83[15] : i32 from vector<16xi32>
    %reduce_sum3A_85 = arith.constant true
    %reduce_sum3A_86 = vector.broadcast %reduce_sum3A_85 : i1 to vector<16xi1>
    %reduce_sum3A_87 = tpu.scan <sum>, %while3A_34#4 masked %reduce_sum3A_86 : vector<16xi32>, vector<16xi1> -> vector<16xi32>
    %reduce_sum3A_88 = vector.extract %reduce_sum3A_87[15] : i32 from vector<16xi32>
    %reduce_sum3A_89 = arith.constant true
    %reduce_sum3A_90 = vector.broadcast %reduce_sum3A_89 : i1 to vector<16xi1>
    %reduce_sum3A_91 = tpu.scan <sum>, %while3A_34#5 masked %reduce_sum3A_90 : vector<16xi32>, vector<16xi1> -> vector<16xi32>
    %reduce_sum3A_92 = vector.extract %reduce_sum3A_91[15] : i32 from vector<16xi32>
    %reduce_sum3A_93 = arith.constant true
    %reduce_sum3A_94 = vector.broadcast %reduce_sum3A_93 : i1 to vector<16xi1>
    %reduce_sum3A_95 = tpu.scan <sum>, %while3A_34#6 masked %reduce_sum3A_94 : vector<16xi32>, vector<16xi1> -> vector<16xi32>
    %reduce_sum3A_96 = vector.extract %reduce_sum3A_95[15] : i32 from vector<16xi32>
    %reduce_sum3A_97 = arith.constant true
    %reduce_sum3A_98 = vector.broadcast %reduce_sum3A_97 : i1 to vector<16xi1>
    %reduce_sum3A_99 = tpu.scan <sum>, %while3A_34#7 masked %reduce_sum3A_98 : vector<16xi32>, vector<16xi1> -> vector<16xi32>
    %reduce_sum3A_100 = vector.extract %reduce_sum3A_99[15] : i32 from vector<16xi32>
    %reduce_sum3A_101 = arith.constant true
    %reduce_sum3A_102 = vector.broadcast %reduce_sum3A_101 : i1 to vector<16xi1>
    %reduce_sum3A_103 = tpu.scan <sum>, %while3A_69#0 masked %reduce_sum3A_102 : vector<16xi32>, vector<16xi1> -> vector<16xi32>
    %reduce_sum3A_104 = vector.extract %reduce_sum3A_103[15] : i32 from vector<16xi32>
    %add3A_105 = arith.addi %reduce_sum3A_72, %reduce_sum3A_104 : i32
    %reduce_sum3A_106 = arith.constant true
    %reduce_sum3A_107 = vector.broadcast %reduce_sum3A_106 : i1 to vector<16xi1>
    %reduce_sum3A_108 = tpu.scan <sum>, %while3A_69#1 masked %reduce_sum3A_107 : vector<16xi32>, vector<16xi1> -> vector<16xi32>
    %reduce_sum3A_109 = vector.extract %reduce_sum3A_108[15] : i32 from vector<16xi32>
    %add3A_110 = arith.addi %reduce_sum3A_76, %reduce_sum3A_109 : i32
    %reduce_sum3A_111 = arith.constant true
    %reduce_sum3A_112 = vector.broadcast %reduce_sum3A_111 : i1 to vector<16xi1>
    %reduce_sum3A_113 = tpu.scan <sum>, %while3A_69#2 masked %reduce_sum3A_112 : vector<16xi32>, vector<16xi1> -> vector<16xi32>
    %reduce_sum3A_114 = vector.extract %reduce_sum3A_113[15] : i32 from vector<16xi32>
    %add3A_115 = arith.addi %reduce_sum3A_80, %reduce_sum3A_114 : i32
    %reduce_sum3A_116 = arith.constant true
    %reduce_sum3A_117 = vector.broadcast %reduce_sum3A_116 : i1 to vector<16xi1>
    %reduce_sum3A_118 = tpu.scan <sum>, %while3A_69#3 masked %reduce_sum3A_117 : vector<16xi32>, vector<16xi1> -> vector<16xi32>
    %reduce_sum3A_119 = vector.extract %reduce_sum3A_118[15] : i32 from vector<16xi32>
    %add3A_120 = arith.addi %reduce_sum3A_84, %reduce_sum3A_119 : i32
    %reduce_sum3A_121 = arith.constant true
    %reduce_sum3A_122 = vector.broadcast %reduce_sum3A_121 : i1 to vector<16xi1>
    %reduce_sum3A_123 = tpu.scan <sum>, %while3A_69#4 masked %reduce_sum3A_122 : vector<16xi32>, vector<16xi1> -> vector<16xi32>
    %reduce_sum3A_124 = vector.extract %reduce_sum3A_123[15] : i32 from vector<16xi32>
    %add3A_125 = arith.addi %reduce_sum3A_88, %reduce_sum3A_124 : i32
    %reduce_sum3A_126 = arith.constant true
    %reduce_sum3A_127 = vector.broadcast %reduce_sum3A_126 : i1 to vector<16xi1>
    %reduce_sum3A_128 = tpu.scan <sum>, %while3A_69#5 masked %reduce_sum3A_127 : vector<16xi32>, vector<16xi1> -> vector<16xi32>
    %reduce_sum3A_129 = vector.extract %reduce_sum3A_128[15] : i32 from vector<16xi32>
    %add3A_130 = arith.addi %reduce_sum3A_92, %reduce_sum3A_129 : i32
    %reduce_sum3A_131 = arith.constant true
    %reduce_sum3A_132 = vector.broadcast %reduce_sum3A_131 : i1 to vector<16xi1>
    %reduce_sum3A_133 = tpu.scan <sum>, %while3A_69#6 masked %reduce_sum3A_132 : vector<16xi32>, vector<16xi1> -> vector<16xi32>
    %reduce_sum3A_134 = vector.extract %reduce_sum3A_133[15] : i32 from vector<16xi32>
    %add3A_135 = arith.addi %reduce_sum3A_96, %reduce_sum3A_134 : i32
    %reduce_sum3A_136 = arith.constant true
    %reduce_sum3A_137 = vector.broadcast %reduce_sum3A_136 : i1 to vector<16xi1>
    %reduce_sum3A_138 = tpu.scan <sum>, %while3A_69#7 masked %reduce_sum3A_137 : vector<16xi32>, vector<16xi1> -> vector<16xi32>
    %reduce_sum3A_139 = vector.extract %reduce_sum3A_138[15] : i32 from vector<16xi32>
    %add3A_140 = arith.addi %reduce_sum3A_100, %reduce_sum3A_139 : i32
    %add3A_141 = arith.constant 511 : i32
    %add3A_142 = arith.addi %add3A_105, %add3A_141 : i32
    %jit3A_143 = arith.constant 512 : i32
    %div3A_144 = arith.divsi %add3A_142, %jit3A_143 : i32
    %sign3A_145 = arith.constant 0 : i32
    %sign3A_146 = arith.cmpi sgt, %add3A_142, %sign3A_145 : i32
    %sign3A_147 = arith.extui %sign3A_146 : i1 to i32
    %sign3A_148 = arith.constant 0 : i32
    %sign3A_149 = arith.cmpi slt, %add3A_142, %sign3A_148 : i32
    %sign3A_150 = arith.extui %sign3A_149 : i1 to i32
    %sign3A_151 = arith.subi %sign3A_147, %sign3A_150 : i32
    %sign3A_152 = arith.constant 0 : i32
    %sign3A_153 = arith.cmpi sgt, %jit3A_143, %sign3A_152 : i32
    %sign3A_154 = arith.extui %sign3A_153 : i1 to i32
    %sign3A_155 = arith.constant 0 : i32
    %sign3A_156 = arith.cmpi slt, %jit3A_143, %sign3A_155 : i32
    %sign3A_157 = arith.extui %sign3A_156 : i1 to i32
    %sign3A_158 = arith.subi %sign3A_154, %sign3A_157 : i32
    %ne3A_159 = arith.cmpi ne, %sign3A_151, %sign3A_158 : i32
    %rem3A_160 = arith.remsi %add3A_142, %jit3A_143 : i32
    %ne3A_161 = arith.constant 0 : i32
    %ne3A_162 = arith.cmpi ne, %rem3A_160, %ne3A_161 : i32
    %and3A_163 = arith.andi %ne3A_159, %ne3A_162 : i1
    %sub3A_164 = arith.constant 1 : i32
    %sub3A_165 = arith.subi %div3A_144, %sub3A_164 : i32
    %select_n3A_166 = arith.select %and3A_163, %sub3A_165, %div3A_144 : i32
    %mul3A_167 = arith.constant 512 : i32
    %mul3A_168 = arith.muli %select_n3A_166, %mul3A_167 : i32
    %add3A_169 = arith.constant 0 : i32
    %add3A_170 = arith.addi %add3A_169, %mul3A_168 : i32
    %add3A_171 = arith.constant 511 : i32
    %add3A_172 = arith.addi %add3A_110, %add3A_171 : i32
    %jit3A_173 = arith.constant 512 : i32
    %div3A_174 = arith.divsi %add3A_172, %jit3A_173 : i32
    %sign3A_175 = arith.constant 0 : i32
    %sign3A_176 = arith.cmpi sgt, %add3A_172, %sign3A_175 : i32
    %sign3A_177 = arith.extui %sign3A_176 : i1 to i32
    %sign3A_178 = arith.constant 0 : i32
    %sign3A_179 = arith.cmpi slt, %add3A_172, %sign3A_178 : i32
    %sign3A_180 = arith.extui %sign3A_179 : i1 to i32
    %sign3A_181 = arith.subi %sign3A_177, %sign3A_180 : i32
    %sign3A_182 = arith.constant 0 : i32
    %sign3A_183 = arith.cmpi sgt, %jit3A_173, %sign3A_182 : i32
    %sign3A_184 = arith.extui %sign3A_183 : i1 to i32
    %sign3A_185 = arith.constant 0 : i32
    %sign3A_186 = arith.cmpi slt, %jit3A_173, %sign3A_185 : i32
    %sign3A_187 = arith.extui %sign3A_186 : i1 to i32
    %sign3A_188 = arith.subi %sign3A_184, %sign3A_187 : i32
    %ne3A_189 = arith.cmpi ne, %sign3A_181, %sign3A_188 : i32
    %rem3A_190 = arith.remsi %add3A_172, %jit3A_173 : i32
    %ne3A_191 = arith.constant 0 : i32
    %ne3A_192 = arith.cmpi ne, %rem3A_190, %ne3A_191 : i32
    %and3A_193 = arith.andi %ne3A_189, %ne3A_192 : i1
    %sub3A_194 = arith.constant 1 : i32
    %sub3A_195 = arith.subi %div3A_174, %sub3A_194 : i32
    %select_n3A_196 = arith.select %and3A_193, %sub3A_195, %div3A_174 : i32
    %mul3A_197 = arith.constant 512 : i32
    %mul3A_198 = arith.muli %select_n3A_196, %mul3A_197 : i32
    %add3A_199 = arith.addi %add3A_170, %mul3A_198 : i32
    %add3A_200 = arith.constant 511 : i32
    %add3A_201 = arith.addi %add3A_115, %add3A_200 : i32
    %jit3A_202 = arith.constant 512 : i32
    %div3A_203 = arith.divsi %add3A_201, %jit3A_202 : i32
    %sign3A_204 = arith.constant 0 : i32
    %sign3A_205 = arith.cmpi sgt, %add3A_201, %sign3A_204 : i32
    %sign3A_206 = arith.extui %sign3A_205 : i1 to i32
    %sign3A_207 = arith.constant 0 : i32
    %sign3A_208 = arith.cmpi slt, %add3A_201, %sign3A_207 : i32
    %sign3A_209 = arith.extui %sign3A_208 : i1 to i32
    %sign3A_210 = arith.subi %sign3A_206, %sign3A_209 : i32
    %sign3A_211 = arith.constant 0 : i32
    %sign3A_212 = arith.cmpi sgt, %jit3A_202, %sign3A_211 : i32
    %sign3A_213 = arith.extui %sign3A_212 : i1 to i32
    %sign3A_214 = arith.constant 0 : i32
    %sign3A_215 = arith.cmpi slt, %jit3A_202, %sign3A_214 : i32
    %sign3A_216 = arith.extui %sign3A_215 : i1 to i32
    %sign3A_217 = arith.subi %sign3A_213, %sign3A_216 : i32
    %ne3A_218 = arith.cmpi ne, %sign3A_210, %sign3A_217 : i32
    %rem3A_219 = arith.remsi %add3A_201, %jit3A_202 : i32
    %ne3A_220 = arith.constant 0 : i32
    %ne3A_221 = arith.cmpi ne, %rem3A_219, %ne3A_220 : i32
    %and3A_222 = arith.andi %ne3A_218, %ne3A_221 : i1
    %sub3A_223 = arith.constant 1 : i32
    %sub3A_224 = arith.subi %div3A_203, %sub3A_223 : i32
    %select_n3A_225 = arith.select %and3A_222, %sub3A_224, %div3A_203 : i32
    %mul3A_226 = arith.constant 512 : i32
    %mul3A_227 = arith.muli %select_n3A_225, %mul3A_226 : i32
    %add3A_228 = arith.addi %add3A_199, %mul3A_227 : i32
    %add3A_229 = arith.constant 511 : i32
    %add3A_230 = arith.addi %add3A_120, %add3A_229 : i32
    %jit3A_231 = arith.constant 512 : i32
    %div3A_232 = arith.divsi %add3A_230, %jit3A_231 : i32
    %sign3A_233 = arith.constant 0 : i32
    %sign3A_234 = arith.cmpi sgt, %add3A_230, %sign3A_233 : i32
    %sign3A_235 = arith.extui %sign3A_234 : i1 to i32
    %sign3A_236 = arith.constant 0 : i32
    %sign3A_237 = arith.cmpi slt, %add3A_230, %sign3A_236 : i32
    %sign3A_238 = arith.extui %sign3A_237 : i1 to i32
    %sign3A_239 = arith.subi %sign3A_235, %sign3A_238 : i32
    %sign3A_240 = arith.constant 0 : i32
    %sign3A_241 = arith.cmpi sgt, %jit3A_231, %sign3A_240 : i32
    %sign3A_242 = arith.extui %sign3A_241 : i1 to i32
    %sign3A_243 = arith.constant 0 : i32
    %sign3A_244 = arith.cmpi slt, %jit3A_231, %sign3A_243 : i32
    %sign3A_245 = arith.extui %sign3A_244 : i1 to i32
    %sign3A_246 = arith.subi %sign3A_242, %sign3A_245 : i32
    %ne3A_247 = arith.cmpi ne, %sign3A_239, %sign3A_246 : i32
    %rem3A_248 = arith.remsi %add3A_230, %jit3A_231 : i32
    %ne3A_249 = arith.constant 0 : i32
    %ne3A_250 = arith.cmpi ne, %rem3A_248, %ne3A_249 : i32
    %and3A_251 = arith.andi %ne3A_247, %ne3A_250 : i1
    %sub3A_252 = arith.constant 1 : i32
    %sub3A_253 = arith.subi %div3A_232, %sub3A_252 : i32
    %select_n3A_254 = arith.select %and3A_251, %sub3A_253, %div3A_232 : i32
    %mul3A_255 = arith.constant 512 : i32
    %mul3A_256 = arith.muli %select_n3A_254, %mul3A_255 : i32
    %add3A_257 = arith.addi %add3A_228, %mul3A_256 : i32
    %add3A_258 = arith.constant 511 : i32
    %add3A_259 = arith.addi %add3A_125, %add3A_258 : i32
    %jit3A_260 = arith.constant 512 : i32
    %div3A_261 = arith.divsi %add3A_259, %jit3A_260 : i32
    %sign3A_262 = arith.constant 0 : i32
    %sign3A_263 = arith.cmpi sgt, %add3A_259, %sign3A_262 : i32
    %sign3A_264 = arith.extui %sign3A_263 : i1 to i32
    %sign3A_265 = arith.constant 0 : i32
    %sign3A_266 = arith.cmpi slt, %add3A_259, %sign3A_265 : i32
    %sign3A_267 = arith.extui %sign3A_266 : i1 to i32
    %sign3A_268 = arith.subi %sign3A_264, %sign3A_267 : i32
    %sign3A_269 = arith.constant 0 : i32
    %sign3A_270 = arith.cmpi sgt, %jit3A_260, %sign3A_269 : i32
    %sign3A_271 = arith.extui %sign3A_270 : i1 to i32
    %sign3A_272 = arith.constant 0 : i32
    %sign3A_273 = arith.cmpi slt, %jit3A_260, %sign3A_272 : i32
    %sign3A_274 = arith.extui %sign3A_273 : i1 to i32
    %sign3A_275 = arith.subi %sign3A_271, %sign3A_274 : i32
    %ne3A_276 = arith.cmpi ne, %sign3A_268, %sign3A_275 : i32
    %rem3A_277 = arith.remsi %add3A_259, %jit3A_260 : i32
    %ne3A_278 = arith.constant 0 : i32
    %ne3A_279 = arith.cmpi ne, %rem3A_277, %ne3A_278 : i32
    %and3A_280 = arith.andi %ne3A_276, %ne3A_279 : i1
    %sub3A_281 = arith.constant 1 : i32
    %sub3A_282 = arith.subi %div3A_261, %sub3A_281 : i32
    %select_n3A_283 = arith.select %and3A_280, %sub3A_282, %div3A_261 : i32
    %mul3A_284 = arith.constant 512 : i32
    %mul3A_285 = arith.muli %select_n3A_283, %mul3A_284 : i32
    %add3A_286 = arith.addi %add3A_257, %mul3A_285 : i32
    %add3A_287 = arith.constant 511 : i32
    %add3A_288 = arith.addi %add3A_130, %add3A_287 : i32
    %jit3A_289 = arith.constant 512 : i32
    %div3A_290 = arith.divsi %add3A_288, %jit3A_289 : i32
    %sign3A_291 = arith.constant 0 : i32
    %sign3A_292 = arith.cmpi sgt, %add3A_288, %sign3A_291 : i32
    %sign3A_293 = arith.extui %sign3A_292 : i1 to i32
    %sign3A_294 = arith.constant 0 : i32
    %sign3A_295 = arith.cmpi slt, %add3A_288, %sign3A_294 : i32
    %sign3A_296 = arith.extui %sign3A_295 : i1 to i32
    %sign3A_297 = arith.subi %sign3A_293, %sign3A_296 : i32
    %sign3A_298 = arith.constant 0 : i32
    %sign3A_299 = arith.cmpi sgt, %jit3A_289, %sign3A_298 : i32
    %sign3A_300 = arith.extui %sign3A_299 : i1 to i32
    %sign3A_301 = arith.constant 0 : i32
    %sign3A_302 = arith.cmpi slt, %jit3A_289, %sign3A_301 : i32
    %sign3A_303 = arith.extui %sign3A_302 : i1 to i32
    %sign3A_304 = arith.subi %sign3A_300, %sign3A_303 : i32
    %ne3A_305 = arith.cmpi ne, %sign3A_297, %sign3A_304 : i32
    %rem3A_306 = arith.remsi %add3A_288, %jit3A_289 : i32
    %ne3A_307 = arith.constant 0 : i32
    %ne3A_308 = arith.cmpi ne, %rem3A_306, %ne3A_307 : i32
    %and3A_309 = arith.andi %ne3A_305, %ne3A_308 : i1
    %sub3A_310 = arith.constant 1 : i32
    %sub3A_311 = arith.subi %div3A_290, %sub3A_310 : i32
    %select_n3A_312 = arith.select %and3A_309, %sub3A_311, %div3A_290 : i32
    %mul3A_313 = arith.constant 512 : i32
    %mul3A_314 = arith.muli %select_n3A_312, %mul3A_313 : i32
    %add3A_315 = arith.addi %add3A_286, %mul3A_314 : i32
    %add3A_316 = arith.constant 511 : i32
    %add3A_317 = arith.addi %add3A_135, %add3A_316 : i32
    %jit3A_318 = arith.constant 512 : i32
    %div3A_319 = arith.divsi %add3A_317, %jit3A_318 : i32
    %sign3A_320 = arith.constant 0 : i32
    %sign3A_321 = arith.cmpi sgt, %add3A_317, %sign3A_320 : i32
    %sign3A_322 = arith.extui %sign3A_321 : i1 to i32
    %sign3A_323 = arith.constant 0 : i32
    %sign3A_324 = arith.cmpi slt, %add3A_317, %sign3A_323 : i32
    %sign3A_325 = arith.extui %sign3A_324 : i1 to i32
    %sign3A_326 = arith.subi %sign3A_322, %sign3A_325 : i32
    %sign3A_327 = arith.constant 0 : i32
    %sign3A_328 = arith.cmpi sgt, %jit3A_318, %sign3A_327 : i32
    %sign3A_329 = arith.extui %sign3A_328 : i1 to i32
    %sign3A_330 = arith.constant 0 : i32
    %sign3A_331 = arith.cmpi slt, %jit3A_318, %sign3A_330 : i32
    %sign3A_332 = arith.extui %sign3A_331 : i1 to i32
    %sign3A_333 = arith.subi %sign3A_329, %sign3A_332 : i32
    %ne3A_334 = arith.cmpi ne, %sign3A_326, %sign3A_333 : i32
    %rem3A_335 = arith.remsi %add3A_317, %jit3A_318 : i32
    %ne3A_336 = arith.constant 0 : i32
    %ne3A_337 = arith.cmpi ne, %rem3A_335, %ne3A_336 : i32
    %and3A_338 = arith.andi %ne3A_334, %ne3A_337 : i1
    %sub3A_339 = arith.constant 1 : i32
    %sub3A_340 = arith.subi %div3A_319, %sub3A_339 : i32
    %select_n3A_341 = arith.select %and3A_338, %sub3A_340, %div3A_319 : i32
    %mul3A_342 = arith.constant 512 : i32
    %mul3A_343 = arith.muli %select_n3A_341, %mul3A_342 : i32
    %add3A_344 = arith.addi %add3A_315, %mul3A_343 : i32
    %add3A_345 = arith.constant 511 : i32
    %add3A_346 = arith.addi %add3A_140, %add3A_345 : i32
    %jit3A_347 = arith.constant 512 : i32
    %div3A_348 = arith.divsi %add3A_346, %jit3A_347 : i32
    %sign3A_349 = arith.constant 0 : i32
    %sign3A_350 = arith.cmpi sgt, %add3A_346, %sign3A_349 : i32
    %sign3A_351 = arith.extui %sign3A_350 : i1 to i32
    %sign3A_352 = arith.constant 0 : i32
    %sign3A_353 = arith.cmpi slt, %add3A_346, %sign3A_352 : i32
    %sign3A_354 = arith.extui %sign3A_353 : i1 to i32
    %sign3A_355 = arith.subi %sign3A_351, %sign3A_354 : i32
    %sign3A_356 = arith.constant 0 : i32
    %sign3A_357 = arith.cmpi sgt, %jit3A_347, %sign3A_356 : i32
    %sign3A_358 = arith.extui %sign3A_357 : i1 to i32
    %sign3A_359 = arith.constant 0 : i32
    %sign3A_360 = arith.cmpi slt, %jit3A_347, %sign3A_359 : i32
    %sign3A_361 = arith.extui %sign3A_360 : i1 to i32
    %sign3A_362 = arith.subi %sign3A_358, %sign3A_361 : i32
    %ne3A_363 = arith.cmpi ne, %sign3A_355, %sign3A_362 : i32
    %rem3A_364 = arith.remsi %add3A_346, %jit3A_347 : i32
    %ne3A_365 = arith.constant 0 : i32
    %ne3A_366 = arith.cmpi ne, %rem3A_364, %ne3A_365 : i32
    %and3A_367 = arith.andi %ne3A_363, %ne3A_366 : i1
    %sub3A_368 = arith.constant 1 : i32
    %sub3A_369 = arith.subi %div3A_348, %sub3A_368 : i32
    %select_n3A_370 = arith.select %and3A_367, %sub3A_369, %div3A_348 : i32
    %mul3A_371 = arith.constant 512 : i32
    %mul3A_372 = arith.muli %select_n3A_370, %mul3A_371 : i32
    %add3A_373 = arith.addi %add3A_344, %mul3A_372 : i32
    %add3A_374 = arith.constant 0 : i32
    %add3A_375 = arith.addi %add3A_374, %reduce_sum3A_72 : i32
    %add3A_376 = arith.addi %add3A_170, %reduce_sum3A_76 : i32
    %add3A_377 = arith.addi %add3A_199, %reduce_sum3A_80 : i32
    %add3A_378 = arith.addi %add3A_228, %reduce_sum3A_84 : i32
    %add3A_379 = arith.addi %add3A_257, %reduce_sum3A_88 : i32
    %add3A_380 = arith.addi %add3A_286, %reduce_sum3A_92 : i32
    %add3A_381 = arith.addi %add3A_315, %reduce_sum3A_96 : i32
    %add3A_382 = arith.addi %add3A_344, %reduce_sum3A_100 : i32
    %add3A_383 = arith.constant 0 : i32
    %add3A_384 = arith.addi %mul3A_2, %add3A_383 : i32
    %get3A = arith.index_cast %add3A_384 : i32 to index
    %get3A_385 = tpu.vector_load %arg7[%get3A] {strides = array<i32>} : memref<4096xi32, #tpu.memory_space<vmem>>, vector<16xi32>,
    %broadcast_in_dim3A_386 = arith.constant 0 : i32
    %broadcast_in_dim3A_387 = vector.broadcast %broadcast_in_dim3A_386 : i32 to vector<16xi32>
    %eq3A = arith.constant 0 : i32
    %eq3A_388 = vector.broadcast %eq3A : i32 to vector<16xi32>
    %eq3A_389 = arith.cmpi eq, %get3A_385, %eq3A_388 : vector<16xi32>
    %jit3A_390 = arith.constant 1 : i32
    %jit3A_391 = arith.constant 0 : i32
    %broadcast_in_dim3A_392 = vector.broadcast %jit3A_390 : i32 to vector<16xi32>
    %broadcast_in_dim3A_393 = vector.broadcast %jit3A_391 : i32 to vector<16xi32>
    %select_n3A_394 = arith.select %eq3A_389, %broadcast_in_dim3A_392, %broadcast_in_dim3A_393 : vector<16xi1>, vector<16xi32>
    %broadcast_in_dim3A_395 = arith.constant true
    %broadcast_in_dim3A_396 = vector.broadcast %broadcast_in_dim3A_395 : i1 to vector<16xi1>
    %masked_cumsum3A = tpu.scan <sum>, %select_n3A_394 masked %broadcast_in_dim3A_396 : vector<16xi32>, vector<16xi1> -> vector<16xi32>
    %add3A_397 = vector.broadcast %add3A_375 : i32 to vector<16xi32>
    %add3A_398 = arith.addi %add3A_397, %masked_cumsum3A : vector<16xi32>
    %sub3A_399 = arith.constant 1 : i32
    %sub3A_400 = vector.broadcast %sub3A_399 : i32 to vector<16xi32>
    %sub3A_401 = arith.subi %add3A_398, %sub3A_400 : vector<16xi32>
    %select_n3A_402 = arith.select %eq3A_389, %sub3A_401, %broadcast_in_dim3A_387 : vector<16xi1>, vector<16xi32>
    %reduce_sum3A_403 = arith.constant true
    %reduce_sum3A_404 = vector.broadcast %reduce_sum3A_403 : i1 to vector<16xi1>
    %reduce_sum3A_405 = tpu.scan <sum>, %select_n3A_394 masked %reduce_sum3A_404 : vector<16xi32>, vector<16xi1> -> vector<16xi32>
    %reduce_sum3A_406 = vector.extract %reduce_sum3A_405[15] : i32 from vector<16xi32>
    %add3A_407 = arith.addi %add3A_375, %reduce_sum3A_406 : i32
    %eq3A_408 = arith.constant 1 : i32
    %eq3A_409 = vector.broadcast %eq3A_408 : i32 to vector<16xi32>
    %eq3A_410 = arith.cmpi eq, %get3A_385, %eq3A_409 : vector<16xi32>
    %jit3A_411 = arith.constant 1 : i32
    %jit3A_412 = arith.constant 0 : i32
    %broadcast_in_dim3A_413 = vector.broadcast %jit3A_411 : i32 to vector<16xi32>
    %broadcast_in_dim3A_414 = vector.broadcast %jit3A_412 : i32 to vector<16xi32>
    %select_n3A_415 = arith.select %eq3A_410, %broadcast_in_dim3A_413, %broadcast_in_dim3A_414 : vector<16xi1>, vector<16xi32>
    %broadcast_in_dim3A_416 = arith.constant true
    %broadcast_in_dim3A_417 = vector.broadcast %broadcast_in_dim3A_416 : i1 to vector<16xi1>
    %masked_cumsum3A_418 = tpu.scan <sum>, %select_n3A_415 masked %broadcast_in_dim3A_417 : vector<16xi32>, vector<16xi1> -> vector<16xi32>
    %add3A_419 = vector.broadcast %add3A_376 : i32 to vector<16xi32>
    %add3A_420 = arith.addi %add3A_419, %masked_cumsum3A_418 : vector<16xi32>
    %sub3A_421 = arith.constant 1 : i32
    %sub3A_422 = vector.broadcast %sub3A_421 : i32 to vector<16xi32>
    %sub3A_423 = arith.subi %add3A_420, %sub3A_422 : vector<16xi32>
    %select_n3A_424 = arith.select %eq3A_410, %sub3A_423, %select_n3A_402 : vector<16xi1>, vector<16xi32>
    %reduce_sum3A_425 = arith.constant true
    %reduce_sum3A_426 = vector.broadcast %reduce_sum3A_425 : i1 to vector<16xi1>
    %reduce_sum3A_427 = tpu.scan <sum>, %select_n3A_415 masked %reduce_sum3A_426 : vector<16xi32>, vector<16xi1> -> vector<16xi32>
    %reduce_sum3A_428 = vector.extract %reduce_sum3A_427[15] : i32 from vector<16xi32>
    %add3A_429 = arith.addi %add3A_376, %reduce_sum3A_428 : i32
    %eq3A_430 = arith.constant 2 : i32
    %eq3A_431 = vector.broadcast %eq3A_430 : i32 to vector<16xi32>
    %eq3A_432 = arith.cmpi eq, %get3A_385, %eq3A_431 : vector<16xi32>
    %jit3A_433 = arith.constant 1 : i32
    %jit3A_434 = arith.constant 0 : i32
    %broadcast_in_dim3A_435 = vector.broadcast %jit3A_433 : i32 to vector<16xi32>
    %broadcast_in_dim3A_436 = vector.broadcast %jit3A_434 : i32 to vector<16xi32>
    %select_n3A_437 = arith.select %eq3A_432, %broadcast_in_dim3A_435, %broadcast_in_dim3A_436 : vector<16xi1>, vector<16xi32>
    %broadcast_in_dim3A_438 = arith.constant true
    %broadcast_in_dim3A_439 = vector.broadcast %broadcast_in_dim3A_438 : i1 to vector<16xi1>
    %masked_cumsum3A_440 = tpu.scan <sum>, %select_n3A_437 masked %broadcast_in_dim3A_439 : vector<16xi32>, vector<16xi1> -> vector<16xi32>
    %add3A_441 = vector.broadcast %add3A_377 : i32 to vector<16xi32>
    %add3A_442 = arith.addi %add3A_441, %masked_cumsum3A_440 : vector<16xi32>
    %sub3A_443 = arith.constant 1 : i32
    %sub3A_444 = vector.broadcast %sub3A_443 : i32 to vector<16xi32>
    %sub3A_445 = arith.subi %add3A_442, %sub3A_444 : vector<16xi32>
    %select_n3A_446 = arith.select %eq3A_432, %sub3A_445, %select_n3A_424 : vector<16xi1>, vector<16xi32>
    %reduce_sum3A_447 = arith.constant true
    %reduce_sum3A_448 = vector.broadcast %reduce_sum3A_447 : i1 to vector<16xi1>
    %reduce_sum3A_449 = tpu.scan <sum>, %select_n3A_437 masked %reduce_sum3A_448 : vector<16xi32>, vector<16xi1> -> vector<16xi32>
    %reduce_sum3A_450 = vector.extract %reduce_sum3A_449[15] : i32 from vector<16xi32>
    %add3A_451 = arith.addi %add3A_377, %reduce_sum3A_450 : i32
    %eq3A_452 = arith.constant 3 : i32
    %eq3A_453 = vector.broadcast %eq3A_452 : i32 to vector<16xi32>
    %eq3A_454 = arith.cmpi eq, %get3A_385, %eq3A_453 : vector<16xi32>
    %jit3A_455 = arith.constant 1 : i32
    %jit3A_456 = arith.constant 0 : i32
    %broadcast_in_dim3A_457 = vector.broadcast %jit3A_455 : i32 to vector<16xi32>
    %broadcast_in_dim3A_458 = vector.broadcast %jit3A_456 : i32 to vector<16xi32>
    %select_n3A_459 = arith.select %eq3A_454, %broadcast_in_dim3A_457, %broadcast_in_dim3A_458 : vector<16xi1>, vector<16xi32>
    %broadcast_in_dim3A_460 = arith.constant true
    %broadcast_in_dim3A_461 = vector.broadcast %broadcast_in_dim3A_460 : i1 to vector<16xi1>
    %masked_cumsum3A_462 = tpu.scan <sum>, %select_n3A_459 masked %broadcast_in_dim3A_461 : vector<16xi32>, vector<16xi1> -> vector<16xi32>
    %add3A_463 = vector.broadcast %add3A_378 : i32 to vector<16xi32>
    %add3A_464 = arith.addi %add3A_463, %masked_cumsum3A_462 : vector<16xi32>
    %sub3A_465 = arith.constant 1 : i32
    %sub3A_466 = vector.broadcast %sub3A_465 : i32 to vector<16xi32>
    %sub3A_467 = arith.subi %add3A_464, %sub3A_466 : vector<16xi32>
    %select_n3A_468 = arith.select %eq3A_454, %sub3A_467, %select_n3A_446 : vector<16xi1>, vector<16xi32>
    %reduce_sum3A_469 = arith.constant true
    %reduce_sum3A_470 = vector.broadcast %reduce_sum3A_469 : i1 to vector<16xi1>
    %reduce_sum3A_471 = tpu.scan <sum>, %select_n3A_459 masked %reduce_sum3A_470 : vector<16xi32>, vector<16xi1> -> vector<16xi32>
    %reduce_sum3A_472 = vector.extract %reduce_sum3A_471[15] : i32 from vector<16xi32>
    %add3A_473 = arith.addi %add3A_378, %reduce_sum3A_472 : i32
    %eq3A_474 = arith.constant 4 : i32
    %eq3A_475 = vector.broadcast %eq3A_474 : i32 to vector<16xi32>
    %eq3A_476 = arith.cmpi eq, %get3A_385, %eq3A_475 : vector<16xi32>
    %jit3A_477 = arith.constant 1 : i32
    %jit3A_478 = arith.constant 0 : i32
    %broadcast_in_dim3A_479 = vector.broadcast %jit3A_477 : i32 to vector<16xi32>
    %broadcast_in_dim3A_480 = vector.broadcast %jit3A_478 : i32 to vector<16xi32>
    %select_n3A_481 = arith.select %eq3A_476, %broadcast_in_dim3A_479, %broadcast_in_dim3A_480 : vector<16xi1>, vector<16xi32>
    %broadcast_in_dim3A_482 = arith.constant true
    %broadcast_in_dim3A_483 = vector.broadcast %broadcast_in_dim3A_482 : i1 to vector<16xi1>
    %masked_cumsum3A_484 = tpu.scan <sum>, %select_n3A_481 masked %broadcast_in_dim3A_483 : vector<16xi32>, vector<16xi1> -> vector<16xi32>
    %add3A_485 = vector.broadcast %add3A_379 : i32 to vector<16xi32>
    %add3A_486 = arith.addi %add3A_485, %masked_cumsum3A_484 : vector<16xi32>
    %sub3A_487 = arith.constant 1 : i32
    %sub3A_488 = vector.broadcast %sub3A_487 : i32 to vector<16xi32>
    %sub3A_489 = arith.subi %add3A_486, %sub3A_488 : vector<16xi32>
    %select_n3A_490 = arith.select %eq3A_476, %sub3A_489, %select_n3A_468 : vector<16xi1>, vector<16xi32>
    %reduce_sum3A_491 = arith.constant true
    %reduce_sum3A_492 = vector.broadcast %reduce_sum3A_491 : i1 to vector<16xi1>
    %reduce_sum3A_493 = tpu.scan <sum>, %select_n3A_481 masked %reduce_sum3A_492 : vector<16xi32>, vector<16xi1> -> vector<16xi32>
    %reduce_sum3A_494 = vector.extract %reduce_sum3A_493[15] : i32 from vector<16xi32>
    %add3A_495 = arith.addi %add3A_379, %reduce_sum3A_494 : i32
    %eq3A_496 = arith.constant 5 : i32
    %eq3A_497 = vector.broadcast %eq3A_496 : i32 to vector<16xi32>
    %eq3A_498 = arith.cmpi eq, %get3A_385, %eq3A_497 : vector<16xi32>
    %jit3A_499 = arith.constant 1 : i32
    %jit3A_500 = arith.constant 0 : i32
    %broadcast_in_dim3A_501 = vector.broadcast %jit3A_499 : i32 to vector<16xi32>
    %broadcast_in_dim3A_502 = vector.broadcast %jit3A_500 : i32 to vector<16xi32>
    %select_n3A_503 = arith.select %eq3A_498, %broadcast_in_dim3A_501, %broadcast_in_dim3A_502 : vector<16xi1>, vector<16xi32>
    %broadcast_in_dim3A_504 = arith.constant true
    %broadcast_in_dim3A_505 = vector.broadcast %broadcast_in_dim3A_504 : i1 to vector<16xi1>
    %masked_cumsum3A_506 = tpu.scan <sum>, %select_n3A_503 masked %broadcast_in_dim3A_505 : vector<16xi32>, vector<16xi1> -> vector<16xi32>
    %add3A_507 = vector.broadcast %add3A_380 : i32 to vector<16xi32>
    %add3A_508 = arith.addi %add3A_507, %masked_cumsum3A_506 : vector<16xi32>
    %sub3A_509 = arith.constant 1 : i32
    %sub3A_510 = vector.broadcast %sub3A_509 : i32 to vector<16xi32>
    %sub3A_511 = arith.subi %add3A_508, %sub3A_510 : vector<16xi32>
    %select_n3A_512 = arith.select %eq3A_498, %sub3A_511, %select_n3A_490 : vector<16xi1>, vector<16xi32>
    %reduce_sum3A_513 = arith.constant true
    %reduce_sum3A_514 = vector.broadcast %reduce_sum3A_513 : i1 to vector<16xi1>
    %reduce_sum3A_515 = tpu.scan <sum>, %select_n3A_503 masked %reduce_sum3A_514 : vector<16xi32>, vector<16xi1> -> vector<16xi32>
    %reduce_sum3A_516 = vector.extract %reduce_sum3A_515[15] : i32 from vector<16xi32>
    %add3A_517 = arith.addi %add3A_380, %reduce_sum3A_516 : i32
    %eq3A_518 = arith.constant 6 : i32
    %eq3A_519 = vector.broadcast %eq3A_518 : i32 to vector<16xi32>
    %eq3A_520 = arith.cmpi eq, %get3A_385, %eq3A_519 : vector<16xi32>
    %jit3A_521 = arith.constant 1 : i32
    %jit3A_522 = arith.constant 0 : i32
    %broadcast_in_dim3A_523 = vector.broadcast %jit3A_521 : i32 to vector<16xi32>
    %broadcast_in_dim3A_524 = vector.broadcast %jit3A_522 : i32 to vector<16xi32>
    %select_n3A_525 = arith.select %eq3A_520, %broadcast_in_dim3A_523, %broadcast_in_dim3A_524 : vector<16xi1>, vector<16xi32>
    %broadcast_in_dim3A_526 = arith.constant true
    %broadcast_in_dim3A_527 = vector.broadcast %broadcast_in_dim3A_526 : i1 to vector<16xi1>
    %masked_cumsum3A_528 = tpu.scan <sum>, %select_n3A_525 masked %broadcast_in_dim3A_527 : vector<16xi32>, vector<16xi1> -> vector<16xi32>
    %add3A_529 = vector.broadcast %add3A_381 : i32 to vector<16xi32>
    %add3A_530 = arith.addi %add3A_529, %masked_cumsum3A_528 : vector<16xi32>
    %sub3A_531 = arith.constant 1 : i32
    %sub3A_532 = vector.broadcast %sub3A_531 : i32 to vector<16xi32>
    %sub3A_533 = arith.subi %add3A_530, %sub3A_532 : vector<16xi32>
    %select_n3A_534 = arith.select %eq3A_520, %sub3A_533, %select_n3A_512 : vector<16xi1>, vector<16xi32>
    %reduce_sum3A_535 = arith.constant true
    %reduce_sum3A_536 = vector.broadcast %reduce_sum3A_535 : i1 to vector<16xi1>
    %reduce_sum3A_537 = tpu.scan <sum>, %select_n3A_525 masked %reduce_sum3A_536 : vector<16xi32>, vector<16xi1> -> vector<16xi32>
    %reduce_sum3A_538 = vector.extract %reduce_sum3A_537[15] : i32 from vector<16xi32>
    %add3A_539 = arith.addi %add3A_381, %reduce_sum3A_538 : i32
    %eq3A_540 = arith.constant 7 : i32
    %eq3A_541 = vector.broadcast %eq3A_540 : i32 to vector<16xi32>
    %eq3A_542 = arith.cmpi eq, %get3A_385, %eq3A_541 : vector<16xi32>
    %jit3A_543 = arith.constant 1 : i32
    %jit3A_544 = arith.constant 0 : i32
    %broadcast_in_dim3A_545 = vector.broadcast %jit3A_543 : i32 to vector<16xi32>
    %broadcast_in_dim3A_546 = vector.broadcast %jit3A_544 : i32 to vector<16xi32>
    %select_n3A_547 = arith.select %eq3A_542, %broadcast_in_dim3A_545, %broadcast_in_dim3A_546 : vector<16xi1>, vector<16xi32>
    %broadcast_in_dim3A_548 = arith.constant true
    %broadcast_in_dim3A_549 = vector.broadcast %broadcast_in_dim3A_548 : i1 to vector<16xi1>
    %masked_cumsum3A_550 = tpu.scan <sum>, %select_n3A_547 masked %broadcast_in_dim3A_549 : vector<16xi32>, vector<16xi1> -> vector<16xi32>
    %add3A_551 = vector.broadcast %add3A_382 : i32 to vector<16xi32>
    %add3A_552 = arith.addi %add3A_551, %masked_cumsum3A_550 : vector<16xi32>
    %sub3A_553 = arith.constant 1 : i32
    %sub3A_554 = vector.broadcast %sub3A_553 : i32 to vector<16xi32>
    %sub3A_555 = arith.subi %add3A_552, %sub3A_554 : vector<16xi32>
    %select_n3A_556 = arith.select %eq3A_542, %sub3A_555, %select_n3A_534 : vector<16xi1>, vector<16xi32>
    %reduce_sum3A_557 = arith.constant true
    %reduce_sum3A_558 = vector.broadcast %reduce_sum3A_557 : i1 to vector<16xi1>
    %reduce_sum3A_559 = tpu.scan <sum>, %select_n3A_547 masked %reduce_sum3A_558 : vector<16xi32>, vector<16xi1> -> vector<16xi32>
    %reduce_sum3A_560 = vector.extract %reduce_sum3A_559[15] : i32 from vector<16xi32>
    %add3A_561 = arith.addi %add3A_382, %reduce_sum3A_560 : i32
    %swap3A = arith.constant 0 : index
    %swap3A_562 = tpu.vector_load %arg8[%swap3A] {strides = array<i32>} : memref<128xi32, #tpu.memory_space<vmem>>, vector<16xi32>,
    tpu.vector_store %arg8[%swap3A], %select_n3A_556 {strides = array<i32>} : memref<128xi32, #tpu.memory_space<vmem>>, vector<16xi32>,
    %add3A_563 = arith.constant 16 : i32
    %add3A_564 = arith.addi %mul3A_2, %add3A_563 : i32
    %get3A_565 = arith.index_cast %add3A_564 : i32 to index
    %get3A_566 = tpu.vector_load %arg7[%get3A_565] {strides = array<i32>} : memref<4096xi32, #tpu.memory_space<vmem>>, vector<16xi32>,
    %broadcast_in_dim3A_567 = arith.constant 0 : i32
    %broadcast_in_dim3A_568 = vector.broadcast %broadcast_in_dim3A_567 : i32 to vector<16xi32>
    %eq3A_569 = arith.constant 0 : i32
    %eq3A_570 = vector.broadcast %eq3A_569 : i32 to vector<16xi32>
    %eq3A_571 = arith.cmpi eq, %get3A_566, %eq3A_570 : vector<16xi32>
    %jit3A_572 = arith.constant 1 : i32
    %jit3A_573 = arith.constant 0 : i32
    %broadcast_in_dim3A_574 = vector.broadcast %jit3A_572 : i32 to vector<16xi32>
    %broadcast_in_dim3A_575 = vector.broadcast %jit3A_573 : i32 to vector<16xi32>
    %select_n3A_576 = arith.select %eq3A_571, %broadcast_in_dim3A_574, %broadcast_in_dim3A_575 : vector<16xi1>, vector<16xi32>
    %broadcast_in_dim3A_577 = arith.constant true
    %broadcast_in_dim3A_578 = vector.broadcast %broadcast_in_dim3A_577 : i1 to vector<16xi1>
    %masked_cumsum3A_579 = tpu.scan <sum>, %select_n3A_576 masked %broadcast_in_dim3A_578 : vector<16xi32>, vector<16xi1> -> vector<16xi32>
    %add3A_580 = vector.broadcast %add3A_407 : i32 to vector<16xi32>
    %add3A_581 = arith.addi %add3A_580, %masked_cumsum3A_579 : vector<16xi32>
    %sub3A_582 = arith.constant 1 : i32
    %sub3A_583 = vector.broadcast %sub3A_582 : i32 to vector<16xi32>
    %sub3A_584 = arith.subi %add3A_581, %sub3A_583 : vector<16xi32>
    %select_n3A_585 = arith.select %eq3A_571, %sub3A_584, %broadcast_in_dim3A_568 : vector<16xi1>, vector<16xi32>
    %reduce_sum3A_586 = arith.constant true
    %reduce_sum3A_587 = vector.broadcast %reduce_sum3A_586 : i1 to vector<16xi1>
    %reduce_sum3A_588 = tpu.scan <sum>, %select_n3A_576 masked %reduce_sum3A_587 : vector<16xi32>, vector<16xi1> -> vector<16xi32>
    %reduce_sum3A_589 = vector.extract %reduce_sum3A_588[15] : i32 from vector<16xi32>
    %add3A_590 = arith.addi %add3A_407, %reduce_sum3A_589 : i32
    %eq3A_591 = arith.constant 1 : i32
    %eq3A_592 = vector.broadcast %eq3A_591 : i32 to vector<16xi32>
    %eq3A_593 = arith.cmpi eq, %get3A_566, %eq3A_592 : vector<16xi32>
    %jit3A_594 = arith.constant 1 : i32
    %jit3A_595 = arith.constant 0 : i32
    %broadcast_in_dim3A_596 = vector.broadcast %jit3A_594 : i32 to vector<16xi32>
    %broadcast_in_dim3A_597 = vector.broadcast %jit3A_595 : i32 to vector<16xi32>
    %select_n3A_598 = arith.select %eq3A_593, %broadcast_in_dim3A_596, %broadcast_in_dim3A_597 : vector<16xi1>, vector<16xi32>
    %broadcast_in_dim3A_599 = arith.constant true
    %broadcast_in_dim3A_600 = vector.broadcast %broadcast_in_dim3A_599 : i1 to vector<16xi1>
    %masked_cumsum3A_601 = tpu.scan <sum>, %select_n3A_598 masked %broadcast_in_dim3A_600 : vector<16xi32>, vector<16xi1> -> vector<16xi32>
    %add3A_602 = vector.broadcast %add3A_429 : i32 to vector<16xi32>
    %add3A_603 = arith.addi %add3A_602, %masked_cumsum3A_601 : vector<16xi32>
    %sub3A_604 = arith.constant 1 : i32
    %sub3A_605 = vector.broadcast %sub3A_604 : i32 to vector<16xi32>
    %sub3A_606 = arith.subi %add3A_603, %sub3A_605 : vector<16xi32>
    %select_n3A_607 = arith.select %eq3A_593, %sub3A_606, %select_n3A_585 : vector<16xi1>, vector<16xi32>
    %reduce_sum3A_608 = arith.constant true
    %reduce_sum3A_609 = vector.broadcast %reduce_sum3A_608 : i1 to vector<16xi1>
    %reduce_sum3A_610 = tpu.scan <sum>, %select_n3A_598 masked %reduce_sum3A_609 : vector<16xi32>, vector<16xi1> -> vector<16xi32>
    %reduce_sum3A_611 = vector.extract %reduce_sum3A_610[15] : i32 from vector<16xi32>
    %add3A_612 = arith.addi %add3A_429, %reduce_sum3A_611 : i32
    %eq3A_613 = arith.constant 2 : i32
    %eq3A_614 = vector.broadcast %eq3A_613 : i32 to vector<16xi32>
    %eq3A_615 = arith.cmpi eq, %get3A_566, %eq3A_614 : vector<16xi32>
    %jit3A_616 = arith.constant 1 : i32
    %jit3A_617 = arith.constant 0 : i32
    %broadcast_in_dim3A_618 = vector.broadcast %jit3A_616 : i32 to vector<16xi32>
    %broadcast_in_dim3A_619 = vector.broadcast %jit3A_617 : i32 to vector<16xi32>
    %select_n3A_620 = arith.select %eq3A_615, %broadcast_in_dim3A_618, %broadcast_in_dim3A_619 : vector<16xi1>, vector<16xi32>
    %broadcast_in_dim3A_621 = arith.constant true
    %broadcast_in_dim3A_622 = vector.broadcast %broadcast_in_dim3A_621 : i1 to vector<16xi1>
    %masked_cumsum3A_623 = tpu.scan <sum>, %select_n3A_620 masked %broadcast_in_dim3A_622 : vector<16xi32>, vector<16xi1> -> vector<16xi32>
    %add3A_624 = vector.broadcast %add3A_451 : i32 to vector<16xi32>
    %add3A_625 = arith.addi %add3A_624, %masked_cumsum3A_623 : vector<16xi32>
    %sub3A_626 = arith.constant 1 : i32
    %sub3A_627 = vector.broadcast %sub3A_626 : i32 to vector<16xi32>
    %sub3A_628 = arith.subi %add3A_625, %sub3A_627 : vector<16xi32>
    %select_n3A_629 = arith.select %eq3A_615, %sub3A_628, %select_n3A_607 : vector<16xi1>, vector<16xi32>
    %reduce_sum3A_630 = arith.constant true
    %reduce_sum3A_631 = vector.broadcast %reduce_sum3A_630 : i1 to vector<16xi1>
    %reduce_sum3A_632 = tpu.scan <sum>, %select_n3A_620 masked %reduce_sum3A_631 : vector<16xi32>, vector<16xi1> -> vector<16xi32>
    %reduce_sum3A_633 = vector.extract %reduce_sum3A_632[15] : i32 from vector<16xi32>
    %add3A_634 = arith.addi %add3A_451, %reduce_sum3A_633 : i32
    %eq3A_635 = arith.constant 3 : i32
    %eq3A_636 = vector.broadcast %eq3A_635 : i32 to vector<16xi32>
    %eq3A_637 = arith.cmpi eq, %get3A_566, %eq3A_636 : vector<16xi32>
    %jit3A_638 = arith.constant 1 : i32
    %jit3A_639 = arith.constant 0 : i32
    %broadcast_in_dim3A_640 = vector.broadcast %jit3A_638 : i32 to vector<16xi32>
    %broadcast_in_dim3A_641 = vector.broadcast %jit3A_639 : i32 to vector<16xi32>
    %select_n3A_642 = arith.select %eq3A_637, %broadcast_in_dim3A_640, %broadcast_in_dim3A_641 : vector<16xi1>, vector<16xi32>
    %broadcast_in_dim3A_643 = arith.constant true
    %broadcast_in_dim3A_644 = vector.broadcast %broadcast_in_dim3A_643 : i1 to vector<16xi1>
    %masked_cumsum3A_645 = tpu.scan <sum>, %select_n3A_642 masked %broadcast_in_dim3A_644 : vector<16xi32>, vector<16xi1> -> vector<16xi32>
    %add3A_646 = vector.broadcast %add3A_473 : i32 to vector<16xi32>
    %add3A_647 = arith.addi %add3A_646, %masked_cumsum3A_645 : vector<16xi32>
    %sub3A_648 = arith.constant 1 : i32
    %sub3A_649 = vector.broadcast %sub3A_648 : i32 to vector<16xi32>
    %sub3A_650 = arith.subi %add3A_647, %sub3A_649 : vector<16xi32>
    %select_n3A_651 = arith.select %eq3A_637, %sub3A_650, %select_n3A_629 : vector<16xi1>, vector<16xi32>
    %reduce_sum3A_652 = arith.constant true
    %reduce_sum3A_653 = vector.broadcast %reduce_sum3A_652 : i1 to vector<16xi1>
    %reduce_sum3A_654 = tpu.scan <sum>, %select_n3A_642 masked %reduce_sum3A_653 : vector<16xi32>, vector<16xi1> -> vector<16xi32>
    %reduce_sum3A_655 = vector.extract %reduce_sum3A_654[15] : i32 from vector<16xi32>
    %add3A_656 = arith.addi %add3A_473, %reduce_sum3A_655 : i32
    %eq3A_657 = arith.constant 4 : i32
    %eq3A_658 = vector.broadcast %eq3A_657 : i32 to vector<16xi32>
    %eq3A_659 = arith.cmpi eq, %get3A_566, %eq3A_658 : vector<16xi32>
    %jit3A_660 = arith.constant 1 : i32
    %jit3A_661 = arith.constant 0 : i32
    %broadcast_in_dim3A_662 = vector.broadcast %jit3A_660 : i32 to vector<16xi32>
    %broadcast_in_dim3A_663 = vector.broadcast %jit3A_661 : i32 to vector<16xi32>
    %select_n3A_664 = arith.select %eq3A_659, %broadcast_in_dim3A_662, %broadcast_in_dim3A_663 : vector<16xi1>, vector<16xi32>
    %broadcast_in_dim3A_665 = arith.constant true
    %broadcast_in_dim3A_666 = vector.broadcast %broadcast_in_dim3A_665 : i1 to vector<16xi1>
    %masked_cumsum3A_667 = tpu.scan <sum>, %select_n3A_664 masked %broadcast_in_dim3A_666 : vector<16xi32>, vector<16xi1> -> vector<16xi32>
    %add3A_668 = vector.broadcast %add3A_495 : i32 to vector<16xi32>
    %add3A_669 = arith.addi %add3A_668, %masked_cumsum3A_667 : vector<16xi32>
    %sub3A_670 = arith.constant 1 : i32
    %sub3A_671 = vector.broadcast %sub3A_670 : i32 to vector<16xi32>
    %sub3A_672 = arith.subi %add3A_669, %sub3A_671 : vector<16xi32>
    %select_n3A_673 = arith.select %eq3A_659, %sub3A_672, %select_n3A_651 : vector<16xi1>, vector<16xi32>
    %reduce_sum3A_674 = arith.constant true
    %reduce_sum3A_675 = vector.broadcast %reduce_sum3A_674 : i1 to vector<16xi1>
    %reduce_sum3A_676 = tpu.scan <sum>, %select_n3A_664 masked %reduce_sum3A_675 : vector<16xi32>, vector<16xi1> -> vector<16xi32>
    %reduce_sum3A_677 = vector.extract %reduce_sum3A_676[15] : i32 from vector<16xi32>
    %add3A_678 = arith.addi %add3A_495, %reduce_sum3A_677 : i32
    %eq3A_679 = arith.constant 5 : i32
    %eq3A_680 = vector.broadcast %eq3A_679 : i32 to vector<16xi32>
    %eq3A_681 = arith.cmpi eq, %get3A_566, %eq3A_680 : vector<16xi32>
    %jit3A_682 = arith.constant 1 : i32
    %jit3A_683 = arith.constant 0 : i32
    %broadcast_in_dim3A_684 = vector.broadcast %jit3A_682 : i32 to vector<16xi32>
    %broadcast_in_dim3A_685 = vector.broadcast %jit3A_683 : i32 to vector<16xi32>
    %select_n3A_686 = arith.select %eq3A_681, %broadcast_in_dim3A_684, %broadcast_in_dim3A_685 : vector<16xi1>, vector<16xi32>
    %broadcast_in_dim3A_687 = arith.constant true
    %broadcast_in_dim3A_688 = vector.broadcast %broadcast_in_dim3A_687 : i1 to vector<16xi1>
    %masked_cumsum3A_689 = tpu.scan <sum>, %select_n3A_686 masked %broadcast_in_dim3A_688 : vector<16xi32>, vector<16xi1> -> vector<16xi32>
    %add3A_690 = vector.broadcast %add3A_517 : i32 to vector<16xi32>
    %add3A_691 = arith.addi %add3A_690, %masked_cumsum3A_689 : vector<16xi32>
    %sub3A_692 = arith.constant 1 : i32
    %sub3A_693 = vector.broadcast %sub3A_692 : i32 to vector<16xi32>
    %sub3A_694 = arith.subi %add3A_691, %sub3A_693 : vector<16xi32>
    %select_n3A_695 = arith.select %eq3A_681, %sub3A_694, %select_n3A_673 : vector<16xi1>, vector<16xi32>
    %reduce_sum3A_696 = arith.constant true
    %reduce_sum3A_697 = vector.broadcast %reduce_sum3A_696 : i1 to vector<16xi1>
    %reduce_sum3A_698 = tpu.scan <sum>, %select_n3A_686 masked %reduce_sum3A_697 : vector<16xi32>, vector<16xi1> -> vector<16xi32>
    %reduce_sum3A_699 = vector.extract %reduce_sum3A_698[15] : i32 from vector<16xi32>
    %add3A_700 = arith.addi %add3A_517, %reduce_sum3A_699 : i32
    %eq3A_701 = arith.constant 6 : i32
    %eq3A_702 = vector.broadcast %eq3A_701 : i32 to vector<16xi32>
    %eq3A_703 = arith.cmpi eq, %get3A_566, %eq3A_702 : vector<16xi32>
    %jit3A_704 = arith.constant 1 : i32
    %jit3A_705 = arith.constant 0 : i32
    %broadcast_in_dim3A_706 = vector.broadcast %jit3A_704 : i32 to vector<16xi32>
    %broadcast_in_dim3A_707 = vector.broadcast %jit3A_705 : i32 to vector<16xi32>
    %select_n3A_708 = arith.select %eq3A_703, %broadcast_in_dim3A_706, %broadcast_in_dim3A_707 : vector<16xi1>, vector<16xi32>
    %broadcast_in_dim3A_709 = arith.constant true
    %broadcast_in_dim3A_710 = vector.broadcast %broadcast_in_dim3A_709 : i1 to vector<16xi1>
    %masked_cumsum3A_711 = tpu.scan <sum>, %select_n3A_708 masked %broadcast_in_dim3A_710 : vector<16xi32>, vector<16xi1> -> vector<16xi32>
    %add3A_712 = vector.broadcast %add3A_539 : i32 to vector<16xi32>
    %add3A_713 = arith.addi %add3A_712, %masked_cumsum3A_711 : vector<16xi32>
    %sub3A_714 = arith.constant 1 : i32
    %sub3A_715 = vector.broadcast %sub3A_714 : i32 to vector<16xi32>
    %sub3A_716 = arith.subi %add3A_713, %sub3A_715 : vector<16xi32>
    %select_n3A_717 = arith.select %eq3A_703, %sub3A_716, %select_n3A_695 : vector<16xi1>, vector<16xi32>
    %reduce_sum3A_718 = arith.constant true
    %reduce_sum3A_719 = vector.broadcast %reduce_sum3A_718 : i1 to vector<16xi1>
    %reduce_sum3A_720 = tpu.scan <sum>, %select_n3A_708 masked %reduce_sum3A_719 : vector<16xi32>, vector<16xi1> -> vector<16xi32>
    %reduce_sum3A_721 = vector.extract %reduce_sum3A_720[15] : i32 from vector<16xi32>
    %add3A_722 = arith.addi %add3A_539, %reduce_sum3A_721 : i32
    %eq3A_723 = arith.constant 7 : i32
    %eq3A_724 = vector.broadcast %eq3A_723 : i32 to vector<16xi32>
    %eq3A_725 = arith.cmpi eq, %get3A_566, %eq3A_724 : vector<16xi32>
    %jit3A_726 = arith.constant 1 : i32
    %jit3A_727 = arith.constant 0 : i32
    %broadcast_in_dim3A_728 = vector.broadcast %jit3A_726 : i32 to vector<16xi32>
    %broadcast_in_dim3A_729 = vector.broadcast %jit3A_727 : i32 to vector<16xi32>
    %select_n3A_730 = arith.select %eq3A_725, %broadcast_in_dim3A_728, %broadcast_in_dim3A_729 : vector<16xi1>, vector<16xi32>
    %broadcast_in_dim3A_731 = arith.constant true
    %broadcast_in_dim3A_732 = vector.broadcast %broadcast_in_dim3A_731 : i1 to vector<16xi1>
    %masked_cumsum3A_733 = tpu.scan <sum>, %select_n3A_730 masked %broadcast_in_dim3A_732 : vector<16xi32>, vector<16xi1> -> vector<16xi32>
    %add3A_734 = vector.broadcast %add3A_561 : i32 to vector<16xi32>
    %add3A_735 = arith.addi %add3A_734, %masked_cumsum3A_733 : vector<16xi32>
    %sub3A_736 = arith.constant 1 : i32
    %sub3A_737 = vector.broadcast %sub3A_736 : i32 to vector<16xi32>
    %sub3A_738 = arith.subi %add3A_735, %sub3A_737 : vector<16xi32>
    %select_n3A_739 = arith.select %eq3A_725, %sub3A_738, %select_n3A_717 : vector<16xi1>, vector<16xi32>
    %reduce_sum3A_740 = arith.constant true
    %reduce_sum3A_741 = vector.broadcast %reduce_sum3A_740 : i1 to vector<16xi1>
    %reduce_sum3A_742 = tpu.scan <sum>, %select_n3A_730 masked %reduce_sum3A_741 : vector<16xi32>, vector<16xi1> -> vector<16xi32>
    %reduce_sum3A_743 = vector.extract %reduce_sum3A_742[15] : i32 from vector<16xi32>
    %add3A_744 = arith.addi %add3A_561, %reduce_sum3A_743 : i32
    %swap3A_745 = arith.constant 16 : index
    %swap3A_746 = tpu.vector_load %arg8[%swap3A_745] {strides = array<i32>} : memref<128xi32, #tpu.memory_space<vmem>>, vector<16xi32>,
    tpu.vector_store %arg8[%swap3A_745], %select_n3A_739 {strides = array<i32>} : memref<128xi32, #tpu.memory_space<vmem>>, vector<16xi32>,
    %add3A_747 = arith.constant 32 : i32
    %add3A_748 = arith.addi %mul3A_2, %add3A_747 : i32
    %get3A_749 = arith.index_cast %add3A_748 : i32 to index
    %get3A_750 = tpu.vector_load %arg7[%get3A_749] {strides = array<i32>} : memref<4096xi32, #tpu.memory_space<vmem>>, vector<16xi32>,
    %broadcast_in_dim3A_751 = arith.constant 0 : i32
    %broadcast_in_dim3A_752 = vector.broadcast %broadcast_in_dim3A_751 : i32 to vector<16xi32>
    %eq3A_753 = arith.constant 0 : i32
    %eq3A_754 = vector.broadcast %eq3A_753 : i32 to vector<16xi32>
    %eq3A_755 = arith.cmpi eq, %get3A_750, %eq3A_754 : vector<16xi32>
    %jit3A_756 = arith.constant 1 : i32
    %jit3A_757 = arith.constant 0 : i32
    %broadcast_in_dim3A_758 = vector.broadcast %jit3A_756 : i32 to vector<16xi32>
    %broadcast_in_dim3A_759 = vector.broadcast %jit3A_757 : i32 to vector<16xi32>
    %select_n3A_760 = arith.select %eq3A_755, %broadcast_in_dim3A_758, %broadcast_in_dim3A_759 : vector<16xi1>, vector<16xi32>
    %broadcast_in_dim3A_761 = arith.constant true
    %broadcast_in_dim3A_762 = vector.broadcast %broadcast_in_dim3A_761 : i1 to vector<16xi1>
    %masked_cumsum3A_763 = tpu.scan <sum>, %select_n3A_760 masked %broadcast_in_dim3A_762 : vector<16xi32>, vector<16xi1> -> vector<16xi32>
    %add3A_764 = vector.broadcast %add3A_590 : i32 to vector<16xi32>
    %add3A_765 = arith.addi %add3A_764, %masked_cumsum3A_763 : vector<16xi32>
    %sub3A_766 = arith.constant 1 : i32
    %sub3A_767 = vector.broadcast %sub3A_766 : i32 to vector<16xi32>
    %sub3A_768 = arith.subi %add3A_765, %sub3A_767 : vector<16xi32>
    %select_n3A_769 = arith.select %eq3A_755, %sub3A_768, %broadcast_in_dim3A_752 : vector<16xi1>, vector<16xi32>
    %reduce_sum3A_770 = arith.constant true
    %reduce_sum3A_771 = vector.broadcast %reduce_sum3A_770 : i1 to vector<16xi1>
    %reduce_sum3A_772 = tpu.scan <sum>, %select_n3A_760 masked %reduce_sum3A_771 : vector<16xi32>, vector<16xi1> -> vector<16xi32>
    %reduce_sum3A_773 = vector.extract %reduce_sum3A_772[15] : i32 from vector<16xi32>
    %add3A_774 = arith.addi %add3A_590, %reduce_sum3A_773 : i32
    %eq3A_775 = arith.constant 1 : i32
    %eq3A_776 = vector.broadcast %eq3A_775 : i32 to vector<16xi32>
    %eq3A_777 = arith.cmpi eq, %get3A_750, %eq3A_776 : vector<16xi32>
    %jit3A_778 = arith.constant 1 : i32
    %jit3A_779 = arith.constant 0 : i32
    %broadcast_in_dim3A_780 = vector.broadcast %jit3A_778 : i32 to vector<16xi32>
    %broadcast_in_dim3A_781 = vector.broadcast %jit3A_779 : i32 to vector<16xi32>
    %select_n3A_782 = arith.select %eq3A_777, %broadcast_in_dim3A_780, %broadcast_in_dim3A_781 : vector<16xi1>, vector<16xi32>
    %broadcast_in_dim3A_783 = arith.constant true
    %broadcast_in_dim3A_784 = vector.broadcast %broadcast_in_dim3A_783 : i1 to vector<16xi1>
    %masked_cumsum3A_785 = tpu.scan <sum>, %select_n3A_782 masked %broadcast_in_dim3A_784 : vector<16xi32>, vector<16xi1> -> vector<16xi32>
    %add3A_786 = vector.broadcast %add3A_612 : i32 to vector<16xi32>
    %add3A_787 = arith.addi %add3A_786, %masked_cumsum3A_785 : vector<16xi32>
    %sub3A_788 = arith.constant 1 : i32
    %sub3A_789 = vector.broadcast %sub3A_788 : i32 to vector<16xi32>
    %sub3A_790 = arith.subi %add3A_787, %sub3A_789 : vector<16xi32>
    %select_n3A_791 = arith.select %eq3A_777, %sub3A_790, %select_n3A_769 : vector<16xi1>, vector<16xi32>
    %reduce_sum3A_792 = arith.constant true
    %reduce_sum3A_793 = vector.broadcast %reduce_sum3A_792 : i1 to vector<16xi1>
    %reduce_sum3A_794 = tpu.scan <sum>, %select_n3A_782 masked %reduce_sum3A_793 : vector<16xi32>, vector<16xi1> -> vector<16xi32>
    %reduce_sum3A_795 = vector.extract %reduce_sum3A_794[15] : i32 from vector<16xi32>
    %add3A_796 = arith.addi %add3A_612, %reduce_sum3A_795 : i32
    %eq3A_797 = arith.constant 2 : i32
    %eq3A_798 = vector.broadcast %eq3A_797 : i32 to vector<16xi32>
    %eq3A_799 = arith.cmpi eq, %get3A_750, %eq3A_798 : vector<16xi32>
    %jit3A_800 = arith.constant 1 : i32
    %jit3A_801 = arith.constant 0 : i32
    %broadcast_in_dim3A_802 = vector.broadcast %jit3A_800 : i32 to vector<16xi32>
    %broadcast_in_dim3A_803 = vector.broadcast %jit3A_801 : i32 to vector<16xi32>
    %select_n3A_804 = arith.select %eq3A_799, %broadcast_in_dim3A_802, %broadcast_in_dim3A_803 : vector<16xi1>, vector<16xi32>
    %broadcast_in_dim3A_805 = arith.constant true
    %broadcast_in_dim3A_806 = vector.broadcast %broadcast_in_dim3A_805 : i1 to vector<16xi1>
    %masked_cumsum3A_807 = tpu.scan <sum>, %select_n3A_804 masked %broadcast_in_dim3A_806 : vector<16xi32>, vector<16xi1> -> vector<16xi32>
    %add3A_808 = vector.broadcast %add3A_634 : i32 to vector<16xi32>
    %add3A_809 = arith.addi %add3A_808, %masked_cumsum3A_807 : vector<16xi32>
    %sub3A_810 = arith.constant 1 : i32
    %sub3A_811 = vector.broadcast %sub3A_810 : i32 to vector<16xi32>
    %sub3A_812 = arith.subi %add3A_809, %sub3A_811 : vector<16xi32>
    %select_n3A_813 = arith.select %eq3A_799, %sub3A_812, %select_n3A_791 : vector<16xi1>, vector<16xi32>
    %reduce_sum3A_814 = arith.constant true
    %reduce_sum3A_815 = vector.broadcast %reduce_sum3A_814 : i1 to vector<16xi1>
    %reduce_sum3A_816 = tpu.scan <sum>, %select_n3A_804 masked %reduce_sum3A_815 : vector<16xi32>, vector<16xi1> -> vector<16xi32>
    %reduce_sum3A_817 = vector.extract %reduce_sum3A_816[15] : i32 from vector<16xi32>
    %add3A_818 = arith.addi %add3A_634, %reduce_sum3A_817 : i32
    %eq3A_819 = arith.constant 3 : i32
    %eq3A_820 = vector.broadcast %eq3A_819 : i32 to vector<16xi32>
    %eq3A_821 = arith.cmpi eq, %get3A_750, %eq3A_820 : vector<16xi32>
    %jit3A_822 = arith.constant 1 : i32
    %jit3A_823 = arith.constant 0 : i32
    %broadcast_in_dim3A_824 = vector.broadcast %jit3A_822 : i32 to vector<16xi32>
    %broadcast_in_dim3A_825 = vector.broadcast %jit3A_823 : i32 to vector<16xi32>
    %select_n3A_826 = arith.select %eq3A_821, %broadcast_in_dim3A_824, %broadcast_in_dim3A_825 : vector<16xi1>, vector<16xi32>
    %broadcast_in_dim3A_827 = arith.constant true
    %broadcast_in_dim3A_828 = vector.broadcast %broadcast_in_dim3A_827 : i1 to vector<16xi1>
    %masked_cumsum3A_829 = tpu.scan <sum>, %select_n3A_826 masked %broadcast_in_dim3A_828 : vector<16xi32>, vector<16xi1> -> vector<16xi32>
    %add3A_830 = vector.broadcast %add3A_656 : i32 to vector<16xi32>
    %add3A_831 = arith.addi %add3A_830, %masked_cumsum3A_829 : vector<16xi32>
    %sub3A_832 = arith.constant 1 : i32
    %sub3A_833 = vector.broadcast %sub3A_832 : i32 to vector<16xi32>
    %sub3A_834 = arith.subi %add3A_831, %sub3A_833 : vector<16xi32>
    %select_n3A_835 = arith.select %eq3A_821, %sub3A_834, %select_n3A_813 : vector<16xi1>, vector<16xi32>
    %reduce_sum3A_836 = arith.constant true
    %reduce_sum3A_837 = vector.broadcast %reduce_sum3A_836 : i1 to vector<16xi1>
    %reduce_sum3A_838 = tpu.scan <sum>, %select_n3A_826 masked %reduce_sum3A_837 : vector<16xi32>, vector<16xi1> -> vector<16xi32>
    %reduce_sum3A_839 = vector.extract %reduce_sum3A_838[15] : i32 from vector<16xi32>
    %add3A_840 = arith.addi %add3A_656, %reduce_sum3A_839 : i32
    %eq3A_841 = arith.constant 4 : i32
    %eq3A_842 = vector.broadcast %eq3A_841 : i32 to vector<16xi32>
    %eq3A_843 = arith.cmpi eq, %get3A_750, %eq3A_842 : vector<16xi32>
    %jit3A_844 = arith.constant 1 : i32
    %jit3A_845 = arith.constant 0 : i32
    %broadcast_in_dim3A_846 = vector.broadcast %jit3A_844 : i32 to vector<16xi32>
    %broadcast_in_dim3A_847 = vector.broadcast %jit3A_845 : i32 to vector<16xi32>
    %select_n3A_848 = arith.select %eq3A_843, %broadcast_in_dim3A_846, %broadcast_in_dim3A_847 : vector<16xi1>, vector<16xi32>
    %broadcast_in_dim3A_849 = arith.constant true
    %broadcast_in_dim3A_850 = vector.broadcast %broadcast_in_dim3A_849 : i1 to vector<16xi1>
    %masked_cumsum3A_851 = tpu.scan <sum>, %select_n3A_848 masked %broadcast_in_dim3A_850 : vector<16xi32>, vector<16xi1> -> vector<16xi32>
    %add3A_852 = vector.broadcast %add3A_678 : i32 to vector<16xi32>
    %add3A_853 = arith.addi %add3A_852, %masked_cumsum3A_851 : vector<16xi32>
    %sub3A_854 = arith.constant 1 : i32
    %sub3A_855 = vector.broadcast %sub3A_854 : i32 to vector<16xi32>
    %sub3A_856 = arith.subi %add3A_853, %sub3A_855 : vector<16xi32>
    %select_n3A_857 = arith.select %eq3A_843, %sub3A_856, %select_n3A_835 : vector<16xi1>, vector<16xi32>
    %reduce_sum3A_858 = arith.constant true
    %reduce_sum3A_859 = vector.broadcast %reduce_sum3A_858 : i1 to vector<16xi1>
    %reduce_sum3A_860 = tpu.scan <sum>, %select_n3A_848 masked %reduce_sum3A_859 : vector<16xi32>, vector<16xi1> -> vector<16xi32>
    %reduce_sum3A_861 = vector.extract %reduce_sum3A_860[15] : i32 from vector<16xi32>
    %add3A_862 = arith.addi %add3A_678, %reduce_sum3A_861 : i32
    %eq3A_863 = arith.constant 5 : i32
    %eq3A_864 = vector.broadcast %eq3A_863 : i32 to vector<16xi32>
    %eq3A_865 = arith.cmpi eq, %get3A_750, %eq3A_864 : vector<16xi32>
    %jit3A_866 = arith.constant 1 : i32
    %jit3A_867 = arith.constant 0 : i32
    %broadcast_in_dim3A_868 = vector.broadcast %jit3A_866 : i32 to vector<16xi32>
    %broadcast_in_dim3A_869 = vector.broadcast %jit3A_867 : i32 to vector<16xi32>
    %select_n3A_870 = arith.select %eq3A_865, %broadcast_in_dim3A_868, %broadcast_in_dim3A_869 : vector<16xi1>, vector<16xi32>
    %broadcast_in_dim3A_871 = arith.constant true
    %broadcast_in_dim3A_872 = vector.broadcast %broadcast_in_dim3A_871 : i1 to vector<16xi1>
    %masked_cumsum3A_873 = tpu.scan <sum>, %select_n3A_870 masked %broadcast_in_dim3A_872 : vector<16xi32>, vector<16xi1> -> vector<16xi32>
    %add3A_874 = vector.broadcast %add3A_700 : i32 to vector<16xi32>
    %add3A_875 = arith.addi %add3A_874, %masked_cumsum3A_873 : vector<16xi32>
    %sub3A_876 = arith.constant 1 : i32
    %sub3A_877 = vector.broadcast %sub3A_876 : i32 to vector<16xi32>
    %sub3A_878 = arith.subi %add3A_875, %sub3A_877 : vector<16xi32>
    %select_n3A_879 = arith.select %eq3A_865, %sub3A_878, %select_n3A_857 : vector<16xi1>, vector<16xi32>
    %reduce_sum3A_880 = arith.constant true
    %reduce_sum3A_881 = vector.broadcast %reduce_sum3A_880 : i1 to vector<16xi1>
    %reduce_sum3A_882 = tpu.scan <sum>, %select_n3A_870 masked %reduce_sum3A_881 : vector<16xi32>, vector<16xi1> -> vector<16xi32>
    %reduce_sum3A_883 = vector.extract %reduce_sum3A_882[15] : i32 from vector<16xi32>
    %add3A_884 = arith.addi %add3A_700, %reduce_sum3A_883 : i32
    %eq3A_885 = arith.constant 6 : i32
    %eq3A_886 = vector.broadcast %eq3A_885 : i32 to vector<16xi32>
    %eq3A_887 = arith.cmpi eq, %get3A_750, %eq3A_886 : vector<16xi32>
    %jit3A_888 = arith.constant 1 : i32
    %jit3A_889 = arith.constant 0 : i32
    %broadcast_in_dim3A_890 = vector.broadcast %jit3A_888 : i32 to vector<16xi32>
    %broadcast_in_dim3A_891 = vector.broadcast %jit3A_889 : i32 to vector<16xi32>
    %select_n3A_892 = arith.select %eq3A_887, %broadcast_in_dim3A_890, %broadcast_in_dim3A_891 : vector<16xi1>, vector<16xi32>
    %broadcast_in_dim3A_893 = arith.constant true
    %broadcast_in_dim3A_894 = vector.broadcast %broadcast_in_dim3A_893 : i1 to vector<16xi1>
    %masked_cumsum3A_895 = tpu.scan <sum>, %select_n3A_892 masked %broadcast_in_dim3A_894 : vector<16xi32>, vector<16xi1> -> vector<16xi32>
    %add3A_896 = vector.broadcast %add3A_722 : i32 to vector<16xi32>
    %add3A_897 = arith.addi %add3A_896, %masked_cumsum3A_895 : vector<16xi32>
    %sub3A_898 = arith.constant 1 : i32
    %sub3A_899 = vector.broadcast %sub3A_898 : i32 to vector<16xi32>
    %sub3A_900 = arith.subi %add3A_897, %sub3A_899 : vector<16xi32>
    %select_n3A_901 = arith.select %eq3A_887, %sub3A_900, %select_n3A_879 : vector<16xi1>, vector<16xi32>
    %reduce_sum3A_902 = arith.constant true
    %reduce_sum3A_903 = vector.broadcast %reduce_sum3A_902 : i1 to vector<16xi1>
    %reduce_sum3A_904 = tpu.scan <sum>, %select_n3A_892 masked %reduce_sum3A_903 : vector<16xi32>, vector<16xi1> -> vector<16xi32>
    %reduce_sum3A_905 = vector.extract %reduce_sum3A_904[15] : i32 from vector<16xi32>
    %add3A_906 = arith.addi %add3A_722, %reduce_sum3A_905 : i32
    %eq3A_907 = arith.constant 7 : i32
    %eq3A_908 = vector.broadcast %eq3A_907 : i32 to vector<16xi32>
    %eq3A_909 = arith.cmpi eq, %get3A_750, %eq3A_908 : vector<16xi32>
    %jit3A_910 = arith.constant 1 : i32
    %jit3A_911 = arith.constant 0 : i32
    %broadcast_in_dim3A_912 = vector.broadcast %jit3A_910 : i32 to vector<16xi32>
    %broadcast_in_dim3A_913 = vector.broadcast %jit3A_911 : i32 to vector<16xi32>
    %select_n3A_914 = arith.select %eq3A_909, %broadcast_in_dim3A_912, %broadcast_in_dim3A_913 : vector<16xi1>, vector<16xi32>
    %broadcast_in_dim3A_915 = arith.constant true
    %broadcast_in_dim3A_916 = vector.broadcast %broadcast_in_dim3A_915 : i1 to vector<16xi1>
    %masked_cumsum3A_917 = tpu.scan <sum>, %select_n3A_914 masked %broadcast_in_dim3A_916 : vector<16xi32>, vector<16xi1> -> vector<16xi32>
    %add3A_918 = vector.broadcast %add3A_744 : i32 to vector<16xi32>
    %add3A_919 = arith.addi %add3A_918, %masked_cumsum3A_917 : vector<16xi32>
    %sub3A_920 = arith.constant 1 : i32
    %sub3A_921 = vector.broadcast %sub3A_920 : i32 to vector<16xi32>
    %sub3A_922 = arith.subi %add3A_919, %sub3A_921 : vector<16xi32>
    %select_n3A_923 = arith.select %eq3A_909, %sub3A_922, %select_n3A_901 : vector<16xi1>, vector<16xi32>
    %reduce_sum3A_924 = arith.constant true
    %reduce_sum3A_925 = vector.broadcast %reduce_sum3A_924 : i1 to vector<16xi1>
    %reduce_sum3A_926 = tpu.scan <sum>, %select_n3A_914 masked %reduce_sum3A_925 : vector<16xi32>, vector<16xi1> -> vector<16xi32>
    %reduce_sum3A_927 = vector.extract %reduce_sum3A_926[15] : i32 from vector<16xi32>
    %add3A_928 = arith.addi %add3A_744, %reduce_sum3A_927 : i32
    %swap3A_929 = arith.constant 32 : index
    %swap3A_930 = tpu.vector_load %arg8[%swap3A_929] {strides = array<i32>} : memref<128xi32, #tpu.memory_space<vmem>>, vector<16xi32>,
    tpu.vector_store %arg8[%swap3A_929], %select_n3A_923 {strides = array<i32>} : memref<128xi32, #tpu.memory_space<vmem>>, vector<16xi32>,
    %add3A_931 = arith.constant 48 : i32
    %add3A_932 = arith.addi %mul3A_2, %add3A_931 : i32
    %get3A_933 = arith.index_cast %add3A_932 : i32 to index
    %get3A_934 = tpu.vector_load %arg7[%get3A_933] {strides = array<i32>} : memref<4096xi32, #tpu.memory_space<vmem>>, vector<16xi32>,
    %broadcast_in_dim3A_935 = arith.constant 0 : i32
    %broadcast_in_dim3A_936 = vector.broadcast %broadcast_in_dim3A_935 : i32 to vector<16xi32>
    %eq3A_937 = arith.constant 0 : i32
    %eq3A_938 = vector.broadcast %eq3A_937 : i32 to vector<16xi32>
    %eq3A_939 = arith.cmpi eq, %get3A_934, %eq3A_938 : vector<16xi32>
    %jit3A_940 = arith.constant 1 : i32
    %jit3A_941 = arith.constant 0 : i32
    %broadcast_in_dim3A_942 = vector.broadcast %jit3A_940 : i32 to vector<16xi32>
    %broadcast_in_dim3A_943 = vector.broadcast %jit3A_941 : i32 to vector<16xi32>
    %select_n3A_944 = arith.select %eq3A_939, %broadcast_in_dim3A_942, %broadcast_in_dim3A_943 : vector<16xi1>, vector<16xi32>
    %broadcast_in_dim3A_945 = arith.constant true
    %broadcast_in_dim3A_946 = vector.broadcast %broadcast_in_dim3A_945 : i1 to vector<16xi1>
    %masked_cumsum3A_947 = tpu.scan <sum>, %select_n3A_944 masked %broadcast_in_dim3A_946 : vector<16xi32>, vector<16xi1> -> vector<16xi32>
    %add3A_948 = vector.broadcast %add3A_774 : i32 to vector<16xi32>
    %add3A_949 = arith.addi %add3A_948, %masked_cumsum3A_947 : vector<16xi32>
    %sub3A_950 = arith.constant 1 : i32
    %sub3A_951 = vector.broadcast %sub3A_950 : i32 to vector<16xi32>
    %sub3A_952 = arith.subi %add3A_949, %sub3A_951 : vector<16xi32>
    %select_n3A_953 = arith.select %eq3A_939, %sub3A_952, %broadcast_in_dim3A_936 : vector<16xi1>, vector<16xi32>
    %reduce_sum3A_954 = arith.constant true
    %reduce_sum3A_955 = vector.broadcast %reduce_sum3A_954 : i1 to vector<16xi1>
    %reduce_sum3A_956 = tpu.scan <sum>, %select_n3A_944 masked %reduce_sum3A_955 : vector<16xi32>, vector<16xi1> -> vector<16xi32>
    %reduce_sum3A_957 = vector.extract %reduce_sum3A_956[15] : i32 from vector<16xi32>
    %add3A_958 = arith.addi %add3A_774, %reduce_sum3A_957 : i32
    %eq3A_959 = arith.constant 1 : i32
    %eq3A_960 = vector.broadcast %eq3A_959 : i32 to vector<16xi32>
    %eq3A_961 = arith.cmpi eq, %get3A_934, %eq3A_960 : vector<16xi32>
    %jit3A_962 = arith.constant 1 : i32
    %jit3A_963 = arith.constant 0 : i32
    %broadcast_in_dim3A_964 = vector.broadcast %jit3A_962 : i32 to vector<16xi32>
    %broadcast_in_dim3A_965 = vector.broadcast %jit3A_963 : i32 to vector<16xi32>
    %select_n3A_966 = arith.select %eq3A_961, %broadcast_in_dim3A_964, %broadcast_in_dim3A_965 : vector<16xi1>, vector<16xi32>
    %broadcast_in_dim3A_967 = arith.constant true
    %broadcast_in_dim3A_968 = vector.broadcast %broadcast_in_dim3A_967 : i1 to vector<16xi1>
    %masked_cumsum3A_969 = tpu.scan <sum>, %select_n3A_966 masked %broadcast_in_dim3A_968 : vector<16xi32>, vector<16xi1> -> vector<16xi32>
    %add3A_970 = vector.broadcast %add3A_796 : i32 to vector<16xi32>
    %add3A_971 = arith.addi %add3A_970, %masked_cumsum3A_969 : vector<16xi32>
    %sub3A_972 = arith.constant 1 : i32
    %sub3A_973 = vector.broadcast %sub3A_972 : i32 to vector<16xi32>
    %sub3A_974 = arith.subi %add3A_971, %sub3A_973 : vector<16xi32>
    %select_n3A_975 = arith.select %eq3A_961, %sub3A_974, %select_n3A_953 : vector<16xi1>, vector<16xi32>
    %reduce_sum3A_976 = arith.constant true
    %reduce_sum3A_977 = vector.broadcast %reduce_sum3A_976 : i1 to vector<16xi1>
    %reduce_sum3A_978 = tpu.scan <sum>, %select_n3A_966 masked %reduce_sum3A_977 : vector<16xi32>, vector<16xi1> -> vector<16xi32>
    %reduce_sum3A_979 = vector.extract %reduce_sum3A_978[15] : i32 from vector<16xi32>
    %add3A_980 = arith.addi %add3A_796, %reduce_sum3A_979 : i32
    %eq3A_981 = arith.constant 2 : i32
    %eq3A_982 = vector.broadcast %eq3A_981 : i32 to vector<16xi32>
    %eq3A_983 = arith.cmpi eq, %get3A_934, %eq3A_982 : vector<16xi32>
    %jit3A_984 = arith.constant 1 : i32
    %jit3A_985 = arith.constant 0 : i32
    %broadcast_in_dim3A_986 = vector.broadcast %jit3A_984 : i32 to vector<16xi32>
    %broadcast_in_dim3A_987 = vector.broadcast %jit3A_985 : i32 to vector<16xi32>
    %select_n3A_988 = arith.select %eq3A_983, %broadcast_in_dim3A_986, %broadcast_in_dim3A_987 : vector<16xi1>, vector<16xi32>
    %broadcast_in_dim3A_989 = arith.constant true
    %broadcast_in_dim3A_990 = vector.broadcast %broadcast_in_dim3A_989 : i1 to vector<16xi1>
    %masked_cumsum3A_991 = tpu.scan <sum>, %select_n3A_988 masked %broadcast_in_dim3A_990 : vector<16xi32>, vector<16xi1> -> vector<16xi32>
    %add3A_992 = vector.broadcast %add3A_818 : i32 to vector<16xi32>
    %add3A_993 = arith.addi %add3A_992, %masked_cumsum3A_991 : vector<16xi32>
    %sub3A_994 = arith.constant 1 : i32
    %sub3A_995 = vector.broadcast %sub3A_994 : i32 to vector<16xi32>
    %sub3A_996 = arith.subi %add3A_993, %sub3A_995 : vector<16xi32>
    %select_n3A_997 = arith.select %eq3A_983, %sub3A_996, %select_n3A_975 : vector<16xi1>, vector<16xi32>
    %reduce_sum3A_998 = arith.constant true
    %reduce_sum3A_999 = vector.broadcast %reduce_sum3A_998 : i1 to vector<16xi1>
    %reduce_sum3A_1000 = tpu.scan <sum>, %select_n3A_988 masked %reduce_sum3A_999 : vector<16xi32>, vector<16xi1> -> vector<16xi32>
    %reduce_sum3A_1001 = vector.extract %reduce_sum3A_1000[15] : i32 from vector<16xi32>
    %add3A_1002 = arith.addi %add3A_818, %reduce_sum3A_1001 : i32
    %eq3A_1003 = arith.constant 3 : i32
    %eq3A_1004 = vector.broadcast %eq3A_1003 : i32 to vector<16xi32>
    %eq3A_1005 = arith.cmpi eq, %get3A_934, %eq3A_1004 : vector<16xi32>
    %jit3A_1006 = arith.constant 1 : i32
    %jit3A_1007 = arith.constant 0 : i32
    %broadcast_in_dim3A_1008 = vector.broadcast %jit3A_1006 : i32 to vector<16xi32>
    %broadcast_in_dim3A_1009 = vector.broadcast %jit3A_1007 : i32 to vector<16xi32>
    %select_n3A_1010 = arith.select %eq3A_1005, %broadcast_in_dim3A_1008, %broadcast_in_dim3A_1009 : vector<16xi1>, vector<16xi32>
    %broadcast_in_dim3A_1011 = arith.constant true
    %broadcast_in_dim3A_1012 = vector.broadcast %broadcast_in_dim3A_1011 : i1 to vector<16xi1>
    %masked_cumsum3A_1013 = tpu.scan <sum>, %select_n3A_1010 masked %broadcast_in_dim3A_1012 : vector<16xi32>, vector<16xi1> -> vector<16xi32>
    %add3A_1014 = vector.broadcast %add3A_840 : i32 to vector<16xi32>
    %add3A_1015 = arith.addi %add3A_1014, %masked_cumsum3A_1013 : vector<16xi32>
    %sub3A_1016 = arith.constant 1 : i32
    %sub3A_1017 = vector.broadcast %sub3A_1016 : i32 to vector<16xi32>
    %sub3A_1018 = arith.subi %add3A_1015, %sub3A_1017 : vector<16xi32>
    %select_n3A_1019 = arith.select %eq3A_1005, %sub3A_1018, %select_n3A_997 : vector<16xi1>, vector<16xi32>
    %reduce_sum3A_1020 = arith.constant true
    %reduce_sum3A_1021 = vector.broadcast %reduce_sum3A_1020 : i1 to vector<16xi1>
    %reduce_sum3A_1022 = tpu.scan <sum>, %select_n3A_1010 masked %reduce_sum3A_1021 : vector<16xi32>, vector<16xi1> -> vector<16xi32>
    %reduce_sum3A_1023 = vector.extract %reduce_sum3A_1022[15] : i32 from vector<16xi32>
    %add3A_1024 = arith.addi %add3A_840, %reduce_sum3A_1023 : i32
    %eq3A_1025 = arith.constant 4 : i32
    %eq3A_1026 = vector.broadcast %eq3A_1025 : i32 to vector<16xi32>
    %eq3A_1027 = arith.cmpi eq, %get3A_934, %eq3A_1026 : vector<16xi32>
    %jit3A_1028 = arith.constant 1 : i32
    %jit3A_1029 = arith.constant 0 : i32
    %broadcast_in_dim3A_1030 = vector.broadcast %jit3A_1028 : i32 to vector<16xi32>
    %broadcast_in_dim3A_1031 = vector.broadcast %jit3A_1029 : i32 to vector<16xi32>
    %select_n3A_1032 = arith.select %eq3A_1027, %broadcast_in_dim3A_1030, %broadcast_in_dim3A_1031 : vector<16xi1>, vector<16xi32>
    %broadcast_in_dim3A_1033 = arith.constant true
    %broadcast_in_dim3A_1034 = vector.broadcast %broadcast_in_dim3A_1033 : i1 to vector<16xi1>
    %masked_cumsum3A_1035 = tpu.scan <sum>, %select_n3A_1032 masked %broadcast_in_dim3A_1034 : vector<16xi32>, vector<16xi1> -> vector<16xi32>
    %add3A_1036 = vector.broadcast %add3A_862 : i32 to vector<16xi32>
    %add3A_1037 = arith.addi %add3A_1036, %masked_cumsum3A_1035 : vector<16xi32>
    %sub3A_1038 = arith.constant 1 : i32
    %sub3A_1039 = vector.broadcast %sub3A_1038 : i32 to vector<16xi32>
    %sub3A_1040 = arith.subi %add3A_1037, %sub3A_1039 : vector<16xi32>
    %select_n3A_1041 = arith.select %eq3A_1027, %sub3A_1040, %select_n3A_1019 : vector<16xi1>, vector<16xi32>
    %reduce_sum3A_1042 = arith.constant true
    %reduce_sum3A_1043 = vector.broadcast %reduce_sum3A_1042 : i1 to vector<16xi1>
    %reduce_sum3A_1044 = tpu.scan <sum>, %select_n3A_1032 masked %reduce_sum3A_1043 : vector<16xi32>, vector<16xi1> -> vector<16xi32>
    %reduce_sum3A_1045 = vector.extract %reduce_sum3A_1044[15] : i32 from vector<16xi32>
    %add3A_1046 = arith.addi %add3A_862, %reduce_sum3A_1045 : i32
    %eq3A_1047 = arith.constant 5 : i32
    %eq3A_1048 = vector.broadcast %eq3A_1047 : i32 to vector<16xi32>
    %eq3A_1049 = arith.cmpi eq, %get3A_934, %eq3A_1048 : vector<16xi32>
    %jit3A_1050 = arith.constant 1 : i32
    %jit3A_1051 = arith.constant 0 : i32
    %broadcast_in_dim3A_1052 = vector.broadcast %jit3A_1050 : i32 to vector<16xi32>
    %broadcast_in_dim3A_1053 = vector.broadcast %jit3A_1051 : i32 to vector<16xi32>
    %select_n3A_1054 = arith.select %eq3A_1049, %broadcast_in_dim3A_1052, %broadcast_in_dim3A_1053 : vector<16xi1>, vector<16xi32>
    %broadcast_in_dim3A_1055 = arith.constant true
    %broadcast_in_dim3A_1056 = vector.broadcast %broadcast_in_dim3A_1055 : i1 to vector<16xi1>
    %masked_cumsum3A_1057 = tpu.scan <sum>, %select_n3A_1054 masked %broadcast_in_dim3A_1056 : vector<16xi32>, vector<16xi1> -> vector<16xi32>
    %add3A_1058 = vector.broadcast %add3A_884 : i32 to vector<16xi32>
    %add3A_1059 = arith.addi %add3A_1058, %masked_cumsum3A_1057 : vector<16xi32>
    %sub3A_1060 = arith.constant 1 : i32
    %sub3A_1061 = vector.broadcast %sub3A_1060 : i32 to vector<16xi32>
    %sub3A_1062 = arith.subi %add3A_1059, %sub3A_1061 : vector<16xi32>
    %select_n3A_1063 = arith.select %eq3A_1049, %sub3A_1062, %select_n3A_1041 : vector<16xi1>, vector<16xi32>
    %reduce_sum3A_1064 = arith.constant true
    %reduce_sum3A_1065 = vector.broadcast %reduce_sum3A_1064 : i1 to vector<16xi1>
    %reduce_sum3A_1066 = tpu.scan <sum>, %select_n3A_1054 masked %reduce_sum3A_1065 : vector<16xi32>, vector<16xi1> -> vector<16xi32>
    %reduce_sum3A_1067 = vector.extract %reduce_sum3A_1066[15] : i32 from vector<16xi32>
    %add3A_1068 = arith.addi %add3A_884, %reduce_sum3A_1067 : i32
    %eq3A_1069 = arith.constant 6 : i32
    %eq3A_1070 = vector.broadcast %eq3A_1069 : i32 to vector<16xi32>
    %eq3A_1071 = arith.cmpi eq, %get3A_934, %eq3A_1070 : vector<16xi32>
    %jit3A_1072 = arith.constant 1 : i32
    %jit3A_1073 = arith.constant 0 : i32
    %broadcast_in_dim3A_1074 = vector.broadcast %jit3A_1072 : i32 to vector<16xi32>
    %broadcast_in_dim3A_1075 = vector.broadcast %jit3A_1073 : i32 to vector<16xi32>
    %select_n3A_1076 = arith.select %eq3A_1071, %broadcast_in_dim3A_1074, %broadcast_in_dim3A_1075 : vector<16xi1>, vector<16xi32>
    %broadcast_in_dim3A_1077 = arith.constant true
    %broadcast_in_dim3A_1078 = vector.broadcast %broadcast_in_dim3A_1077 : i1 to vector<16xi1>
    %masked_cumsum3A_1079 = tpu.scan <sum>, %select_n3A_1076 masked %broadcast_in_dim3A_1078 : vector<16xi32>, vector<16xi1> -> vector<16xi32>
    %add3A_1080 = vector.broadcast %add3A_906 : i32 to vector<16xi32>
    %add3A_1081 = arith.addi %add3A_1080, %masked_cumsum3A_1079 : vector<16xi32>
    %sub3A_1082 = arith.constant 1 : i32
    %sub3A_1083 = vector.broadcast %sub3A_1082 : i32 to vector<16xi32>
    %sub3A_1084 = arith.subi %add3A_1081, %sub3A_1083 : vector<16xi32>
    %select_n3A_1085 = arith.select %eq3A_1071, %sub3A_1084, %select_n3A_1063 : vector<16xi1>, vector<16xi32>
    %reduce_sum3A_1086 = arith.constant true
    %reduce_sum3A_1087 = vector.broadcast %reduce_sum3A_1086 : i1 to vector<16xi1>
    %reduce_sum3A_1088 = tpu.scan <sum>, %select_n3A_1076 masked %reduce_sum3A_1087 : vector<16xi32>, vector<16xi1> -> vector<16xi32>
    %reduce_sum3A_1089 = vector.extract %reduce_sum3A_1088[15] : i32 from vector<16xi32>
    %add3A_1090 = arith.addi %add3A_906, %reduce_sum3A_1089 : i32
    %eq3A_1091 = arith.constant 7 : i32
    %eq3A_1092 = vector.broadcast %eq3A_1091 : i32 to vector<16xi32>
    %eq3A_1093 = arith.cmpi eq, %get3A_934, %eq3A_1092 : vector<16xi32>
    %jit3A_1094 = arith.constant 1 : i32
    %jit3A_1095 = arith.constant 0 : i32
    %broadcast_in_dim3A_1096 = vector.broadcast %jit3A_1094 : i32 to vector<16xi32>
    %broadcast_in_dim3A_1097 = vector.broadcast %jit3A_1095 : i32 to vector<16xi32>
    %select_n3A_1098 = arith.select %eq3A_1093, %broadcast_in_dim3A_1096, %broadcast_in_dim3A_1097 : vector<16xi1>, vector<16xi32>
    %broadcast_in_dim3A_1099 = arith.constant true
    %broadcast_in_dim3A_1100 = vector.broadcast %broadcast_in_dim3A_1099 : i1 to vector<16xi1>
    %masked_cumsum3A_1101 = tpu.scan <sum>, %select_n3A_1098 masked %broadcast_in_dim3A_1100 : vector<16xi32>, vector<16xi1> -> vector<16xi32>
    %add3A_1102 = vector.broadcast %add3A_928 : i32 to vector<16xi32>
    %add3A_1103 = arith.addi %add3A_1102, %masked_cumsum3A_1101 : vector<16xi32>
    %sub3A_1104 = arith.constant 1 : i32
    %sub3A_1105 = vector.broadcast %sub3A_1104 : i32 to vector<16xi32>
    %sub3A_1106 = arith.subi %add3A_1103, %sub3A_1105 : vector<16xi32>
    %select_n3A_1107 = arith.select %eq3A_1093, %sub3A_1106, %select_n3A_1085 : vector<16xi1>, vector<16xi32>
    %reduce_sum3A_1108 = arith.constant true
    %reduce_sum3A_1109 = vector.broadcast %reduce_sum3A_1108 : i1 to vector<16xi1>
    %reduce_sum3A_1110 = tpu.scan <sum>, %select_n3A_1098 masked %reduce_sum3A_1109 : vector<16xi32>, vector<16xi1> -> vector<16xi32>
    %reduce_sum3A_1111 = vector.extract %reduce_sum3A_1110[15] : i32 from vector<16xi32>
    %add3A_1112 = arith.addi %add3A_928, %reduce_sum3A_1111 : i32
    %swap3A_1113 = arith.constant 48 : index
    %swap3A_1114 = tpu.vector_load %arg8[%swap3A_1113] {strides = array<i32>} : memref<128xi32, #tpu.memory_space<vmem>>, vector<16xi32>,
    tpu.vector_store %arg8[%swap3A_1113], %select_n3A_1107 {strides = array<i32>} : memref<128xi32, #tpu.memory_space<vmem>>, vector<16xi32>,
    %add3A_1115 = arith.constant 64 : i32
    %add3A_1116 = arith.addi %mul3A_2, %add3A_1115 : i32
    %get3A_1117 = arith.index_cast %add3A_1116 : i32 to index
    %get3A_1118 = tpu.vector_load %arg7[%get3A_1117] {strides = array<i32>} : memref<4096xi32, #tpu.memory_space<vmem>>, vector<16xi32>,
    %broadcast_in_dim3A_1119 = arith.constant 0 : i32
    %broadcast_in_dim3A_1120 = vector.broadcast %broadcast_in_dim3A_1119 : i32 to vector<16xi32>
    %eq3A_1121 = arith.constant 0 : i32
    %eq3A_1122 = vector.broadcast %eq3A_1121 : i32 to vector<16xi32>
    %eq3A_1123 = arith.cmpi eq, %get3A_1118, %eq3A_1122 : vector<16xi32>
    %jit3A_1124 = arith.constant 1 : i32
    %jit3A_1125 = arith.constant 0 : i32
    %broadcast_in_dim3A_1126 = vector.broadcast %jit3A_1124 : i32 to vector<16xi32>
    %broadcast_in_dim3A_1127 = vector.broadcast %jit3A_1125 : i32 to vector<16xi32>
    %select_n3A_1128 = arith.select %eq3A_1123, %broadcast_in_dim3A_1126, %broadcast_in_dim3A_1127 : vector<16xi1>, vector<16xi32>
    %broadcast_in_dim3A_1129 = arith.constant true
    %broadcast_in_dim3A_1130 = vector.broadcast %broadcast_in_dim3A_1129 : i1 to vector<16xi1>
    %masked_cumsum3A_1131 = tpu.scan <sum>, %select_n3A_1128 masked %broadcast_in_dim3A_1130 : vector<16xi32>, vector<16xi1> -> vector<16xi32>
    %add3A_1132 = vector.broadcast %add3A_958 : i32 to vector<16xi32>
    %add3A_1133 = arith.addi %add3A_1132, %masked_cumsum3A_1131 : vector<16xi32>
    %sub3A_1134 = arith.constant 1 : i32
    %sub3A_1135 = vector.broadcast %sub3A_1134 : i32 to vector<16xi32>
    %sub3A_1136 = arith.subi %add3A_1133, %sub3A_1135 : vector<16xi32>
    %select_n3A_1137 = arith.select %eq3A_1123, %sub3A_1136, %broadcast_in_dim3A_1120 : vector<16xi1>, vector<16xi32>
    %reduce_sum3A_1138 = arith.constant true
    %reduce_sum3A_1139 = vector.broadcast %reduce_sum3A_1138 : i1 to vector<16xi1>
    %reduce_sum3A_1140 = tpu.scan <sum>, %select_n3A_1128 masked %reduce_sum3A_1139 : vector<16xi32>, vector<16xi1> -> vector<16xi32>
    %reduce_sum3A_1141 = vector.extract %reduce_sum3A_1140[15] : i32 from vector<16xi32>
    %add3A_1142 = arith.addi %add3A_958, %reduce_sum3A_1141 : i32
    %eq3A_1143 = arith.constant 1 : i32
    %eq3A_1144 = vector.broadcast %eq3A_1143 : i32 to vector<16xi32>
    %eq3A_1145 = arith.cmpi eq, %get3A_1118, %eq3A_1144 : vector<16xi32>
    %jit3A_1146 = arith.constant 1 : i32
    %jit3A_1147 = arith.constant 0 : i32
    %broadcast_in_dim3A_1148 = vector.broadcast %jit3A_1146 : i32 to vector<16xi32>
    %broadcast_in_dim3A_1149 = vector.broadcast %jit3A_1147 : i32 to vector<16xi32>
    %select_n3A_1150 = arith.select %eq3A_1145, %broadcast_in_dim3A_1148, %broadcast_in_dim3A_1149 : vector<16xi1>, vector<16xi32>
    %broadcast_in_dim3A_1151 = arith.constant true
    %broadcast_in_dim3A_1152 = vector.broadcast %broadcast_in_dim3A_1151 : i1 to vector<16xi1>
    %masked_cumsum3A_1153 = tpu.scan <sum>, %select_n3A_1150 masked %broadcast_in_dim3A_1152 : vector<16xi32>, vector<16xi1> -> vector<16xi32>
    %add3A_1154 = vector.broadcast %add3A_980 : i32 to vector<16xi32>
    %add3A_1155 = arith.addi %add3A_1154, %masked_cumsum3A_1153 : vector<16xi32>
    %sub3A_1156 = arith.constant 1 : i32
    %sub3A_1157 = vector.broadcast %sub3A_1156 : i32 to vector<16xi32>
    %sub3A_1158 = arith.subi %add3A_1155, %sub3A_1157 : vector<16xi32>
    %select_n3A_1159 = arith.select %eq3A_1145, %sub3A_1158, %select_n3A_1137 : vector<16xi1>, vector<16xi32>
    %reduce_sum3A_1160 = arith.constant true
    %reduce_sum3A_1161 = vector.broadcast %reduce_sum3A_1160 : i1 to vector<16xi1>
    %reduce_sum3A_1162 = tpu.scan <sum>, %select_n3A_1150 masked %reduce_sum3A_1161 : vector<16xi32>, vector<16xi1> -> vector<16xi32>
    %reduce_sum3A_1163 = vector.extract %reduce_sum3A_1162[15] : i32 from vector<16xi32>
    %add3A_1164 = arith.addi %add3A_980, %reduce_sum3A_1163 : i32
    %eq3A_1165 = arith.constant 2 : i32
    %eq3A_1166 = vector.broadcast %eq3A_1165 : i32 to vector<16xi32>
    %eq3A_1167 = arith.cmpi eq, %get3A_1118, %eq3A_1166 : vector<16xi32>
    %jit3A_1168 = arith.constant 1 : i32
    %jit3A_1169 = arith.constant 0 : i32
    %broadcast_in_dim3A_1170 = vector.broadcast %jit3A_1168 : i32 to vector<16xi32>
    %broadcast_in_dim3A_1171 = vector.broadcast %jit3A_1169 : i32 to vector<16xi32>
    %select_n3A_1172 = arith.select %eq3A_1167, %broadcast_in_dim3A_1170, %broadcast_in_dim3A_1171 : vector<16xi1>, vector<16xi32>
    %broadcast_in_dim3A_1173 = arith.constant true
    %broadcast_in_dim3A_1174 = vector.broadcast %broadcast_in_dim3A_1173 : i1 to vector<16xi1>
    %masked_cumsum3A_1175 = tpu.scan <sum>, %select_n3A_1172 masked %broadcast_in_dim3A_1174 : vector<16xi32>, vector<16xi1> -> vector<16xi32>
    %add3A_1176 = vector.broadcast %add3A_1002 : i32 to vector<16xi32>
    %add3A_1177 = arith.addi %add3A_1176, %masked_cumsum3A_1175 : vector<16xi32>
    %sub3A_1178 = arith.constant 1 : i32
    %sub3A_1179 = vector.broadcast %sub3A_1178 : i32 to vector<16xi32>
    %sub3A_1180 = arith.subi %add3A_1177, %sub3A_1179 : vector<16xi32>
    %select_n3A_1181 = arith.select %eq3A_1167, %sub3A_1180, %select_n3A_1159 : vector<16xi1>, vector<16xi32>
    %reduce_sum3A_1182 = arith.constant true
    %reduce_sum3A_1183 = vector.broadcast %reduce_sum3A_1182 : i1 to vector<16xi1>
    %reduce_sum3A_1184 = tpu.scan <sum>, %select_n3A_1172 masked %reduce_sum3A_1183 : vector<16xi32>, vector<16xi1> -> vector<16xi32>
    %reduce_sum3A_1185 = vector.extract %reduce_sum3A_1184[15] : i32 from vector<16xi32>
    %add3A_1186 = arith.addi %add3A_1002, %reduce_sum3A_1185 : i32
    %eq3A_1187 = arith.constant 3 : i32
    %eq3A_1188 = vector.broadcast %eq3A_1187 : i32 to vector<16xi32>
    %eq3A_1189 = arith.cmpi eq, %get3A_1118, %eq3A_1188 : vector<16xi32>
    %jit3A_1190 = arith.constant 1 : i32
    %jit3A_1191 = arith.constant 0 : i32
    %broadcast_in_dim3A_1192 = vector.broadcast %jit3A_1190 : i32 to vector<16xi32>
    %broadcast_in_dim3A_1193 = vector.broadcast %jit3A_1191 : i32 to vector<16xi32>
    %select_n3A_1194 = arith.select %eq3A_1189, %broadcast_in_dim3A_1192, %broadcast_in_dim3A_1193 : vector<16xi1>, vector<16xi32>
    %broadcast_in_dim3A_1195 = arith.constant true
    %broadcast_in_dim3A_1196 = vector.broadcast %broadcast_in_dim3A_1195 : i1 to vector<16xi1>
    %masked_cumsum3A_1197 = tpu.scan <sum>, %select_n3A_1194 masked %broadcast_in_dim3A_1196 : vector<16xi32>, vector<16xi1> -> vector<16xi32>
    %add3A_1198 = vector.broadcast %add3A_1024 : i32 to vector<16xi32>
    %add3A_1199 = arith.addi %add3A_1198, %masked_cumsum3A_1197 : vector<16xi32>
    %sub3A_1200 = arith.constant 1 : i32
    %sub3A_1201 = vector.broadcast %sub3A_1200 : i32 to vector<16xi32>
    %sub3A_1202 = arith.subi %add3A_1199, %sub3A_1201 : vector<16xi32>
    %select_n3A_1203 = arith.select %eq3A_1189, %sub3A_1202, %select_n3A_1181 : vector<16xi1>, vector<16xi32>
    %reduce_sum3A_1204 = arith.constant true
    %reduce_sum3A_1205 = vector.broadcast %reduce_sum3A_1204 : i1 to vector<16xi1>
    %reduce_sum3A_1206 = tpu.scan <sum>, %select_n3A_1194 masked %reduce_sum3A_1205 : vector<16xi32>, vector<16xi1> -> vector<16xi32>
    %reduce_sum3A_1207 = vector.extract %reduce_sum3A_1206[15] : i32 from vector<16xi32>
    %add3A_1208 = arith.addi %add3A_1024, %reduce_sum3A_1207 : i32
    %eq3A_1209 = arith.constant 4 : i32
    %eq3A_1210 = vector.broadcast %eq3A_1209 : i32 to vector<16xi32>
    %eq3A_1211 = arith.cmpi eq, %get3A_1118, %eq3A_1210 : vector<16xi32>
    %jit3A_1212 = arith.constant 1 : i32
    %jit3A_1213 = arith.constant 0 : i32
    %broadcast_in_dim3A_1214 = vector.broadcast %jit3A_1212 : i32 to vector<16xi32>
    %broadcast_in_dim3A_1215 = vector.broadcast %jit3A_1213 : i32 to vector<16xi32>
    %select_n3A_1216 = arith.select %eq3A_1211, %broadcast_in_dim3A_1214, %broadcast_in_dim3A_1215 : vector<16xi1>, vector<16xi32>
    %broadcast_in_dim3A_1217 = arith.constant true
    %broadcast_in_dim3A_1218 = vector.broadcast %broadcast_in_dim3A_1217 : i1 to vector<16xi1>
    %masked_cumsum3A_1219 = tpu.scan <sum>, %select_n3A_1216 masked %broadcast_in_dim3A_1218 : vector<16xi32>, vector<16xi1> -> vector<16xi32>
    %add3A_1220 = vector.broadcast %add3A_1046 : i32 to vector<16xi32>
    %add3A_1221 = arith.addi %add3A_1220, %masked_cumsum3A_1219 : vector<16xi32>
    %sub3A_1222 = arith.constant 1 : i32
    %sub3A_1223 = vector.broadcast %sub3A_1222 : i32 to vector<16xi32>
    %sub3A_1224 = arith.subi %add3A_1221, %sub3A_1223 : vector<16xi32>
    %select_n3A_1225 = arith.select %eq3A_1211, %sub3A_1224, %select_n3A_1203 : vector<16xi1>, vector<16xi32>
    %reduce_sum3A_1226 = arith.constant true
    %reduce_sum3A_1227 = vector.broadcast %reduce_sum3A_1226 : i1 to vector<16xi1>
    %reduce_sum3A_1228 = tpu.scan <sum>, %select_n3A_1216 masked %reduce_sum3A_1227 : vector<16xi32>, vector<16xi1> -> vector<16xi32>
    %reduce_sum3A_1229 = vector.extract %reduce_sum3A_1228[15] : i32 from vector<16xi32>
    %add3A_1230 = arith.addi %add3A_1046, %reduce_sum3A_1229 : i32
    %eq3A_1231 = arith.constant 5 : i32
    %eq3A_1232 = vector.broadcast %eq3A_1231 : i32 to vector<16xi32>
    %eq3A_1233 = arith.cmpi eq, %get3A_1118, %eq3A_1232 : vector<16xi32>
    %jit3A_1234 = arith.constant 1 : i32
    %jit3A_1235 = arith.constant 0 : i32
    %broadcast_in_dim3A_1236 = vector.broadcast %jit3A_1234 : i32 to vector<16xi32>
    %broadcast_in_dim3A_1237 = vector.broadcast %jit3A_1235 : i32 to vector<16xi32>
    %select_n3A_1238 = arith.select %eq3A_1233, %broadcast_in_dim3A_1236, %broadcast_in_dim3A_1237 : vector<16xi1>, vector<16xi32>
    %broadcast_in_dim3A_1239 = arith.constant true
    %broadcast_in_dim3A_1240 = vector.broadcast %broadcast_in_dim3A_1239 : i1 to vector<16xi1>
    %masked_cumsum3A_1241 = tpu.scan <sum>, %select_n3A_1238 masked %broadcast_in_dim3A_1240 : vector<16xi32>, vector<16xi1> -> vector<16xi32>
    %add3A_1242 = vector.broadcast %add3A_1068 : i32 to vector<16xi32>
    %add3A_1243 = arith.addi %add3A_1242, %masked_cumsum3A_1241 : vector<16xi32>
    %sub3A_1244 = arith.constant 1 : i32
    %sub3A_1245 = vector.broadcast %sub3A_1244 : i32 to vector<16xi32>
    %sub3A_1246 = arith.subi %add3A_1243, %sub3A_1245 : vector<16xi32>
    %select_n3A_1247 = arith.select %eq3A_1233, %sub3A_1246, %select_n3A_1225 : vector<16xi1>, vector<16xi32>
    %reduce_sum3A_1248 = arith.constant true
    %reduce_sum3A_1249 = vector.broadcast %reduce_sum3A_1248 : i1 to vector<16xi1>
    %reduce_sum3A_1250 = tpu.scan <sum>, %select_n3A_1238 masked %reduce_sum3A_1249 : vector<16xi32>, vector<16xi1> -> vector<16xi32>
    %reduce_sum3A_1251 = vector.extract %reduce_sum3A_1250[15] : i32 from vector<16xi32>
    %add3A_1252 = arith.addi %add3A_1068, %reduce_sum3A_1251 : i32
    %eq3A_1253 = arith.constant 6 : i32
    %eq3A_1254 = vector.broadcast %eq3A_1253 : i32 to vector<16xi32>
    %eq3A_1255 = arith.cmpi eq, %get3A_1118, %eq3A_1254 : vector<16xi32>
    %jit3A_1256 = arith.constant 1 : i32
    %jit3A_1257 = arith.constant 0 : i32
    %broadcast_in_dim3A_1258 = vector.broadcast %jit3A_1256 : i32 to vector<16xi32>
    %broadcast_in_dim3A_1259 = vector.broadcast %jit3A_1257 : i32 to vector<16xi32>
    %select_n3A_1260 = arith.select %eq3A_1255, %broadcast_in_dim3A_1258, %broadcast_in_dim3A_1259 : vector<16xi1>, vector<16xi32>
    %broadcast_in_dim3A_1261 = arith.constant true
    %broadcast_in_dim3A_1262 = vector.broadcast %broadcast_in_dim3A_1261 : i1 to vector<16xi1>
    %masked_cumsum3A_1263 = tpu.scan <sum>, %select_n3A_1260 masked %broadcast_in_dim3A_1262 : vector<16xi32>, vector<16xi1> -> vector<16xi32>
    %add3A_1264 = vector.broadcast %add3A_1090 : i32 to vector<16xi32>
    %add3A_1265 = arith.addi %add3A_1264, %masked_cumsum3A_1263 : vector<16xi32>
    %sub3A_1266 = arith.constant 1 : i32
    %sub3A_1267 = vector.broadcast %sub3A_1266 : i32 to vector<16xi32>
    %sub3A_1268 = arith.subi %add3A_1265, %sub3A_1267 : vector<16xi32>
    %select_n3A_1269 = arith.select %eq3A_1255, %sub3A_1268, %select_n3A_1247 : vector<16xi1>, vector<16xi32>
    %reduce_sum3A_1270 = arith.constant true
    %reduce_sum3A_1271 = vector.broadcast %reduce_sum3A_1270 : i1 to vector<16xi1>
    %reduce_sum3A_1272 = tpu.scan <sum>, %select_n3A_1260 masked %reduce_sum3A_1271 : vector<16xi32>, vector<16xi1> -> vector<16xi32>
    %reduce_sum3A_1273 = vector.extract %reduce_sum3A_1272[15] : i32 from vector<16xi32>
    %add3A_1274 = arith.addi %add3A_1090, %reduce_sum3A_1273 : i32
    %eq3A_1275 = arith.constant 7 : i32
    %eq3A_1276 = vector.broadcast %eq3A_1275 : i32 to vector<16xi32>
    %eq3A_1277 = arith.cmpi eq, %get3A_1118, %eq3A_1276 : vector<16xi32>
    %jit3A_1278 = arith.constant 1 : i32
    %jit3A_1279 = arith.constant 0 : i32
    %broadcast_in_dim3A_1280 = vector.broadcast %jit3A_1278 : i32 to vector<16xi32>
    %broadcast_in_dim3A_1281 = vector.broadcast %jit3A_1279 : i32 to vector<16xi32>
    %select_n3A_1282 = arith.select %eq3A_1277, %broadcast_in_dim3A_1280, %broadcast_in_dim3A_1281 : vector<16xi1>, vector<16xi32>
    %broadcast_in_dim3A_1283 = arith.constant true
    %broadcast_in_dim3A_1284 = vector.broadcast %broadcast_in_dim3A_1283 : i1 to vector<16xi1>
    %masked_cumsum3A_1285 = tpu.scan <sum>, %select_n3A_1282 masked %broadcast_in_dim3A_1284 : vector<16xi32>, vector<16xi1> -> vector<16xi32>
    %add3A_1286 = vector.broadcast %add3A_1112 : i32 to vector<16xi32>
    %add3A_1287 = arith.addi %add3A_1286, %masked_cumsum3A_1285 : vector<16xi32>
    %sub3A_1288 = arith.constant 1 : i32
    %sub3A_1289 = vector.broadcast %sub3A_1288 : i32 to vector<16xi32>
    %sub3A_1290 = arith.subi %add3A_1287, %sub3A_1289 : vector<16xi32>
    %select_n3A_1291 = arith.select %eq3A_1277, %sub3A_1290, %select_n3A_1269 : vector<16xi1>, vector<16xi32>
    %reduce_sum3A_1292 = arith.constant true
    %reduce_sum3A_1293 = vector.broadcast %reduce_sum3A_1292 : i1 to vector<16xi1>
    %reduce_sum3A_1294 = tpu.scan <sum>, %select_n3A_1282 masked %reduce_sum3A_1293 : vector<16xi32>, vector<16xi1> -> vector<16xi32>
    %reduce_sum3A_1295 = vector.extract %reduce_sum3A_1294[15] : i32 from vector<16xi32>
    %add3A_1296 = arith.addi %add3A_1112, %reduce_sum3A_1295 : i32
    %swap3A_1297 = arith.constant 64 : index
    %swap3A_1298 = tpu.vector_load %arg8[%swap3A_1297] {strides = array<i32>} : memref<128xi32, #tpu.memory_space<vmem>>, vector<16xi32>,
    tpu.vector_store %arg8[%swap3A_1297], %select_n3A_1291 {strides = array<i32>} : memref<128xi32, #tpu.memory_space<vmem>>, vector<16xi32>,
    %add3A_1299 = arith.constant 80 : i32
    %add3A_1300 = arith.addi %mul3A_2, %add3A_1299 : i32
    %get3A_1301 = arith.index_cast %add3A_1300 : i32 to index
    %get3A_1302 = tpu.vector_load %arg7[%get3A_1301] {strides = array<i32>} : memref<4096xi32, #tpu.memory_space<vmem>>, vector<16xi32>,
    %broadcast_in_dim3A_1303 = arith.constant 0 : i32
    %broadcast_in_dim3A_1304 = vector.broadcast %broadcast_in_dim3A_1303 : i32 to vector<16xi32>
    %eq3A_1305 = arith.constant 0 : i32
    %eq3A_1306 = vector.broadcast %eq3A_1305 : i32 to vector<16xi32>
    %eq3A_1307 = arith.cmpi eq, %get3A_1302, %eq3A_1306 : vector<16xi32>
    %jit3A_1308 = arith.constant 1 : i32
    %jit3A_1309 = arith.constant 0 : i32
    %broadcast_in_dim3A_1310 = vector.broadcast %jit3A_1308 : i32 to vector<16xi32>
    %broadcast_in_dim3A_1311 = vector.broadcast %jit3A_1309 : i32 to vector<16xi32>
    %select_n3A_1312 = arith.select %eq3A_1307, %broadcast_in_dim3A_1310, %broadcast_in_dim3A_1311 : vector<16xi1>, vector<16xi32>
    %broadcast_in_dim3A_1313 = arith.constant true
    %broadcast_in_dim3A_1314 = vector.broadcast %broadcast_in_dim3A_1313 : i1 to vector<16xi1>
    %masked_cumsum3A_1315 = tpu.scan <sum>, %select_n3A_1312 masked %broadcast_in_dim3A_1314 : vector<16xi32>, vector<16xi1> -> vector<16xi32>
    %add3A_1316 = vector.broadcast %add3A_1142 : i32 to vector<16xi32>
    %add3A_1317 = arith.addi %add3A_1316, %masked_cumsum3A_1315 : vector<16xi32>
    %sub3A_1318 = arith.constant 1 : i32
    %sub3A_1319 = vector.broadcast %sub3A_1318 : i32 to vector<16xi32>
    %sub3A_1320 = arith.subi %add3A_1317, %sub3A_1319 : vector<16xi32>
    %select_n3A_1321 = arith.select %eq3A_1307, %sub3A_1320, %broadcast_in_dim3A_1304 : vector<16xi1>, vector<16xi32>
    %reduce_sum3A_1322 = arith.constant true
    %reduce_sum3A_1323 = vector.broadcast %reduce_sum3A_1322 : i1 to vector<16xi1>
    %reduce_sum3A_1324 = tpu.scan <sum>, %select_n3A_1312 masked %reduce_sum3A_1323 : vector<16xi32>, vector<16xi1> -> vector<16xi32>
    %reduce_sum3A_1325 = vector.extract %reduce_sum3A_1324[15] : i32 from vector<16xi32>
    %add3A_1326 = arith.addi %add3A_1142, %reduce_sum3A_1325 : i32
    %eq3A_1327 = arith.constant 1 : i32
    %eq3A_1328 = vector.broadcast %eq3A_1327 : i32 to vector<16xi32>
    %eq3A_1329 = arith.cmpi eq, %get3A_1302, %eq3A_1328 : vector<16xi32>
    %jit3A_1330 = arith.constant 1 : i32
    %jit3A_1331 = arith.constant 0 : i32
    %broadcast_in_dim3A_1332 = vector.broadcast %jit3A_1330 : i32 to vector<16xi32>
    %broadcast_in_dim3A_1333 = vector.broadcast %jit3A_1331 : i32 to vector<16xi32>
    %select_n3A_1334 = arith.select %eq3A_1329, %broadcast_in_dim3A_1332, %broadcast_in_dim3A_1333 : vector<16xi1>, vector<16xi32>
    %broadcast_in_dim3A_1335 = arith.constant true
    %broadcast_in_dim3A_1336 = vector.broadcast %broadcast_in_dim3A_1335 : i1 to vector<16xi1>
    %masked_cumsum3A_1337 = tpu.scan <sum>, %select_n3A_1334 masked %broadcast_in_dim3A_1336 : vector<16xi32>, vector<16xi1> -> vector<16xi32>
    %add3A_1338 = vector.broadcast %add3A_1164 : i32 to vector<16xi32>
    %add3A_1339 = arith.addi %add3A_1338, %masked_cumsum3A_1337 : vector<16xi32>
    %sub3A_1340 = arith.constant 1 : i32
    %sub3A_1341 = vector.broadcast %sub3A_1340 : i32 to vector<16xi32>
    %sub3A_1342 = arith.subi %add3A_1339, %sub3A_1341 : vector<16xi32>
    %select_n3A_1343 = arith.select %eq3A_1329, %sub3A_1342, %select_n3A_1321 : vector<16xi1>, vector<16xi32>
    %reduce_sum3A_1344 = arith.constant true
    %reduce_sum3A_1345 = vector.broadcast %reduce_sum3A_1344 : i1 to vector<16xi1>
    %reduce_sum3A_1346 = tpu.scan <sum>, %select_n3A_1334 masked %reduce_sum3A_1345 : vector<16xi32>, vector<16xi1> -> vector<16xi32>
    %reduce_sum3A_1347 = vector.extract %reduce_sum3A_1346[15] : i32 from vector<16xi32>
    %add3A_1348 = arith.addi %add3A_1164, %reduce_sum3A_1347 : i32
    %eq3A_1349 = arith.constant 2 : i32
    %eq3A_1350 = vector.broadcast %eq3A_1349 : i32 to vector<16xi32>
    %eq3A_1351 = arith.cmpi eq, %get3A_1302, %eq3A_1350 : vector<16xi32>
    %jit3A_1352 = arith.constant 1 : i32
    %jit3A_1353 = arith.constant 0 : i32
    %broadcast_in_dim3A_1354 = vector.broadcast %jit3A_1352 : i32 to vector<16xi32>
    %broadcast_in_dim3A_1355 = vector.broadcast %jit3A_1353 : i32 to vector<16xi32>
    %select_n3A_1356 = arith.select %eq3A_1351, %broadcast_in_dim3A_1354, %broadcast_in_dim3A_1355 : vector<16xi1>, vector<16xi32>
    %broadcast_in_dim3A_1357 = arith.constant true
    %broadcast_in_dim3A_1358 = vector.broadcast %broadcast_in_dim3A_1357 : i1 to vector<16xi1>
    %masked_cumsum3A_1359 = tpu.scan <sum>, %select_n3A_1356 masked %broadcast_in_dim3A_1358 : vector<16xi32>, vector<16xi1> -> vector<16xi32>
    %add3A_1360 = vector.broadcast %add3A_1186 : i32 to vector<16xi32>
    %add3A_1361 = arith.addi %add3A_1360, %masked_cumsum3A_1359 : vector<16xi32>
    %sub3A_1362 = arith.constant 1 : i32
    %sub3A_1363 = vector.broadcast %sub3A_1362 : i32 to vector<16xi32>
    %sub3A_1364 = arith.subi %add3A_1361, %sub3A_1363 : vector<16xi32>
    %select_n3A_1365 = arith.select %eq3A_1351, %sub3A_1364, %select_n3A_1343 : vector<16xi1>, vector<16xi32>
    %reduce_sum3A_1366 = arith.constant true
    %reduce_sum3A_1367 = vector.broadcast %reduce_sum3A_1366 : i1 to vector<16xi1>
    %reduce_sum3A_1368 = tpu.scan <sum>, %select_n3A_1356 masked %reduce_sum3A_1367 : vector<16xi32>, vector<16xi1> -> vector<16xi32>
    %reduce_sum3A_1369 = vector.extract %reduce_sum3A_1368[15] : i32 from vector<16xi32>
    %add3A_1370 = arith.addi %add3A_1186, %reduce_sum3A_1369 : i32
    %eq3A_1371 = arith.constant 3 : i32
    %eq3A_1372 = vector.broadcast %eq3A_1371 : i32 to vector<16xi32>
    %eq3A_1373 = arith.cmpi eq, %get3A_1302, %eq3A_1372 : vector<16xi32>
    %jit3A_1374 = arith.constant 1 : i32
    %jit3A_1375 = arith.constant 0 : i32
    %broadcast_in_dim3A_1376 = vector.broadcast %jit3A_1374 : i32 to vector<16xi32>
    %broadcast_in_dim3A_1377 = vector.broadcast %jit3A_1375 : i32 to vector<16xi32>
    %select_n3A_1378 = arith.select %eq3A_1373, %broadcast_in_dim3A_1376, %broadcast_in_dim3A_1377 : vector<16xi1>, vector<16xi32>
    %broadcast_in_dim3A_1379 = arith.constant true
    %broadcast_in_dim3A_1380 = vector.broadcast %broadcast_in_dim3A_1379 : i1 to vector<16xi1>
    %masked_cumsum3A_1381 = tpu.scan <sum>, %select_n3A_1378 masked %broadcast_in_dim3A_1380 : vector<16xi32>, vector<16xi1> -> vector<16xi32>
    %add3A_1382 = vector.broadcast %add3A_1208 : i32 to vector<16xi32>
    %add3A_1383 = arith.addi %add3A_1382, %masked_cumsum3A_1381 : vector<16xi32>
    %sub3A_1384 = arith.constant 1 : i32
    %sub3A_1385 = vector.broadcast %sub3A_1384 : i32 to vector<16xi32>
    %sub3A_1386 = arith.subi %add3A_1383, %sub3A_1385 : vector<16xi32>
    %select_n3A_1387 = arith.select %eq3A_1373, %sub3A_1386, %select_n3A_1365 : vector<16xi1>, vector<16xi32>
    %reduce_sum3A_1388 = arith.constant true
    %reduce_sum3A_1389 = vector.broadcast %reduce_sum3A_1388 : i1 to vector<16xi1>
    %reduce_sum3A_1390 = tpu.scan <sum>, %select_n3A_1378 masked %reduce_sum3A_1389 : vector<16xi32>, vector<16xi1> -> vector<16xi32>
    %reduce_sum3A_1391 = vector.extract %reduce_sum3A_1390[15] : i32 from vector<16xi32>
    %add3A_1392 = arith.addi %add3A_1208, %reduce_sum3A_1391 : i32
    %eq3A_1393 = arith.constant 4 : i32
    %eq3A_1394 = vector.broadcast %eq3A_1393 : i32 to vector<16xi32>
    %eq3A_1395 = arith.cmpi eq, %get3A_1302, %eq3A_1394 : vector<16xi32>
    %jit3A_1396 = arith.constant 1 : i32
    %jit3A_1397 = arith.constant 0 : i32
    %broadcast_in_dim3A_1398 = vector.broadcast %jit3A_1396 : i32 to vector<16xi32>
    %broadcast_in_dim3A_1399 = vector.broadcast %jit3A_1397 : i32 to vector<16xi32>
    %select_n3A_1400 = arith.select %eq3A_1395, %broadcast_in_dim3A_1398, %broadcast_in_dim3A_1399 : vector<16xi1>, vector<16xi32>
    %broadcast_in_dim3A_1401 = arith.constant true
    %broadcast_in_dim3A_1402 = vector.broadcast %broadcast_in_dim3A_1401 : i1 to vector<16xi1>
    %masked_cumsum3A_1403 = tpu.scan <sum>, %select_n3A_1400 masked %broadcast_in_dim3A_1402 : vector<16xi32>, vector<16xi1> -> vector<16xi32>
    %add3A_1404 = vector.broadcast %add3A_1230 : i32 to vector<16xi32>
    %add3A_1405 = arith.addi %add3A_1404, %masked_cumsum3A_1403 : vector<16xi32>
    %sub3A_1406 = arith.constant 1 : i32
    %sub3A_1407 = vector.broadcast %sub3A_1406 : i32 to vector<16xi32>
    %sub3A_1408 = arith.subi %add3A_1405, %sub3A_1407 : vector<16xi32>
    %select_n3A_1409 = arith.select %eq3A_1395, %sub3A_1408, %select_n3A_1387 : vector<16xi1>, vector<16xi32>
    %reduce_sum3A_1410 = arith.constant true
    %reduce_sum3A_1411 = vector.broadcast %reduce_sum3A_1410 : i1 to vector<16xi1>
    %reduce_sum3A_1412 = tpu.scan <sum>, %select_n3A_1400 masked %reduce_sum3A_1411 : vector<16xi32>, vector<16xi1> -> vector<16xi32>
    %reduce_sum3A_1413 = vector.extract %reduce_sum3A_1412[15] : i32 from vector<16xi32>
    %add3A_1414 = arith.addi %add3A_1230, %reduce_sum3A_1413 : i32
    %eq3A_1415 = arith.constant 5 : i32
    %eq3A_1416 = vector.broadcast %eq3A_1415 : i32 to vector<16xi32>
    %eq3A_1417 = arith.cmpi eq, %get3A_1302, %eq3A_1416 : vector<16xi32>
    %jit3A_1418 = arith.constant 1 : i32
    %jit3A_1419 = arith.constant 0 : i32
    %broadcast_in_dim3A_1420 = vector.broadcast %jit3A_1418 : i32 to vector<16xi32>
    %broadcast_in_dim3A_1421 = vector.broadcast %jit3A_1419 : i32 to vector<16xi32>
    %select_n3A_1422 = arith.select %eq3A_1417, %broadcast_in_dim3A_1420, %broadcast_in_dim3A_1421 : vector<16xi1>, vector<16xi32>
    %broadcast_in_dim3A_1423 = arith.constant true
    %broadcast_in_dim3A_1424 = vector.broadcast %broadcast_in_dim3A_1423 : i1 to vector<16xi1>
    %masked_cumsum3A_1425 = tpu.scan <sum>, %select_n3A_1422 masked %broadcast_in_dim3A_1424 : vector<16xi32>, vector<16xi1> -> vector<16xi32>
    %add3A_1426 = vector.broadcast %add3A_1252 : i32 to vector<16xi32>
    %add3A_1427 = arith.addi %add3A_1426, %masked_cumsum3A_1425 : vector<16xi32>
    %sub3A_1428 = arith.constant 1 : i32
    %sub3A_1429 = vector.broadcast %sub3A_1428 : i32 to vector<16xi32>
    %sub3A_1430 = arith.subi %add3A_1427, %sub3A_1429 : vector<16xi32>
    %select_n3A_1431 = arith.select %eq3A_1417, %sub3A_1430, %select_n3A_1409 : vector<16xi1>, vector<16xi32>
    %reduce_sum3A_1432 = arith.constant true
    %reduce_sum3A_1433 = vector.broadcast %reduce_sum3A_1432 : i1 to vector<16xi1>
    %reduce_sum3A_1434 = tpu.scan <sum>, %select_n3A_1422 masked %reduce_sum3A_1433 : vector<16xi32>, vector<16xi1> -> vector<16xi32>
    %reduce_sum3A_1435 = vector.extract %reduce_sum3A_1434[15] : i32 from vector<16xi32>
    %add3A_1436 = arith.addi %add3A_1252, %reduce_sum3A_1435 : i32
    %eq3A_1437 = arith.constant 6 : i32
    %eq3A_1438 = vector.broadcast %eq3A_1437 : i32 to vector<16xi32>
    %eq3A_1439 = arith.cmpi eq, %get3A_1302, %eq3A_1438 : vector<16xi32>
    %jit3A_1440 = arith.constant 1 : i32
    %jit3A_1441 = arith.constant 0 : i32
    %broadcast_in_dim3A_1442 = vector.broadcast %jit3A_1440 : i32 to vector<16xi32>
    %broadcast_in_dim3A_1443 = vector.broadcast %jit3A_1441 : i32 to vector<16xi32>
    %select_n3A_1444 = arith.select %eq3A_1439, %broadcast_in_dim3A_1442, %broadcast_in_dim3A_1443 : vector<16xi1>, vector<16xi32>
    %broadcast_in_dim3A_1445 = arith.constant true
    %broadcast_in_dim3A_1446 = vector.broadcast %broadcast_in_dim3A_1445 : i1 to vector<16xi1>
    %masked_cumsum3A_1447 = tpu.scan <sum>, %select_n3A_1444 masked %broadcast_in_dim3A_1446 : vector<16xi32>, vector<16xi1> -> vector<16xi32>
    %add3A_1448 = vector.broadcast %add3A_1274 : i32 to vector<16xi32>
    %add3A_1449 = arith.addi %add3A_1448, %masked_cumsum3A_1447 : vector<16xi32>
    %sub3A_1450 = arith.constant 1 : i32
    %sub3A_1451 = vector.broadcast %sub3A_1450 : i32 to vector<16xi32>
    %sub3A_1452 = arith.subi %add3A_1449, %sub3A_1451 : vector<16xi32>
    %select_n3A_1453 = arith.select %eq3A_1439, %sub3A_1452, %select_n3A_1431 : vector<16xi1>, vector<16xi32>
    %reduce_sum3A_1454 = arith.constant true
    %reduce_sum3A_1455 = vector.broadcast %reduce_sum3A_1454 : i1 to vector<16xi1>
    %reduce_sum3A_1456 = tpu.scan <sum>, %select_n3A_1444 masked %reduce_sum3A_1455 : vector<16xi32>, vector<16xi1> -> vector<16xi32>
    %reduce_sum3A_1457 = vector.extract %reduce_sum3A_1456[15] : i32 from vector<16xi32>
    %add3A_1458 = arith.addi %add3A_1274, %reduce_sum3A_1457 : i32
    %eq3A_1459 = arith.constant 7 : i32
    %eq3A_1460 = vector.broadcast %eq3A_1459 : i32 to vector<16xi32>
    %eq3A_1461 = arith.cmpi eq, %get3A_1302, %eq3A_1460 : vector<16xi32>
    %jit3A_1462 = arith.constant 1 : i32
    %jit3A_1463 = arith.constant 0 : i32
    %broadcast_in_dim3A_1464 = vector.broadcast %jit3A_1462 : i32 to vector<16xi32>
    %broadcast_in_dim3A_1465 = vector.broadcast %jit3A_1463 : i32 to vector<16xi32>
    %select_n3A_1466 = arith.select %eq3A_1461, %broadcast_in_dim3A_1464, %broadcast_in_dim3A_1465 : vector<16xi1>, vector<16xi32>
    %broadcast_in_dim3A_1467 = arith.constant true
    %broadcast_in_dim3A_1468 = vector.broadcast %broadcast_in_dim3A_1467 : i1 to vector<16xi1>
    %masked_cumsum3A_1469 = tpu.scan <sum>, %select_n3A_1466 masked %broadcast_in_dim3A_1468 : vector<16xi32>, vector<16xi1> -> vector<16xi32>
    %add3A_1470 = vector.broadcast %add3A_1296 : i32 to vector<16xi32>
    %add3A_1471 = arith.addi %add3A_1470, %masked_cumsum3A_1469 : vector<16xi32>
    %sub3A_1472 = arith.constant 1 : i32
    %sub3A_1473 = vector.broadcast %sub3A_1472 : i32 to vector<16xi32>
    %sub3A_1474 = arith.subi %add3A_1471, %sub3A_1473 : vector<16xi32>
    %select_n3A_1475 = arith.select %eq3A_1461, %sub3A_1474, %select_n3A_1453 : vector<16xi1>, vector<16xi32>
    %reduce_sum3A_1476 = arith.constant true
    %reduce_sum3A_1477 = vector.broadcast %reduce_sum3A_1476 : i1 to vector<16xi1>
    %reduce_sum3A_1478 = tpu.scan <sum>, %select_n3A_1466 masked %reduce_sum3A_1477 : vector<16xi32>, vector<16xi1> -> vector<16xi32>
    %reduce_sum3A_1479 = vector.extract %reduce_sum3A_1478[15] : i32 from vector<16xi32>
    %add3A_1480 = arith.addi %add3A_1296, %reduce_sum3A_1479 : i32
    %swap3A_1481 = arith.constant 80 : index
    %swap3A_1482 = tpu.vector_load %arg8[%swap3A_1481] {strides = array<i32>} : memref<128xi32, #tpu.memory_space<vmem>>, vector<16xi32>,
    tpu.vector_store %arg8[%swap3A_1481], %select_n3A_1475 {strides = array<i32>} : memref<128xi32, #tpu.memory_space<vmem>>, vector<16xi32>,
    %add3A_1483 = arith.constant 96 : i32
    %add3A_1484 = arith.addi %mul3A_2, %add3A_1483 : i32
    %get3A_1485 = arith.index_cast %add3A_1484 : i32 to index
    %get3A_1486 = tpu.vector_load %arg7[%get3A_1485] {strides = array<i32>} : memref<4096xi32, #tpu.memory_space<vmem>>, vector<16xi32>,
    %broadcast_in_dim3A_1487 = arith.constant 0 : i32
    %broadcast_in_dim3A_1488 = vector.broadcast %broadcast_in_dim3A_1487 : i32 to vector<16xi32>
    %eq3A_1489 = arith.constant 0 : i32
    %eq3A_1490 = vector.broadcast %eq3A_1489 : i32 to vector<16xi32>
    %eq3A_1491 = arith.cmpi eq, %get3A_1486, %eq3A_1490 : vector<16xi32>
    %jit3A_1492 = arith.constant 1 : i32
    %jit3A_1493 = arith.constant 0 : i32
    %broadcast_in_dim3A_1494 = vector.broadcast %jit3A_1492 : i32 to vector<16xi32>
    %broadcast_in_dim3A_1495 = vector.broadcast %jit3A_1493 : i32 to vector<16xi32>
    %select_n3A_1496 = arith.select %eq3A_1491, %broadcast_in_dim3A_1494, %broadcast_in_dim3A_1495 : vector<16xi1>, vector<16xi32>
    %broadcast_in_dim3A_1497 = arith.constant true
    %broadcast_in_dim3A_1498 = vector.broadcast %broadcast_in_dim3A_1497 : i1 to vector<16xi1>
    %masked_cumsum3A_1499 = tpu.scan <sum>, %select_n3A_1496 masked %broadcast_in_dim3A_1498 : vector<16xi32>, vector<16xi1> -> vector<16xi32>
    %add3A_1500 = vector.broadcast %add3A_1326 : i32 to vector<16xi32>
    %add3A_1501 = arith.addi %add3A_1500, %masked_cumsum3A_1499 : vector<16xi32>
    %sub3A_1502 = arith.constant 1 : i32
    %sub3A_1503 = vector.broadcast %sub3A_1502 : i32 to vector<16xi32>
    %sub3A_1504 = arith.subi %add3A_1501, %sub3A_1503 : vector<16xi32>
    %select_n3A_1505 = arith.select %eq3A_1491, %sub3A_1504, %broadcast_in_dim3A_1488 : vector<16xi1>, vector<16xi32>
    %reduce_sum3A_1506 = arith.constant true
    %reduce_sum3A_1507 = vector.broadcast %reduce_sum3A_1506 : i1 to vector<16xi1>
    %reduce_sum3A_1508 = tpu.scan <sum>, %select_n3A_1496 masked %reduce_sum3A_1507 : vector<16xi32>, vector<16xi1> -> vector<16xi32>
    %reduce_sum3A_1509 = vector.extract %reduce_sum3A_1508[15] : i32 from vector<16xi32>
    %add3A_1510 = arith.addi %add3A_1326, %reduce_sum3A_1509 : i32
    %eq3A_1511 = arith.constant 1 : i32
    %eq3A_1512 = vector.broadcast %eq3A_1511 : i32 to vector<16xi32>
    %eq3A_1513 = arith.cmpi eq, %get3A_1486, %eq3A_1512 : vector<16xi32>
    %jit3A_1514 = arith.constant 1 : i32
    %jit3A_1515 = arith.constant 0 : i32
    %broadcast_in_dim3A_1516 = vector.broadcast %jit3A_1514 : i32 to vector<16xi32>
    %broadcast_in_dim3A_1517 = vector.broadcast %jit3A_1515 : i32 to vector<16xi32>
    %select_n3A_1518 = arith.select %eq3A_1513, %broadcast_in_dim3A_1516, %broadcast_in_dim3A_1517 : vector<16xi1>, vector<16xi32>
    %broadcast_in_dim3A_1519 = arith.constant true
    %broadcast_in_dim3A_1520 = vector.broadcast %broadcast_in_dim3A_1519 : i1 to vector<16xi1>
    %masked_cumsum3A_1521 = tpu.scan <sum>, %select_n3A_1518 masked %broadcast_in_dim3A_1520 : vector<16xi32>, vector<16xi1> -> vector<16xi32>
    %add3A_1522 = vector.broadcast %add3A_1348 : i32 to vector<16xi32>
    %add3A_1523 = arith.addi %add3A_1522, %masked_cumsum3A_1521 : vector<16xi32>
    %sub3A_1524 = arith.constant 1 : i32
    %sub3A_1525 = vector.broadcast %sub3A_1524 : i32 to vector<16xi32>
    %sub3A_1526 = arith.subi %add3A_1523, %sub3A_1525 : vector<16xi32>
    %select_n3A_1527 = arith.select %eq3A_1513, %sub3A_1526, %select_n3A_1505 : vector<16xi1>, vector<16xi32>
    %reduce_sum3A_1528 = arith.constant true
    %reduce_sum3A_1529 = vector.broadcast %reduce_sum3A_1528 : i1 to vector<16xi1>
    %reduce_sum3A_1530 = tpu.scan <sum>, %select_n3A_1518 masked %reduce_sum3A_1529 : vector<16xi32>, vector<16xi1> -> vector<16xi32>
    %reduce_sum3A_1531 = vector.extract %reduce_sum3A_1530[15] : i32 from vector<16xi32>
    %add3A_1532 = arith.addi %add3A_1348, %reduce_sum3A_1531 : i32
    %eq3A_1533 = arith.constant 2 : i32
    %eq3A_1534 = vector.broadcast %eq3A_1533 : i32 to vector<16xi32>
    %eq3A_1535 = arith.cmpi eq, %get3A_1486, %eq3A_1534 : vector<16xi32>
    %jit3A_1536 = arith.constant 1 : i32
    %jit3A_1537 = arith.constant 0 : i32
    %broadcast_in_dim3A_1538 = vector.broadcast %jit3A_1536 : i32 to vector<16xi32>
    %broadcast_in_dim3A_1539 = vector.broadcast %jit3A_1537 : i32 to vector<16xi32>
    %select_n3A_1540 = arith.select %eq3A_1535, %broadcast_in_dim3A_1538, %broadcast_in_dim3A_1539 : vector<16xi1>, vector<16xi32>
    %broadcast_in_dim3A_1541 = arith.constant true
    %broadcast_in_dim3A_1542 = vector.broadcast %broadcast_in_dim3A_1541 : i1 to vector<16xi1>
    %masked_cumsum3A_1543 = tpu.scan <sum>, %select_n3A_1540 masked %broadcast_in_dim3A_1542 : vector<16xi32>, vector<16xi1> -> vector<16xi32>
    %add3A_1544 = vector.broadcast %add3A_1370 : i32 to vector<16xi32>
    %add3A_1545 = arith.addi %add3A_1544, %masked_cumsum3A_1543 : vector<16xi32>
    %sub3A_1546 = arith.constant 1 : i32
    %sub3A_1547 = vector.broadcast %sub3A_1546 : i32 to vector<16xi32>
    %sub3A_1548 = arith.subi %add3A_1545, %sub3A_1547 : vector<16xi32>
    %select_n3A_1549 = arith.select %eq3A_1535, %sub3A_1548, %select_n3A_1527 : vector<16xi1>, vector<16xi32>
    %reduce_sum3A_1550 = arith.constant true
    %reduce_sum3A_1551 = vector.broadcast %reduce_sum3A_1550 : i1 to vector<16xi1>
    %reduce_sum3A_1552 = tpu.scan <sum>, %select_n3A_1540 masked %reduce_sum3A_1551 : vector<16xi32>, vector<16xi1> -> vector<16xi32>
    %reduce_sum3A_1553 = vector.extract %reduce_sum3A_1552[15] : i32 from vector<16xi32>
    %add3A_1554 = arith.addi %add3A_1370, %reduce_sum3A_1553 : i32
    %eq3A_1555 = arith.constant 3 : i32
    %eq3A_1556 = vector.broadcast %eq3A_1555 : i32 to vector<16xi32>
    %eq3A_1557 = arith.cmpi eq, %get3A_1486, %eq3A_1556 : vector<16xi32>
    %jit3A_1558 = arith.constant 1 : i32
    %jit3A_1559 = arith.constant 0 : i32
    %broadcast_in_dim3A_1560 = vector.broadcast %jit3A_1558 : i32 to vector<16xi32>
    %broadcast_in_dim3A_1561 = vector.broadcast %jit3A_1559 : i32 to vector<16xi32>
    %select_n3A_1562 = arith.select %eq3A_1557, %broadcast_in_dim3A_1560, %broadcast_in_dim3A_1561 : vector<16xi1>, vector<16xi32>
    %broadcast_in_dim3A_1563 = arith.constant true
    %broadcast_in_dim3A_1564 = vector.broadcast %broadcast_in_dim3A_1563 : i1 to vector<16xi1>
    %masked_cumsum3A_1565 = tpu.scan <sum>, %select_n3A_1562 masked %broadcast_in_dim3A_1564 : vector<16xi32>, vector<16xi1> -> vector<16xi32>
    %add3A_1566 = vector.broadcast %add3A_1392 : i32 to vector<16xi32>
    %add3A_1567 = arith.addi %add3A_1566, %masked_cumsum3A_1565 : vector<16xi32>
    %sub3A_1568 = arith.constant 1 : i32
    %sub3A_1569 = vector.broadcast %sub3A_1568 : i32 to vector<16xi32>
    %sub3A_1570 = arith.subi %add3A_1567, %sub3A_1569 : vector<16xi32>
    %select_n3A_1571 = arith.select %eq3A_1557, %sub3A_1570, %select_n3A_1549 : vector<16xi1>, vector<16xi32>
    %reduce_sum3A_1572 = arith.constant true
    %reduce_sum3A_1573 = vector.broadcast %reduce_sum3A_1572 : i1 to vector<16xi1>
    %reduce_sum3A_1574 = tpu.scan <sum>, %select_n3A_1562 masked %reduce_sum3A_1573 : vector<16xi32>, vector<16xi1> -> vector<16xi32>
    %reduce_sum3A_1575 = vector.extract %reduce_sum3A_1574[15] : i32 from vector<16xi32>
    %add3A_1576 = arith.addi %add3A_1392, %reduce_sum3A_1575 : i32
    %eq3A_1577 = arith.constant 4 : i32
    %eq3A_1578 = vector.broadcast %eq3A_1577 : i32 to vector<16xi32>
    %eq3A_1579 = arith.cmpi eq, %get3A_1486, %eq3A_1578 : vector<16xi32>
    %jit3A_1580 = arith.constant 1 : i32
    %jit3A_1581 = arith.constant 0 : i32
    %broadcast_in_dim3A_1582 = vector.broadcast %jit3A_1580 : i32 to vector<16xi32>
    %broadcast_in_dim3A_1583 = vector.broadcast %jit3A_1581 : i32 to vector<16xi32>
    %select_n3A_1584 = arith.select %eq3A_1579, %broadcast_in_dim3A_1582, %broadcast_in_dim3A_1583 : vector<16xi1>, vector<16xi32>
    %broadcast_in_dim3A_1585 = arith.constant true
    %broadcast_in_dim3A_1586 = vector.broadcast %broadcast_in_dim3A_1585 : i1 to vector<16xi1>
    %masked_cumsum3A_1587 = tpu.scan <sum>, %select_n3A_1584 masked %broadcast_in_dim3A_1586 : vector<16xi32>, vector<16xi1> -> vector<16xi32>
    %add3A_1588 = vector.broadcast %add3A_1414 : i32 to vector<16xi32>
    %add3A_1589 = arith.addi %add3A_1588, %masked_cumsum3A_1587 : vector<16xi32>
    %sub3A_1590 = arith.constant 1 : i32
    %sub3A_1591 = vector.broadcast %sub3A_1590 : i32 to vector<16xi32>
    %sub3A_1592 = arith.subi %add3A_1589, %sub3A_1591 : vector<16xi32>
    %select_n3A_1593 = arith.select %eq3A_1579, %sub3A_1592, %select_n3A_1571 : vector<16xi1>, vector<16xi32>
    %reduce_sum3A_1594 = arith.constant true
    %reduce_sum3A_1595 = vector.broadcast %reduce_sum3A_1594 : i1 to vector<16xi1>
    %reduce_sum3A_1596 = tpu.scan <sum>, %select_n3A_1584 masked %reduce_sum3A_1595 : vector<16xi32>, vector<16xi1> -> vector<16xi32>
    %reduce_sum3A_1597 = vector.extract %reduce_sum3A_1596[15] : i32 from vector<16xi32>
    %add3A_1598 = arith.addi %add3A_1414, %reduce_sum3A_1597 : i32
    %eq3A_1599 = arith.constant 5 : i32
    %eq3A_1600 = vector.broadcast %eq3A_1599 : i32 to vector<16xi32>
    %eq3A_1601 = arith.cmpi eq, %get3A_1486, %eq3A_1600 : vector<16xi32>
    %jit3A_1602 = arith.constant 1 : i32
    %jit3A_1603 = arith.constant 0 : i32
    %broadcast_in_dim3A_1604 = vector.broadcast %jit3A_1602 : i32 to vector<16xi32>
    %broadcast_in_dim3A_1605 = vector.broadcast %jit3A_1603 : i32 to vector<16xi32>
    %select_n3A_1606 = arith.select %eq3A_1601, %broadcast_in_dim3A_1604, %broadcast_in_dim3A_1605 : vector<16xi1>, vector<16xi32>
    %broadcast_in_dim3A_1607 = arith.constant true
    %broadcast_in_dim3A_1608 = vector.broadcast %broadcast_in_dim3A_1607 : i1 to vector<16xi1>
    %masked_cumsum3A_1609 = tpu.scan <sum>, %select_n3A_1606 masked %broadcast_in_dim3A_1608 : vector<16xi32>, vector<16xi1> -> vector<16xi32>
    %add3A_1610 = vector.broadcast %add3A_1436 : i32 to vector<16xi32>
    %add3A_1611 = arith.addi %add3A_1610, %masked_cumsum3A_1609 : vector<16xi32>
    %sub3A_1612 = arith.constant 1 : i32
    %sub3A_1613 = vector.broadcast %sub3A_1612 : i32 to vector<16xi32>
    %sub3A_1614 = arith.subi %add3A_1611, %sub3A_1613 : vector<16xi32>
    %select_n3A_1615 = arith.select %eq3A_1601, %sub3A_1614, %select_n3A_1593 : vector<16xi1>, vector<16xi32>
    %reduce_sum3A_1616 = arith.constant true
    %reduce_sum3A_1617 = vector.broadcast %reduce_sum3A_1616 : i1 to vector<16xi1>
    %reduce_sum3A_1618 = tpu.scan <sum>, %select_n3A_1606 masked %reduce_sum3A_1617 : vector<16xi32>, vector<16xi1> -> vector<16xi32>
    %reduce_sum3A_1619 = vector.extract %reduce_sum3A_1618[15] : i32 from vector<16xi32>
    %add3A_1620 = arith.addi %add3A_1436, %reduce_sum3A_1619 : i32
    %eq3A_1621 = arith.constant 6 : i32
    %eq3A_1622 = vector.broadcast %eq3A_1621 : i32 to vector<16xi32>
    %eq3A_1623 = arith.cmpi eq, %get3A_1486, %eq3A_1622 : vector<16xi32>
    %jit3A_1624 = arith.constant 1 : i32
    %jit3A_1625 = arith.constant 0 : i32
    %broadcast_in_dim3A_1626 = vector.broadcast %jit3A_1624 : i32 to vector<16xi32>
    %broadcast_in_dim3A_1627 = vector.broadcast %jit3A_1625 : i32 to vector<16xi32>
    %select_n3A_1628 = arith.select %eq3A_1623, %broadcast_in_dim3A_1626, %broadcast_in_dim3A_1627 : vector<16xi1>, vector<16xi32>
    %broadcast_in_dim3A_1629 = arith.constant true
    %broadcast_in_dim3A_1630 = vector.broadcast %broadcast_in_dim3A_1629 : i1 to vector<16xi1>
    %masked_cumsum3A_1631 = tpu.scan <sum>, %select_n3A_1628 masked %broadcast_in_dim3A_1630 : vector<16xi32>, vector<16xi1> -> vector<16xi32>
    %add3A_1632 = vector.broadcast %add3A_1458 : i32 to vector<16xi32>
    %add3A_1633 = arith.addi %add3A_1632, %masked_cumsum3A_1631 : vector<16xi32>
    %sub3A_1634 = arith.constant 1 : i32
    %sub3A_1635 = vector.broadcast %sub3A_1634 : i32 to vector<16xi32>
    %sub3A_1636 = arith.subi %add3A_1633, %sub3A_1635 : vector<16xi32>
    %select_n3A_1637 = arith.select %eq3A_1623, %sub3A_1636, %select_n3A_1615 : vector<16xi1>, vector<16xi32>
    %reduce_sum3A_1638 = arith.constant true
    %reduce_sum3A_1639 = vector.broadcast %reduce_sum3A_1638 : i1 to vector<16xi1>
    %reduce_sum3A_1640 = tpu.scan <sum>, %select_n3A_1628 masked %reduce_sum3A_1639 : vector<16xi32>, vector<16xi1> -> vector<16xi32>
    %reduce_sum3A_1641 = vector.extract %reduce_sum3A_1640[15] : i32 from vector<16xi32>
    %add3A_1642 = arith.addi %add3A_1458, %reduce_sum3A_1641 : i32
    %eq3A_1643 = arith.constant 7 : i32
    %eq3A_1644 = vector.broadcast %eq3A_1643 : i32 to vector<16xi32>
    %eq3A_1645 = arith.cmpi eq, %get3A_1486, %eq3A_1644 : vector<16xi32>
    %jit3A_1646 = arith.constant 1 : i32
    %jit3A_1647 = arith.constant 0 : i32
    %broadcast_in_dim3A_1648 = vector.broadcast %jit3A_1646 : i32 to vector<16xi32>
    %broadcast_in_dim3A_1649 = vector.broadcast %jit3A_1647 : i32 to vector<16xi32>
    %select_n3A_1650 = arith.select %eq3A_1645, %broadcast_in_dim3A_1648, %broadcast_in_dim3A_1649 : vector<16xi1>, vector<16xi32>
    %broadcast_in_dim3A_1651 = arith.constant true
    %broadcast_in_dim3A_1652 = vector.broadcast %broadcast_in_dim3A_1651 : i1 to vector<16xi1>
    %masked_cumsum3A_1653 = tpu.scan <sum>, %select_n3A_1650 masked %broadcast_in_dim3A_1652 : vector<16xi32>, vector<16xi1> -> vector<16xi32>
    %add3A_1654 = vector.broadcast %add3A_1480 : i32 to vector<16xi32>
    %add3A_1655 = arith.addi %add3A_1654, %masked_cumsum3A_1653 : vector<16xi32>
    %sub3A_1656 = arith.constant 1 : i32
    %sub3A_1657 = vector.broadcast %sub3A_1656 : i32 to vector<16xi32>
    %sub3A_1658 = arith.subi %add3A_1655, %sub3A_1657 : vector<16xi32>
    %select_n3A_1659 = arith.select %eq3A_1645, %sub3A_1658, %select_n3A_1637 : vector<16xi1>, vector<16xi32>
    %reduce_sum3A_1660 = arith.constant true
    %reduce_sum3A_1661 = vector.broadcast %reduce_sum3A_1660 : i1 to vector<16xi1>
    %reduce_sum3A_1662 = tpu.scan <sum>, %select_n3A_1650 masked %reduce_sum3A_1661 : vector<16xi32>, vector<16xi1> -> vector<16xi32>
    %reduce_sum3A_1663 = vector.extract %reduce_sum3A_1662[15] : i32 from vector<16xi32>
    %add3A_1664 = arith.addi %add3A_1480, %reduce_sum3A_1663 : i32
    %swap3A_1665 = arith.constant 96 : index
    %swap3A_1666 = tpu.vector_load %arg8[%swap3A_1665] {strides = array<i32>} : memref<128xi32, #tpu.memory_space<vmem>>, vector<16xi32>,
    tpu.vector_store %arg8[%swap3A_1665], %select_n3A_1659 {strides = array<i32>} : memref<128xi32, #tpu.memory_space<vmem>>, vector<16xi32>,
    %add3A_1667 = arith.constant 112 : i32
    %add3A_1668 = arith.addi %mul3A_2, %add3A_1667 : i32
    %get3A_1669 = arith.index_cast %add3A_1668 : i32 to index
    %get3A_1670 = tpu.vector_load %arg7[%get3A_1669] {strides = array<i32>} : memref<4096xi32, #tpu.memory_space<vmem>>, vector<16xi32>,
    %broadcast_in_dim3A_1671 = arith.constant 0 : i32
    %broadcast_in_dim3A_1672 = vector.broadcast %broadcast_in_dim3A_1671 : i32 to vector<16xi32>
    %eq3A_1673 = arith.constant 0 : i32
    %eq3A_1674 = vector.broadcast %eq3A_1673 : i32 to vector<16xi32>
    %eq3A_1675 = arith.cmpi eq, %get3A_1670, %eq3A_1674 : vector<16xi32>
    %jit3A_1676 = arith.constant 1 : i32
    %jit3A_1677 = arith.constant 0 : i32
    %broadcast_in_dim3A_1678 = vector.broadcast %jit3A_1676 : i32 to vector<16xi32>
    %broadcast_in_dim3A_1679 = vector.broadcast %jit3A_1677 : i32 to vector<16xi32>
    %select_n3A_1680 = arith.select %eq3A_1675, %broadcast_in_dim3A_1678, %broadcast_in_dim3A_1679 : vector<16xi1>, vector<16xi32>
    %broadcast_in_dim3A_1681 = arith.constant true
    %broadcast_in_dim3A_1682 = vector.broadcast %broadcast_in_dim3A_1681 : i1 to vector<16xi1>
    %masked_cumsum3A_1683 = tpu.scan <sum>, %select_n3A_1680 masked %broadcast_in_dim3A_1682 : vector<16xi32>, vector<16xi1> -> vector<16xi32>
    %add3A_1684 = vector.broadcast %add3A_1510 : i32 to vector<16xi32>
    %add3A_1685 = arith.addi %add3A_1684, %masked_cumsum3A_1683 : vector<16xi32>
    %sub3A_1686 = arith.constant 1 : i32
    %sub3A_1687 = vector.broadcast %sub3A_1686 : i32 to vector<16xi32>
    %sub3A_1688 = arith.subi %add3A_1685, %sub3A_1687 : vector<16xi32>
    %select_n3A_1689 = arith.select %eq3A_1675, %sub3A_1688, %broadcast_in_dim3A_1672 : vector<16xi1>, vector<16xi32>
    %reduce_sum3A_1690 = arith.constant true
    %reduce_sum3A_1691 = vector.broadcast %reduce_sum3A_1690 : i1 to vector<16xi1>
    %reduce_sum3A_1692 = tpu.scan <sum>, %select_n3A_1680 masked %reduce_sum3A_1691 : vector<16xi32>, vector<16xi1> -> vector<16xi32>
    %reduce_sum3A_1693 = vector.extract %reduce_sum3A_1692[15] : i32 from vector<16xi32>
    %add3A_1694 = arith.addi %add3A_1510, %reduce_sum3A_1693 : i32
    %eq3A_1695 = arith.constant 1 : i32
    %eq3A_1696 = vector.broadcast %eq3A_1695 : i32 to vector<16xi32>
    %eq3A_1697 = arith.cmpi eq, %get3A_1670, %eq3A_1696 : vector<16xi32>
    %jit3A_1698 = arith.constant 1 : i32
    %jit3A_1699 = arith.constant 0 : i32
    %broadcast_in_dim3A_1700 = vector.broadcast %jit3A_1698 : i32 to vector<16xi32>
    %broadcast_in_dim3A_1701 = vector.broadcast %jit3A_1699 : i32 to vector<16xi32>
    %select_n3A_1702 = arith.select %eq3A_1697, %broadcast_in_dim3A_1700, %broadcast_in_dim3A_1701 : vector<16xi1>, vector<16xi32>
    %broadcast_in_dim3A_1703 = arith.constant true
    %broadcast_in_dim3A_1704 = vector.broadcast %broadcast_in_dim3A_1703 : i1 to vector<16xi1>
    %masked_cumsum3A_1705 = tpu.scan <sum>, %select_n3A_1702 masked %broadcast_in_dim3A_1704 : vector<16xi32>, vector<16xi1> -> vector<16xi32>
    %add3A_1706 = vector.broadcast %add3A_1532 : i32 to vector<16xi32>
    %add3A_1707 = arith.addi %add3A_1706, %masked_cumsum3A_1705 : vector<16xi32>
    %sub3A_1708 = arith.constant 1 : i32
    %sub3A_1709 = vector.broadcast %sub3A_1708 : i32 to vector<16xi32>
    %sub3A_1710 = arith.subi %add3A_1707, %sub3A_1709 : vector<16xi32>
    %select_n3A_1711 = arith.select %eq3A_1697, %sub3A_1710, %select_n3A_1689 : vector<16xi1>, vector<16xi32>
    %reduce_sum3A_1712 = arith.constant true
    %reduce_sum3A_1713 = vector.broadcast %reduce_sum3A_1712 : i1 to vector<16xi1>
    %reduce_sum3A_1714 = tpu.scan <sum>, %select_n3A_1702 masked %reduce_sum3A_1713 : vector<16xi32>, vector<16xi1> -> vector<16xi32>
    %reduce_sum3A_1715 = vector.extract %reduce_sum3A_1714[15] : i32 from vector<16xi32>
    %add3A_1716 = arith.addi %add3A_1532, %reduce_sum3A_1715 : i32
    %eq3A_1717 = arith.constant 2 : i32
    %eq3A_1718 = vector.broadcast %eq3A_1717 : i32 to vector<16xi32>
    %eq3A_1719 = arith.cmpi eq, %get3A_1670, %eq3A_1718 : vector<16xi32>
    %jit3A_1720 = arith.constant 1 : i32
    %jit3A_1721 = arith.constant 0 : i32
    %broadcast_in_dim3A_1722 = vector.broadcast %jit3A_1720 : i32 to vector<16xi32>
    %broadcast_in_dim3A_1723 = vector.broadcast %jit3A_1721 : i32 to vector<16xi32>
    %select_n3A_1724 = arith.select %eq3A_1719, %broadcast_in_dim3A_1722, %broadcast_in_dim3A_1723 : vector<16xi1>, vector<16xi32>
    %broadcast_in_dim3A_1725 = arith.constant true
    %broadcast_in_dim3A_1726 = vector.broadcast %broadcast_in_dim3A_1725 : i1 to vector<16xi1>
    %masked_cumsum3A_1727 = tpu.scan <sum>, %select_n3A_1724 masked %broadcast_in_dim3A_1726 : vector<16xi32>, vector<16xi1> -> vector<16xi32>
    %add3A_1728 = vector.broadcast %add3A_1554 : i32 to vector<16xi32>
    %add3A_1729 = arith.addi %add3A_1728, %masked_cumsum3A_1727 : vector<16xi32>
    %sub3A_1730 = arith.constant 1 : i32
    %sub3A_1731 = vector.broadcast %sub3A_1730 : i32 to vector<16xi32>
    %sub3A_1732 = arith.subi %add3A_1729, %sub3A_1731 : vector<16xi32>
    %select_n3A_1733 = arith.select %eq3A_1719, %sub3A_1732, %select_n3A_1711 : vector<16xi1>, vector<16xi32>
    %reduce_sum3A_1734 = arith.constant true
    %reduce_sum3A_1735 = vector.broadcast %reduce_sum3A_1734 : i1 to vector<16xi1>
    %reduce_sum3A_1736 = tpu.scan <sum>, %select_n3A_1724 masked %reduce_sum3A_1735 : vector<16xi32>, vector<16xi1> -> vector<16xi32>
    %reduce_sum3A_1737 = vector.extract %reduce_sum3A_1736[15] : i32 from vector<16xi32>
    %add3A_1738 = arith.addi %add3A_1554, %reduce_sum3A_1737 : i32
    %eq3A_1739 = arith.constant 3 : i32
    %eq3A_1740 = vector.broadcast %eq3A_1739 : i32 to vector<16xi32>
    %eq3A_1741 = arith.cmpi eq, %get3A_1670, %eq3A_1740 : vector<16xi32>
    %jit3A_1742 = arith.constant 1 : i32
    %jit3A_1743 = arith.constant 0 : i32
    %broadcast_in_dim3A_1744 = vector.broadcast %jit3A_1742 : i32 to vector<16xi32>
    %broadcast_in_dim3A_1745 = vector.broadcast %jit3A_1743 : i32 to vector<16xi32>
    %select_n3A_1746 = arith.select %eq3A_1741, %broadcast_in_dim3A_1744, %broadcast_in_dim3A_1745 : vector<16xi1>, vector<16xi32>
    %broadcast_in_dim3A_1747 = arith.constant true
    %broadcast_in_dim3A_1748 = vector.broadcast %broadcast_in_dim3A_1747 : i1 to vector<16xi1>
    %masked_cumsum3A_1749 = tpu.scan <sum>, %select_n3A_1746 masked %broadcast_in_dim3A_1748 : vector<16xi32>, vector<16xi1> -> vector<16xi32>
    %add3A_1750 = vector.broadcast %add3A_1576 : i32 to vector<16xi32>
    %add3A_1751 = arith.addi %add3A_1750, %masked_cumsum3A_1749 : vector<16xi32>
    %sub3A_1752 = arith.constant 1 : i32
    %sub3A_1753 = vector.broadcast %sub3A_1752 : i32 to vector<16xi32>
    %sub3A_1754 = arith.subi %add3A_1751, %sub3A_1753 : vector<16xi32>
    %select_n3A_1755 = arith.select %eq3A_1741, %sub3A_1754, %select_n3A_1733 : vector<16xi1>, vector<16xi32>
    %reduce_sum3A_1756 = arith.constant true
    %reduce_sum3A_1757 = vector.broadcast %reduce_sum3A_1756 : i1 to vector<16xi1>
    %reduce_sum3A_1758 = tpu.scan <sum>, %select_n3A_1746 masked %reduce_sum3A_1757 : vector<16xi32>, vector<16xi1> -> vector<16xi32>
    %reduce_sum3A_1759 = vector.extract %reduce_sum3A_1758[15] : i32 from vector<16xi32>
    %add3A_1760 = arith.addi %add3A_1576, %reduce_sum3A_1759 : i32
    %eq3A_1761 = arith.constant 4 : i32
    %eq3A_1762 = vector.broadcast %eq3A_1761 : i32 to vector<16xi32>
    %eq3A_1763 = arith.cmpi eq, %get3A_1670, %eq3A_1762 : vector<16xi32>
    %jit3A_1764 = arith.constant 1 : i32
    %jit3A_1765 = arith.constant 0 : i32
    %broadcast_in_dim3A_1766 = vector.broadcast %jit3A_1764 : i32 to vector<16xi32>
    %broadcast_in_dim3A_1767 = vector.broadcast %jit3A_1765 : i32 to vector<16xi32>
    %select_n3A_1768 = arith.select %eq3A_1763, %broadcast_in_dim3A_1766, %broadcast_in_dim3A_1767 : vector<16xi1>, vector<16xi32>
    %broadcast_in_dim3A_1769 = arith.constant true
    %broadcast_in_dim3A_1770 = vector.broadcast %broadcast_in_dim3A_1769 : i1 to vector<16xi1>
    %masked_cumsum3A_1771 = tpu.scan <sum>, %select_n3A_1768 masked %broadcast_in_dim3A_1770 : vector<16xi32>, vector<16xi1> -> vector<16xi32>
    %add3A_1772 = vector.broadcast %add3A_1598 : i32 to vector<16xi32>
    %add3A_1773 = arith.addi %add3A_1772, %masked_cumsum3A_1771 : vector<16xi32>
    %sub3A_1774 = arith.constant 1 : i32
    %sub3A_1775 = vector.broadcast %sub3A_1774 : i32 to vector<16xi32>
    %sub3A_1776 = arith.subi %add3A_1773, %sub3A_1775 : vector<16xi32>
    %select_n3A_1777 = arith.select %eq3A_1763, %sub3A_1776, %select_n3A_1755 : vector<16xi1>, vector<16xi32>
    %reduce_sum3A_1778 = arith.constant true
    %reduce_sum3A_1779 = vector.broadcast %reduce_sum3A_1778 : i1 to vector<16xi1>
    %reduce_sum3A_1780 = tpu.scan <sum>, %select_n3A_1768 masked %reduce_sum3A_1779 : vector<16xi32>, vector<16xi1> -> vector<16xi32>
    %reduce_sum3A_1781 = vector.extract %reduce_sum3A_1780[15] : i32 from vector<16xi32>
    %add3A_1782 = arith.addi %add3A_1598, %reduce_sum3A_1781 : i32
    %eq3A_1783 = arith.constant 5 : i32
    %eq3A_1784 = vector.broadcast %eq3A_1783 : i32 to vector<16xi32>
    %eq3A_1785 = arith.cmpi eq, %get3A_1670, %eq3A_1784 : vector<16xi32>
    %jit3A_1786 = arith.constant 1 : i32
    %jit3A_1787 = arith.constant 0 : i32
    %broadcast_in_dim3A_1788 = vector.broadcast %jit3A_1786 : i32 to vector<16xi32>
    %broadcast_in_dim3A_1789 = vector.broadcast %jit3A_1787 : i32 to vector<16xi32>
    %select_n3A_1790 = arith.select %eq3A_1785, %broadcast_in_dim3A_1788, %broadcast_in_dim3A_1789 : vector<16xi1>, vector<16xi32>
    %broadcast_in_dim3A_1791 = arith.constant true
    %broadcast_in_dim3A_1792 = vector.broadcast %broadcast_in_dim3A_1791 : i1 to vector<16xi1>
    %masked_cumsum3A_1793 = tpu.scan <sum>, %select_n3A_1790 masked %broadcast_in_dim3A_1792 : vector<16xi32>, vector<16xi1> -> vector<16xi32>
    %add3A_1794 = vector.broadcast %add3A_1620 : i32 to vector<16xi32>
    %add3A_1795 = arith.addi %add3A_1794, %masked_cumsum3A_1793 : vector<16xi32>
    %sub3A_1796 = arith.constant 1 : i32
    %sub3A_1797 = vector.broadcast %sub3A_1796 : i32 to vector<16xi32>
    %sub3A_1798 = arith.subi %add3A_1795, %sub3A_1797 : vector<16xi32>
    %select_n3A_1799 = arith.select %eq3A_1785, %sub3A_1798, %select_n3A_1777 : vector<16xi1>, vector<16xi32>
    %reduce_sum3A_1800 = arith.constant true
    %reduce_sum3A_1801 = vector.broadcast %reduce_sum3A_1800 : i1 to vector<16xi1>
    %reduce_sum3A_1802 = tpu.scan <sum>, %select_n3A_1790 masked %reduce_sum3A_1801 : vector<16xi32>, vector<16xi1> -> vector<16xi32>
    %reduce_sum3A_1803 = vector.extract %reduce_sum3A_1802[15] : i32 from vector<16xi32>
    %add3A_1804 = arith.addi %add3A_1620, %reduce_sum3A_1803 : i32
    %eq3A_1805 = arith.constant 6 : i32
    %eq3A_1806 = vector.broadcast %eq3A_1805 : i32 to vector<16xi32>
    %eq3A_1807 = arith.cmpi eq, %get3A_1670, %eq3A_1806 : vector<16xi32>
    %jit3A_1808 = arith.constant 1 : i32
    %jit3A_1809 = arith.constant 0 : i32
    %broadcast_in_dim3A_1810 = vector.broadcast %jit3A_1808 : i32 to vector<16xi32>
    %broadcast_in_dim3A_1811 = vector.broadcast %jit3A_1809 : i32 to vector<16xi32>
    %select_n3A_1812 = arith.select %eq3A_1807, %broadcast_in_dim3A_1810, %broadcast_in_dim3A_1811 : vector<16xi1>, vector<16xi32>
    %broadcast_in_dim3A_1813 = arith.constant true
    %broadcast_in_dim3A_1814 = vector.broadcast %broadcast_in_dim3A_1813 : i1 to vector<16xi1>
    %masked_cumsum3A_1815 = tpu.scan <sum>, %select_n3A_1812 masked %broadcast_in_dim3A_1814 : vector<16xi32>, vector<16xi1> -> vector<16xi32>
    %add3A_1816 = vector.broadcast %add3A_1642 : i32 to vector<16xi32>
    %add3A_1817 = arith.addi %add3A_1816, %masked_cumsum3A_1815 : vector<16xi32>
    %sub3A_1818 = arith.constant 1 : i32
    %sub3A_1819 = vector.broadcast %sub3A_1818 : i32 to vector<16xi32>
    %sub3A_1820 = arith.subi %add3A_1817, %sub3A_1819 : vector<16xi32>
    %select_n3A_1821 = arith.select %eq3A_1807, %sub3A_1820, %select_n3A_1799 : vector<16xi1>, vector<16xi32>
    %reduce_sum3A_1822 = arith.constant true
    %reduce_sum3A_1823 = vector.broadcast %reduce_sum3A_1822 : i1 to vector<16xi1>
    %reduce_sum3A_1824 = tpu.scan <sum>, %select_n3A_1812 masked %reduce_sum3A_1823 : vector<16xi32>, vector<16xi1> -> vector<16xi32>
    %reduce_sum3A_1825 = vector.extract %reduce_sum3A_1824[15] : i32 from vector<16xi32>
    %add3A_1826 = arith.addi %add3A_1642, %reduce_sum3A_1825 : i32
    %eq3A_1827 = arith.constant 7 : i32
    %eq3A_1828 = vector.broadcast %eq3A_1827 : i32 to vector<16xi32>
    %eq3A_1829 = arith.cmpi eq, %get3A_1670, %eq3A_1828 : vector<16xi32>
    %jit3A_1830 = arith.constant 1 : i32
    %jit3A_1831 = arith.constant 0 : i32
    %broadcast_in_dim3A_1832 = vector.broadcast %jit3A_1830 : i32 to vector<16xi32>
    %broadcast_in_dim3A_1833 = vector.broadcast %jit3A_1831 : i32 to vector<16xi32>
    %select_n3A_1834 = arith.select %eq3A_1829, %broadcast_in_dim3A_1832, %broadcast_in_dim3A_1833 : vector<16xi1>, vector<16xi32>
    %broadcast_in_dim3A_1835 = arith.constant true
    %broadcast_in_dim3A_1836 = vector.broadcast %broadcast_in_dim3A_1835 : i1 to vector<16xi1>
    %masked_cumsum3A_1837 = tpu.scan <sum>, %select_n3A_1834 masked %broadcast_in_dim3A_1836 : vector<16xi32>, vector<16xi1> -> vector<16xi32>
    %add3A_1838 = vector.broadcast %add3A_1664 : i32 to vector<16xi32>
    %add3A_1839 = arith.addi %add3A_1838, %masked_cumsum3A_1837 : vector<16xi32>
    %sub3A_1840 = arith.constant 1 : i32
    %sub3A_1841 = vector.broadcast %sub3A_1840 : i32 to vector<16xi32>
    %sub3A_1842 = arith.subi %add3A_1839, %sub3A_1841 : vector<16xi32>
    %select_n3A_1843 = arith.select %eq3A_1829, %sub3A_1842, %select_n3A_1821 : vector<16xi1>, vector<16xi32>
    %reduce_sum3A_1844 = arith.constant true
    %reduce_sum3A_1845 = vector.broadcast %reduce_sum3A_1844 : i1 to vector<16xi1>
    %reduce_sum3A_1846 = tpu.scan <sum>, %select_n3A_1834 masked %reduce_sum3A_1845 : vector<16xi32>, vector<16xi1> -> vector<16xi32>
    %reduce_sum3A_1847 = vector.extract %reduce_sum3A_1846[15] : i32 from vector<16xi32>
    %add3A_1848 = arith.addi %add3A_1664, %reduce_sum3A_1847 : i32
    %swap3A_1849 = arith.constant 112 : index
    %swap3A_1850 = tpu.vector_load %arg8[%swap3A_1849] {strides = array<i32>} : memref<128xi32, #tpu.memory_space<vmem>>, vector<16xi32>,
    tpu.vector_store %arg8[%swap3A_1849], %select_n3A_1843 {strides = array<i32>} : memref<128xi32, #tpu.memory_space<vmem>>, vector<16xi32>,
    "tpu.region"() ({
      %run_scoped3A = tpu.sem_alloc : memref<!tpu.dma_semaphore, #tpu.memory_space<semaphore_mem>>
      %dma_start3A_1864 = tpu.memref_slice %arg5[%mul3A_2] : memref<4096xi32, #tpu.memory_space<hbm>> -> memref<128xi32, #tpu.memory_space<hbm>>
      %dma_start3A_1865 = tpu.memref_slice %arg5[%mul3A_2] : memref<4096xi32, #tpu.memory_space<hbm>> -> memref<128xi32, #tpu.memory_space<hbm>>
      tpu.enqueue_dma source(%arg8 : memref<128xi32, #tpu.memory_space<vmem>>) target(%dma_start3A_1865 : memref<128xi32, #tpu.memory_space<hbm>>) target_semaphore(%run_scoped3A : memref<!tpu.dma_semaphore, #tpu.memory_space<semaphore_mem>>)
      %dma_wait3A_1866 = tpu.memref_slice %arg5[%mul3A_2] : memref<4096xi32, #tpu.memory_space<hbm>> -> memref<128xi32, #tpu.memory_space<hbm>>
      %dma_wait3A_1867 = tpu.memref_slice %arg5[%mul3A_2] : memref<4096xi32, #tpu.memory_space<hbm>> -> memref<128xi32, #tpu.memory_space<hbm>>
      tpu.wait_dma2 semaphore(%run_scoped3A : memref<!tpu.dma_semaphore, #tpu.memory_space<semaphore_mem>>) src(%arg8 : memref<128xi32, #tpu.memory_space<vmem>>) dst(%dma_wait3A_1867 : memref<128xi32, #tpu.memory_space<hbm>>)
      tpu.yield
    }) : () -> ()
    %dma_wait3A = arith.constant 0 : i32
    %dma_wait3A_1851 = tpu.memref_slice %arg3[%mul3A_2, %dma_wait3A] : memref<4096x768xf32, #tpu.memory_space<hbm>> -> memref<128x768xf32, #tpu.memory_space<hbm>>
    %dma_wait3A_1852 = arith.constant 0 : i32
    %dma_wait3A_1853 = tpu.memref_slice %arg3[%mul3A_2, %dma_wait3A_1852] : memref<4096x768xf32, #tpu.memory_space<hbm>> -> memref<128x768xf32, #tpu.memory_space<hbm>>
    tpu.wait_dma2 semaphore(%arg11 : memref<!tpu.dma_semaphore, #tpu.memory_space<semaphore_mem>>) src(%dma_wait3A_1853 : memref<128x768xf32, #tpu.memory_space<hbm>>) dst(%arg9 : memref<128x768xf32, #tpu.memory_space<vmem>>)
    %dma_start3A_1854 = arith.constant 0 : i32
    %dma_start3A_1855 = arith.constant 0 : i32
    %dma_start3A_1856 = tpu.memref_slice %arg4[%dma_start3A_1854, %dma_start3A_1855] : memref<8192x768xf32, #tpu.memory_space<hbm>> -> memref<8192x768xf32, #tpu.memory_space<hbm>>
    tpu.enqueue_indirect_dma source(%arg9 : memref<128x768xf32, #tpu.memory_space<vmem>>) target(%dma_start3A_1856 : memref<8192x768xf32, #tpu.memory_space<hbm>>) offsets(%arg8 : memref<128xi32, #tpu.memory_space<vmem>>) semaphore(%arg11 : memref<!tpu.dma_semaphore, #tpu.memory_space<semaphore_mem>>)
    %dma_wait3A_1857 = arith.constant 0 : i32
    %dma_wait3A_1858 = arith.constant 0 : i32
    %dma_wait3A_1859 = tpu.memref_slice %arg4[%dma_wait3A_1857, %dma_wait3A_1858] : memref<8192x768xf32, #tpu.memory_space<hbm>> -> memref<8192x768xf32, #tpu.memory_space<hbm>>
    tpu.wait_indirect_dma semaphore(%arg11 : memref<!tpu.dma_semaphore, #tpu.memory_space<semaphore_mem>>) src(%arg9 : memref<128x768xf32, #tpu.memory_space<vmem>>) dst(%dma_wait3A_1859 : memref<8192x768xf32, #tpu.memory_space<hbm>>)
    %eq3A_1860 = arith.constant 0 : i32
    %eq3A_1861 = arith.cmpi eq, %add3A, %eq3A_1860 : i32
    %convert_element_type3A = arith.extui %eq3A_1861 : i1 to i32
    %cond3A = arith.constant 0 : i32
    %cond3A_1862 = arith.constant 0 : i32
    %cond3A_1863 = arith.cmpi ne, %convert_element_type3A, %cond3A_1862 : i32
    scf.if %cond3A_1863 {
      %jit3A_1864 = arith.constant 512 : i32
      %div3A_1865 = arith.divsi %add3A_373, %jit3A_1864 : i32
      %sign3A_1866 = arith.constant 0 : i32
      %sign3A_1867 = arith.cmpi sgt, %add3A_373, %sign3A_1866 : i32
      %sign3A_1868 = arith.extui %sign3A_1867 : i1 to i32
      %sign3A_1869 = arith.constant 0 : i32
      %sign3A_1870 = arith.cmpi slt, %add3A_373, %sign3A_1869 : i32
      %sign3A_1871 = arith.extui %sign3A_1870 : i1 to i32
      %sign3A_1872 = arith.subi %sign3A_1868, %sign3A_1871 : i32
      %sign3A_1873 = arith.constant 0 : i32
      %sign3A_1874 = arith.cmpi sgt, %jit3A_1864, %sign3A_1873 : i32
      %sign3A_1875 = arith.extui %sign3A_1874 : i1 to i32
      %sign3A_1876 = arith.constant 0 : i32
      %sign3A_1877 = arith.cmpi slt, %jit3A_1864, %sign3A_1876 : i32
      %sign3A_1878 = arith.extui %sign3A_1877 : i1 to i32
      %sign3A_1879 = arith.subi %sign3A_1875, %sign3A_1878 : i32
      %ne3A_1880 = arith.cmpi ne, %sign3A_1872, %sign3A_1879 : i32
      %rem3A_1881 = arith.remsi %add3A_373, %jit3A_1864 : i32
      %ne3A_1882 = arith.constant 0 : i32
      %ne3A_1883 = arith.cmpi ne, %rem3A_1881, %ne3A_1882 : i32
      %and3A_1884 = arith.andi %ne3A_1880, %ne3A_1883 : i1
      %sub3A_1885 = arith.constant 1 : i32
      %sub3A_1886 = arith.subi %div3A_1865, %sub3A_1885 : i32
      %select_n3A_1887 = arith.select %and3A_1884, %sub3A_1886, %div3A_1865 : i32
      %iota3A = tpu.iota {dimensions = array<i32: 0>} : vector<16xi32>
      %add3A_1888 = arith.constant 0 : i32
      %add3A_1889 = vector.broadcast %add3A_1888 : i32 to vector<16xi32>
      %add3A_1890 = arith.addi %iota3A, %add3A_1889 : vector<16xi32>
      %mul3A_1891 = arith.constant 512 : i32
      %mul3A_1892 = vector.broadcast %mul3A_1891 : i32 to vector<16xi32>
      %mul3A_1893 = arith.muli %add3A_1890, %mul3A_1892 : vector<16xi32>
      %sub3A_1894 = arith.constant 1 : i32
      %sub3A_1895 = arith.subi %add3A_373, %sub3A_1894 : i32
      %min3A = vector.broadcast %sub3A_1895 : i32 to vector<16xi32>
      %min3A_1896 = arith.minsi %mul3A_1893, %min3A : vector<16xi32>
      %ge3A = vector.broadcast %add3A_170 : i32 to vector<16xi32>
      %ge3A_1897 = arith.cmpi sge, %min3A_1896, %ge3A : vector<16xi32>
      %jit3A_1898 = arith.constant 1 : i32
      %jit3A_1899 = arith.constant 0 : i32
      %broadcast_in_dim3A_1900 = vector.broadcast %jit3A_1898 : i32 to vector<16xi32>
      %broadcast_in_dim3A_1901 = vector.broadcast %jit3A_1899 : i32 to vector<16xi32>
      %select_n3A_1902 = arith.select %ge3A_1897, %broadcast_in_dim3A_1900, %broadcast_in_dim3A_1901 : vector<16xi1>, vector<16xi32>
      %add3A_1903 = vector.broadcast %cond3A : i32 to vector<16xi32>
      %add3A_1904 = arith.addi %add3A_1903, %select_n3A_1902 : vector<16xi32>
      %ge3A_1905 = vector.broadcast %add3A_199 : i32 to vector<16xi32>
      %ge3A_1906 = arith.cmpi sge, %min3A_1896, %ge3A_1905 : vector<16xi32>
      %jit3A_1907 = arith.constant 1 : i32
      %jit3A_1908 = arith.constant 0 : i32
      %broadcast_in_dim3A_1909 = vector.broadcast %jit3A_1907 : i32 to vector<16xi32>
      %broadcast_in_dim3A_1910 = vector.broadcast %jit3A_1908 : i32 to vector<16xi32>
      %select_n3A_1911 = arith.select %ge3A_1906, %broadcast_in_dim3A_1909, %broadcast_in_dim3A_1910 : vector<16xi1>, vector<16xi32>
      %add3A_1912 = arith.addi %add3A_1904, %select_n3A_1911 : vector<16xi32>
      %ge3A_1913 = vector.broadcast %add3A_228 : i32 to vector<16xi32>
      %ge3A_1914 = arith.cmpi sge, %min3A_1896, %ge3A_1913 : vector<16xi32>
      %jit3A_1915 = arith.constant 1 : i32
      %jit3A_1916 = arith.constant 0 : i32
      %broadcast_in_dim3A_1917 = vector.broadcast %jit3A_1915 : i32 to vector<16xi32>
      %broadcast_in_dim3A_1918 = vector.broadcast %jit3A_1916 : i32 to vector<16xi32>
      %select_n3A_1919 = arith.select %ge3A_1914, %broadcast_in_dim3A_1917, %broadcast_in_dim3A_1918 : vector<16xi1>, vector<16xi32>
      %add3A_1920 = arith.addi %add3A_1912, %select_n3A_1919 : vector<16xi32>
      %ge3A_1921 = vector.broadcast %add3A_257 : i32 to vector<16xi32>
      %ge3A_1922 = arith.cmpi sge, %min3A_1896, %ge3A_1921 : vector<16xi32>
      %jit3A_1923 = arith.constant 1 : i32
      %jit3A_1924 = arith.constant 0 : i32
      %broadcast_in_dim3A_1925 = vector.broadcast %jit3A_1923 : i32 to vector<16xi32>
      %broadcast_in_dim3A_1926 = vector.broadcast %jit3A_1924 : i32 to vector<16xi32>
      %select_n3A_1927 = arith.select %ge3A_1922, %broadcast_in_dim3A_1925, %broadcast_in_dim3A_1926 : vector<16xi1>, vector<16xi32>
      %add3A_1928 = arith.addi %add3A_1920, %select_n3A_1927 : vector<16xi32>
      %ge3A_1929 = vector.broadcast %add3A_286 : i32 to vector<16xi32>
      %ge3A_1930 = arith.cmpi sge, %min3A_1896, %ge3A_1929 : vector<16xi32>
      %jit3A_1931 = arith.constant 1 : i32
      %jit3A_1932 = arith.constant 0 : i32
      %broadcast_in_dim3A_1933 = vector.broadcast %jit3A_1931 : i32 to vector<16xi32>
      %broadcast_in_dim3A_1934 = vector.broadcast %jit3A_1932 : i32 to vector<16xi32>
      %select_n3A_1935 = arith.select %ge3A_1930, %broadcast_in_dim3A_1933, %broadcast_in_dim3A_1934 : vector<16xi1>, vector<16xi32>
      %add3A_1936 = arith.addi %add3A_1928, %select_n3A_1935 : vector<16xi32>
      %ge3A_1937 = vector.broadcast %add3A_315 : i32 to vector<16xi32>
      %ge3A_1938 = arith.cmpi sge, %min3A_1896, %ge3A_1937 : vector<16xi32>
      %jit3A_1939 = arith.constant 1 : i32
      %jit3A_1940 = arith.constant 0 : i32
      %broadcast_in_dim3A_1941 = vector.broadcast %jit3A_1939 : i32 to vector<16xi32>
      %broadcast_in_dim3A_1942 = vector.broadcast %jit3A_1940 : i32 to vector<16xi32>
      %select_n3A_1943 = arith.select %ge3A_1938, %broadcast_in_dim3A_1941, %broadcast_in_dim3A_1942 : vector<16xi1>, vector<16xi32>
      %add3A_1944 = arith.addi %add3A_1936, %select_n3A_1943 : vector<16xi32>
      %ge3A_1945 = vector.broadcast %add3A_344 : i32 to vector<16xi32>
      %ge3A_1946 = arith.cmpi sge, %min3A_1896, %ge3A_1945 : vector<16xi32>
      %jit3A_1947 = arith.constant 1 : i32
      %jit3A_1948 = arith.constant 0 : i32
      %broadcast_in_dim3A_1949 = vector.broadcast %jit3A_1947 : i32 to vector<16xi32>
      %broadcast_in_dim3A_1950 = vector.broadcast %jit3A_1948 : i32 to vector<16xi32>
      %select_n3A_1951 = arith.select %ge3A_1946, %broadcast_in_dim3A_1949, %broadcast_in_dim3A_1950 : vector<16xi1>, vector<16xi32>
      %add3A_1952 = arith.addi %add3A_1944, %select_n3A_1951 : vector<16xi32>
      %swap3A_1953 = arith.constant 0 : index
      %swap3A_1954 = tpu.vector_load %arg10[%swap3A_1953] {strides = array<i32>} : memref<48xi32, #tpu.memory_space<vmem>>, vector<16xi32>,
      tpu.vector_store %arg10[%swap3A_1953], %add3A_1952 {strides = array<i32>} : memref<48xi32, #tpu.memory_space<vmem>>, vector<16xi32>,
      %sub3A_1955 = arith.constant 1 : i32
      %sub3A_1956 = arith.subi %select_n3A_1887, %sub3A_1955 : i32
      %min3A_1957 = vector.broadcast %sub3A_1956 : i32 to vector<16xi32>
      %min3A_1958 = arith.minsi %add3A_1890, %min3A_1957 : vector<16xi32>
      %swap3A_1959 = arith.constant 16 : index
      %swap3A_1960 = tpu.vector_load %arg10[%swap3A_1959] {strides = array<i32>} : memref<48xi32, #tpu.memory_space<vmem>>, vector<16xi32>,
      tpu.vector_store %arg10[%swap3A_1959], %min3A_1958 {strides = array<i32>} : memref<48xi32, #tpu.memory_space<vmem>>, vector<16xi32>,
      %lt3A = vector.broadcast %select_n3A_1887 : i32 to vector<16xi32>
      %lt3A_1961 = arith.cmpi slt, %add3A_1890, %lt3A : vector<16xi32>
      %jit3A_1962 = arith.constant 16 : i32
      %broadcast_in_dim3A_1963 = vector.broadcast %jit3A_1962 : i32 to vector<16xi32>
      %select_n3A_1964 = arith.select %lt3A_1961, %add3A_1890, %broadcast_in_dim3A_1963 : vector<16xi1>, vector<16xi32>
      %swap3A_1965 = arith.constant 32 : index
      %swap3A_1966 = tpu.vector_load %arg10[%swap3A_1965] {strides = array<i32>} : memref<48xi32, #tpu.memory_space<vmem>>, vector<16xi32>,
      tpu.vector_store %arg10[%swap3A_1965], %select_n3A_1964 {strides = array<i32>} : memref<48xi32, #tpu.memory_space<vmem>>, vector<16xi32>,
      "tpu.region"() ({
        %run_scoped3A = tpu.sem_alloc : memref<!tpu.dma_semaphore, #tpu.memory_space<semaphore_mem>>
        tpu.enqueue_dma source(%arg10 : memref<48xi32, #tpu.memory_space<vmem>>) target(%arg6 : memref<48xi32, #tpu.memory_space<hbm>>) target_semaphore(%run_scoped3A : memref<!tpu.dma_semaphore, #tpu.memory_space<semaphore_mem>>)
        tpu.wait_dma2 semaphore(%run_scoped3A : memref<!tpu.dma_semaphore, #tpu.memory_space<semaphore_mem>>) src(%arg10 : memref<48xi32, #tpu.memory_space<vmem>>) dst(%arg6 : memref<48xi32, #tpu.memory_space<hbm>>)
        tpu.yield
      }) : () -> ()
    } else {
    }
    return
  }
}

module attributes {stable_mosaic.version = 14 : i64} {
  func.func @_expert_body(%arg0: i32, %arg1: memref<48xi32, #tpu.memory_space<smem>>, %arg2: memref<512x768xf32, #tpu.memory_space<vmem>>, %arg3: memref<1x768x768xf32, #tpu.memory_space<vmem>>, %arg4: memref<512x768xf32, #tpu.memory_space<vmem>>) attributes {dimension_semantics = [#tpu.dimension_semantics<arbitrary>], iteration_bounds = array<i64: 16>, scalar_prefetch = 1 : i64, scratch_operands = 0 : i64, tpu.core_type = #tpu.core_type<tc>, window_params = [{transform_indices = @transform_0, window_bounds = array<i64: 512, 768>}, {transform_indices = @transform_1, window_bounds = array<i64: 1, 768, 768>}, {transform_indices = @transform_2, window_bounds = array<i64: 512, 768>}]} {
    %get3A = arith.constant 0 : index
    %get3A_0 = arith.constant 0 : index
    %get3A_1 = vector.load %arg2[%get3A, %get3A_0] : memref<512x768xf32, #tpu.memory_space<vmem>>, vector<512x768xf32>
    %get3A_2 = arith.constant 0 : index
    %get3A_3 = arith.constant 0 : index
    %get3A_4 = arith.constant 0 : index
    %get3A_5 = vector.load %arg3[%get3A_2, %get3A_3, %get3A_4] : memref<1x768x768xf32, #tpu.memory_space<vmem>>, vector<1x768x768xf32>
    %get3A_6 = vector.shape_cast %get3A_5 : vector<1x768x768xf32> to vector<768x768xf32>
    %dot_general3A = arith.constant dense<0.000000e+00> : vector<512x768xf32>
    %dot_general3A_7 = tpu.matmul %get3A_1, %get3A_6, %dot_general3A {dimension_numbers = #tpu.dot_dimension_numbers<[1], [0], [0], [1], [0, 0, 1, 1], [], []>, transpose_lhs_hint = false} : vector<512x768xf32>, vector<768x768xf32>, vector<512x768xf32> -> vector<512x768xf32>
    %swap3A = arith.constant 0 : index
    %swap3A_8 = arith.constant 0 : index
    %swap3A_9 = vector.load %arg4[%swap3A, %swap3A_8] : memref<512x768xf32, #tpu.memory_space<vmem>>, vector<512x768xf32>
    tpu.vector_store %arg4[%swap3A, %swap3A_8], %dot_general3A_7 {strides = array<i32>} : memref<512x768xf32, #tpu.memory_space<vmem>>, vector<512x768xf32>,
    return
  }
  func.func @transform_0(%arg0: i32, %arg1: memref<48xi32, #tpu.memory_space<smem>>) -> (i32, i32) {
    %add3A = arith.constant 16 : i32
    %add3A_0 = arith.addi %add3A, %arg0 : i32
    %get3A = arith.index_cast %add3A_0 : i32 to index
    %get3A_1 = memref.load %arg1[%get3A] : memref<48xi32, #tpu.memory_space<smem>>
    %c0_i32 = arith.constant 0 : i32
    %c0_i32_2 = arith.constant 0 : i32
    return %get3A_1, %c0_i32 : i32, i32
  }
  func.func @transform_1(%arg0: i32, %arg1: memref<48xi32, #tpu.memory_space<smem>>) -> (i32, i32, i32) {
    %get3A = arith.index_cast %arg0 : i32 to index
    %get3A_0 = memref.load %arg1[%get3A] : memref<48xi32, #tpu.memory_space<smem>>
    %c0_i32 = arith.constant 0 : i32
    %c0_i32_1 = arith.constant 0 : i32
    %c0_i32_2 = arith.constant 0 : i32
    return %get3A_0, %c0_i32, %c0_i32_1 : i32, i32, i32
  }
  func.func @transform_2(%arg0: i32, %arg1: memref<48xi32, #tpu.memory_space<smem>>) -> (i32, i32) {
    %add3A = arith.constant 32 : i32
    %add3A_0 = arith.addi %add3A, %arg0 : i32
    %get3A = arith.index_cast %add3A_0 : i32 to index
    %get3A_1 = memref.load %arg1[%get3A] : memref<48xi32, #tpu.memory_space<smem>>
    %c0_i32 = arith.constant 0 : i32
    %c0_i32_2 = arith.constant 0 : i32
    return %get3A_1, %c0_i32 : i32, i32
  }
}

module attributes {stable_mosaic.version = 14 : i64} {
  func.func @_stage1_body(%arg0: i32, %arg1: memref<512x768xf32, #tpu.memory_space<vmem>>, %arg2: memref<768x768xf32, #tpu.memory_space<vmem>>, %arg3: memref<768xf32, #tpu.memory_space<vmem>>, %arg4: memref<768x10xf32, #tpu.memory_space<vmem>>, %arg5: memref<1x2xf32, #tpu.memory_space<vmem>>, %arg6: memref<768x768xf32, #tpu.memory_space<vmem>>, %arg7: memref<768xf32, #tpu.memory_space<vmem>>, %arg8: memref<8x768xf32, #tpu.memory_space<vmem>>, %arg9: memref<512x768xf32, #tpu.memory_space<vmem>>, %arg10: memref<512x768xbf16, #tpu.memory_space<vmem>>, %arg11: memref<512xi32, #tpu.memory_space<vmem>>) attributes {dimension_semantics = [#tpu.dimension_semantics<arbitrary>], iteration_bounds = array<i64: 8>, scalar_prefetch = 0 : i64, scratch_operands = 0 : i64, tpu.core_type = #tpu.core_type<tc>, window_params = [{transform_indices = @transform_0, window_bounds = array<i64: 512, 768>}, {pipeline_mode = #tpu.pipeline_mode<synchronous>, transform_indices = @transform_1, window_bounds = array<i64: 768, 768>}, {pipeline_mode = #tpu.pipeline_mode<synchronous>, transform_indices = @transform_2, window_bounds = array<i64: 768>}, {pipeline_mode = #tpu.pipeline_mode<synchronous>, transform_indices = @transform_3, window_bounds = array<i64: 768, 10>}, {pipeline_mode = #tpu.pipeline_mode<synchronous>, transform_indices = @transform_4, window_bounds = array<i64: 1, 2>}, {pipeline_mode = #tpu.pipeline_mode<synchronous>, transform_indices = @transform_5, window_bounds = array<i64: 768, 768>}, {pipeline_mode = #tpu.pipeline_mode<synchronous>, transform_indices = @transform_6, window_bounds = array<i64: 768>}, {pipeline_mode = #tpu.pipeline_mode<synchronous>, transform_indices = @transform_7, window_bounds = array<i64: 8, 768>}, {transform_indices = @transform_8, window_bounds = array<i64: 512, 768>}, {transform_indices = @transform_9, window_bounds = array<i64: 512, 768>}, {transform_indices = @transform_10, window_bounds = array<i64: 512>}]} {
    %get3A = arith.constant 0 : index
    %get3A_0 = arith.constant 0 : index
    %get3A_1 = vector.load %arg1[%get3A, %get3A_0] : memref<512x768xf32, #tpu.memory_space<vmem>>, vector<512x768xf32>
    %get3A_2 = arith.constant 0 : index
    %get3A_3 = arith.constant 0 : index
    %get3A_4 = vector.load %arg2[%get3A_2, %get3A_3] : memref<768x768xf32, #tpu.memory_space<vmem>>, vector<768x768xf32>
    %dot_general3A = arith.constant dense<0.000000e+00> : vector<512x768xf32>
    %dot_general3A_5 = tpu.matmul %get3A_1, %get3A_4, %dot_general3A {dimension_numbers = #tpu.dot_dimension_numbers<[1], [0], [0], [1], [0, 0, 1, 1], [], []>, transpose_lhs_hint = false} : vector<512x768xf32>, vector<768x768xf32>, vector<512x768xf32> -> vector<512x768xf32>
    %get3A_6 = arith.constant 0 : index
    %get3A_7 = vector.load %arg3[%get3A_6] : memref<768xf32, #tpu.memory_space<vmem>>, vector<768xf32>
    %broadcast_in_dim3A = vector.shape_cast %get3A_7 : vector<768xf32> to vector<1x768xf32>
    %add3A = vector.broadcast %broadcast_in_dim3A : vector<1x768xf32> to vector<512x768xf32>
    %add3A_8 = arith.addf %dot_general3A_5, %add3A : vector<512x768xf32>
    %max3A = arith.constant 0.000000e+00 : f32
    %max3A_9 = vector.broadcast %max3A : f32 to vector<512x768xf32>
    %max3A_10 = arith.maximumf %add3A_8, %max3A_9 : vector<512x768xf32>
    %get3A_11 = arith.constant 0 : index
    %get3A_12 = arith.constant 0 : index
    %get3A_13 = vector.load %arg4[%get3A_11, %get3A_12] : memref<768x10xf32, #tpu.memory_space<vmem>>, vector<768x10xf32>
    %dot_general3A_14 = arith.constant dense<0.000000e+00> : vector<512x10xf32>
    %dot_general3A_15 = tpu.matmul %max3A_10, %get3A_13, %dot_general3A_14 {dimension_numbers = #tpu.dot_dimension_numbers<[1], [0], [0], [1], [0, 0, 1, 1], [], []>, transpose_lhs_hint = false} : vector<512x768xf32>, vector<768x10xf32>, vector<512x10xf32> -> vector<512x10xf32>
    %slice3A = vector.extract_strided_slice %dot_general3A_15 {offsets = [0, 0], sizes = [512, 8], strides = [1, 1]} : vector<512x10xf32> to vector<512x8xf32>
    %reduce_max3A = arith.constant dense<0xFF800000> : vector<512xf32>
    %reduce_max3A_16 = vector.multi_reduction <maximumf>, %slice3A, %reduce_max3A [1] : vector<512x8xf32> to vector<512xf32>
    %broadcast_in_dim3A_17 = vector.shape_cast %reduce_max3A_16 : vector<512xf32> to vector<512x1xf32>
    %sub3A = vector.broadcast %broadcast_in_dim3A_17 : vector<512x1xf32> to vector<512x8xf32>
    %sub3A_18 = arith.subf %slice3A, %sub3A : vector<512x8xf32>
    %exp3A = math.exp %sub3A_18 : vector<512x8xf32>
    %reduce_sum3A = arith.constant dense<0.000000e+00> : vector<512xf32>
    %reduce_sum3A_19 = vector.multi_reduction <add>, %exp3A, %reduce_sum3A [1] : vector<512x8xf32> to vector<512xf32>
    %broadcast_in_dim3A_20 = vector.shape_cast %reduce_sum3A_19 : vector<512xf32> to vector<512x1xf32>
    %div3A = arith.constant 1.000000e+00 : f32
    %div3A_21 = vector.broadcast %div3A : f32 to vector<512x1xf32>
    %div3A_22 = arith.divf %div3A_21, %broadcast_in_dim3A_20 : vector<512x1xf32>
    %iota3A = tpu.iota {dimensions = array<i32: 1>} : vector<512x8xi32>
    %eq3A = vector.broadcast %broadcast_in_dim3A_17 : vector<512x1xf32> to vector<512x8xf32>
    %eq3A_23 = arith.cmpf oeq, %slice3A, %eq3A : vector<512x8xf32>
    %jit3A = arith.constant 8 : i32
    %broadcast_in_dim3A_24 = vector.broadcast %jit3A : i32 to vector<512x8xi32>
    %select_n3A = arith.select %eq3A_23, %iota3A, %broadcast_in_dim3A_24 : vector<512x8xi1>, vector<512x8xi32>
    %reduce_min3A = arith.constant dense<2147483647> : vector<512xi32>
    %reduce_min3A_25 = vector.multi_reduction <minsi>, %select_n3A, %reduce_min3A [1] : vector<512x8xi32> to vector<512xi32>
    %broadcast_in_dim3A_26 = vector.shape_cast %reduce_min3A_25 : vector<512xi32> to vector<512x1xi32>
    %slice3A_27 = vector.extract_strided_slice %dot_general3A_15 {offsets = [0, 8], sizes = [512, 2], strides = [1, 1]} : vector<512x10xf32> to vector<512x2xf32>
    %get3A_28 = arith.constant 0 : index
    %get3A_29 = arith.constant 0 : index
    %get3A_30 = vector.load %arg5[%get3A_28, %get3A_29] : memref<1x2xf32, #tpu.memory_space<vmem>>, vector<1x2xf32>
    %add3A_31 = vector.broadcast %get3A_30 : vector<1x2xf32> to vector<512x2xf32>
    %add3A_32 = arith.addf %slice3A_27, %add3A_31 : vector<512x2xf32>
    %reduce_max3A_33 = arith.constant dense<0xFF800000> : vector<512xf32>
    %reduce_max3A_34 = vector.multi_reduction <maximumf>, %add3A_32, %reduce_max3A_33 [1] : vector<512x2xf32> to vector<512xf32>
    %broadcast_in_dim3A_35 = vector.shape_cast %reduce_max3A_34 : vector<512xf32> to vector<512x1xf32>
    %sub3A_36 = vector.broadcast %broadcast_in_dim3A_35 : vector<512x1xf32> to vector<512x2xf32>
    %sub3A_37 = arith.subf %add3A_32, %sub3A_36 : vector<512x2xf32>
    %exp3A_38 = math.exp %sub3A_37 : vector<512x2xf32>
    %reduce_sum3A_39 = arith.constant dense<0.000000e+00> : vector<512xf32>
    %reduce_sum3A_40 = vector.multi_reduction <add>, %exp3A_38, %reduce_sum3A_39 [1] : vector<512x2xf32> to vector<512xf32>
    %broadcast_in_dim3A_41 = vector.shape_cast %reduce_sum3A_40 : vector<512xf32> to vector<512x1xf32>
    %div3A_42 = vector.broadcast %broadcast_in_dim3A_41 : vector<512x1xf32> to vector<512x2xf32>
    %div3A_43 = arith.divf %exp3A_38, %div3A_42 : vector<512x2xf32>
    %slice3A_44 = vector.extract_strided_slice %div3A_43 {offsets = [0, 0], sizes = [512, 1], strides = [1, 1]} : vector<512x2xf32> to vector<512x1xf32>
    %mul3A = arith.mulf %div3A_22, %slice3A_44 : vector<512x1xf32>
    %mul3A_45 = vector.broadcast %mul3A : vector<512x1xf32> to vector<512x768xf32>
    %mul3A_46 = arith.mulf %max3A_10, %mul3A_45 : vector<512x768xf32>
    %swap3A = arith.constant 0 : index
    %swap3A_47 = arith.constant 0 : index
    %swap3A_48 = vector.load %arg9[%swap3A, %swap3A_47] : memref<512x768xf32, #tpu.memory_space<vmem>>, vector<512x768xf32>
    tpu.vector_store %arg9[%swap3A, %swap3A_47], %mul3A_46 {strides = array<i32>} : memref<512x768xf32, #tpu.memory_space<vmem>>, vector<512x768xf32>,
    %eq3A_49 = vector.broadcast %broadcast_in_dim3A_26 : vector<512x1xi32> to vector<512x8xi32>
    %eq3A_50 = arith.cmpi eq, %iota3A, %eq3A_49 : vector<512x8xi32>
    %jit3A_51 = arith.constant 1.000000e+00 : f32
    %jit3A_52 = arith.constant 0.000000e+00 : f32
    %broadcast_in_dim3A_53 = vector.broadcast %jit3A_51 : f32 to vector<512x8xf32>
    %broadcast_in_dim3A_54 = vector.broadcast %jit3A_52 : f32 to vector<512x8xf32>
    %select_n3A_55 = arith.select %eq3A_50, %broadcast_in_dim3A_53, %broadcast_in_dim3A_54 : vector<512x8xi1>, vector<512x8xf32>
    %get3A_56 = arith.constant 0 : index
    %get3A_57 = arith.constant 0 : index
    %get3A_58 = vector.load %arg6[%get3A_56, %get3A_57] : memref<768x768xf32, #tpu.memory_space<vmem>>, vector<768x768xf32>
    %dot_general3A_59 = arith.constant dense<0.000000e+00> : vector<512x768xf32>
    %dot_general3A_60 = tpu.matmul %max3A_10, %get3A_58, %dot_general3A_59 {dimension_numbers = #tpu.dot_dimension_numbers<[1], [0], [0], [1], [0, 0, 1, 1], [], []>, transpose_lhs_hint = false} : vector<512x768xf32>, vector<768x768xf32>, vector<512x768xf32> -> vector<512x768xf32>
    %get3A_61 = arith.constant 0 : index
    %get3A_62 = vector.load %arg7[%get3A_61] : memref<768xf32, #tpu.memory_space<vmem>>, vector<768xf32>
    %broadcast_in_dim3A_63 = vector.shape_cast %get3A_62 : vector<768xf32> to vector<1x768xf32>
    %add3A_64 = vector.broadcast %broadcast_in_dim3A_63 : vector<1x768xf32> to vector<512x768xf32>
    %add3A_65 = arith.addf %dot_general3A_60, %add3A_64 : vector<512x768xf32>
    %slice3A_66 = vector.extract_strided_slice %div3A_43 {offsets = [0, 1], sizes = [512, 1], strides = [1, 1]} : vector<512x2xf32> to vector<512x1xf32>
    %mul3A_67 = vector.broadcast %slice3A_66 : vector<512x1xf32> to vector<512x768xf32>
    %mul3A_68 = arith.mulf %add3A_65, %mul3A_67 : vector<512x768xf32>
    %get3A_69 = arith.constant 0 : index
    %get3A_70 = arith.constant 0 : index
    %get3A_71 = vector.load %arg8[%get3A_69, %get3A_70] : memref<8x768xf32, #tpu.memory_space<vmem>>, vector<8x768xf32>
    %dot_general3A_72 = arith.constant dense<0.000000e+00> : vector<512x768xf32>
    %dot_general3A_73 = tpu.matmul %select_n3A_55, %get3A_71, %dot_general3A_72 {dimension_numbers = #tpu.dot_dimension_numbers<[1], [0], [0], [1], [0, 0, 1, 1], [], []>, transpose_lhs_hint = false} : vector<512x8xf32>, vector<8x768xf32>, vector<512x768xf32> -> vector<512x768xf32>
    %mul3A_74 = vector.broadcast %mul3A : vector<512x1xf32> to vector<512x768xf32>
    %mul3A_75 = arith.mulf %dot_general3A_73, %mul3A_74 : vector<512x768xf32>
    %add3A_76 = arith.addf %mul3A_68, %mul3A_75 : vector<512x768xf32>
    %convert_element_type3A = arith.truncf %add3A_76 : vector<512x768xf32> to vector<512x768xbf16>
    %swap3A_77 = arith.constant 0 : index
    %swap3A_78 = arith.constant 0 : index
    %swap3A_79 = vector.load %arg10[%swap3A_77, %swap3A_78] : memref<512x768xbf16, #tpu.memory_space<vmem>>, vector<512x768xbf16>
    tpu.vector_store %arg10[%swap3A_77, %swap3A_78], %convert_element_type3A {strides = array<i32>} : memref<512x768xbf16, #tpu.memory_space<vmem>>, vector<512x768xbf16>,
    %squeeze3A = vector.shape_cast %broadcast_in_dim3A_26 : vector<512x1xi32> to vector<512xi32>
    %swap3A_80 = arith.constant 0 : index
    %swap3A_81 = vector.load %arg11[%swap3A_80] : memref<512xi32, #tpu.memory_space<vmem>>, vector<512xi32>
    tpu.vector_store %arg11[%swap3A_80], %squeeze3A {strides = array<i32>} : memref<512xi32, #tpu.memory_space<vmem>>, vector<512xi32>,
    return
  }
  func.func @transform_0(%arg0: i32) -> (i32, i32) {
    %c0_i32 = arith.constant 0 : i32
    %c0_i32_0 = arith.constant 0 : i32
    return %arg0, %c0_i32 : i32, i32
  }
  func.func @transform_1(%arg0: i32) -> (i32, i32) {
    %c0_i32 = arith.constant 0 : i32
    %c0_i32_0 = arith.constant 0 : i32
    %c0_i32_1 = arith.constant 0 : i32
    return %c0_i32, %c0_i32_0 : i32, i32
  }
  func.func @transform_2(%arg0: i32) -> i32 {
    %c0_i32 = arith.constant 0 : i32
    %c0_i32_0 = arith.constant 0 : i32
    return %c0_i32 : i32
  }
  func.func @transform_3(%arg0: i32) -> (i32, i32) {
    %c0_i32 = arith.constant 0 : i32
    %c0_i32_0 = arith.constant 0 : i32
    %c0_i32_1 = arith.constant 0 : i32
    return %c0_i32, %c0_i32_0 : i32, i32
  }
  func.func @transform_4(%arg0: i32) -> (i32, i32) {
    %c0_i32 = arith.constant 0 : i32
    %c0_i32_0 = arith.constant 0 : i32
    %c0_i32_1 = arith.constant 0 : i32
    return %c0_i32, %c0_i32_0 : i32, i32
  }
  func.func @transform_5(%arg0: i32) -> (i32, i32) {
    %c0_i32 = arith.constant 0 : i32
    %c0_i32_0 = arith.constant 0 : i32
    %c0_i32_1 = arith.constant 0 : i32
    return %c0_i32, %c0_i32_0 : i32, i32
  }
  func.func @transform_6(%arg0: i32) -> i32 {
    %c0_i32 = arith.constant 0 : i32
    %c0_i32_0 = arith.constant 0 : i32
    return %c0_i32 : i32
  }
  func.func @transform_7(%arg0: i32) -> (i32, i32) {
    %c0_i32 = arith.constant 0 : i32
    %c0_i32_0 = arith.constant 0 : i32
    %c0_i32_1 = arith.constant 0 : i32
    return %c0_i32, %c0_i32_0 : i32, i32
  }
  func.func @transform_8(%arg0: i32) -> (i32, i32) {
    %c0_i32 = arith.constant 0 : i32
    %c0_i32_0 = arith.constant 0 : i32
    return %arg0, %c0_i32 : i32, i32
  }
  func.func @transform_9(%arg0: i32) -> (i32, i32) {
    %c0_i32 = arith.constant 0 : i32
    %c0_i32_0 = arith.constant 0 : i32
    return %arg0, %c0_i32 : i32, i32
  }
  func.func @transform_10(%arg0: i32) -> i32 {
    %c0_i32 = arith.constant 0 : i32
    return %arg0 : i32
  }
}

module attributes {stable_mosaic.version = 14 : i64} {
  func.func @_final_body(%arg0: i32, %arg1: memref<512x768xf32, #tpu.memory_space<vmem>>, %arg2: memref<512x768xbf16, #tpu.memory_space<vmem>>, %arg3: memref<768x768xf32, #tpu.memory_space<vmem>>, %arg4: memref<1x768xf32, #tpu.memory_space<vmem>>, %arg5: memref<512x768xf32, #tpu.memory_space<vmem>>) attributes {dimension_semantics = [#tpu.dimension_semantics<arbitrary>], iteration_bounds = array<i64: 8>, scalar_prefetch = 0 : i64, scratch_operands = 0 : i64, tpu.core_type = #tpu.core_type<tc>, window_params = [{transform_indices = @transform_0, window_bounds = array<i64: 512, 768>}, {transform_indices = @transform_1, window_bounds = array<i64: 512, 768>}, {pipeline_mode = #tpu.pipeline_mode<synchronous>, transform_indices = @transform_2, window_bounds = array<i64: 768, 768>}, {pipeline_mode = #tpu.pipeline_mode<synchronous>, transform_indices = @transform_3, window_bounds = array<i64: 1, 768>}, {transform_indices = @transform_4, window_bounds = array<i64: 512, 768>}]} {
    %get3A = arith.constant 0 : index
    %get3A_0 = arith.constant 0 : index
    %get3A_1 = vector.load %arg1[%get3A, %get3A_0] : memref<512x768xf32, #tpu.memory_space<vmem>>, vector<512x768xf32>
    %get3A_2 = arith.constant 0 : index
    %get3A_3 = arith.constant 0 : index
    %get3A_4 = vector.load %arg2[%get3A_2, %get3A_3] : memref<512x768xbf16, #tpu.memory_space<vmem>>, vector<512x768xbf16>
    %convert_element_type3A = arith.extf %get3A_4 : vector<512x768xbf16> to vector<512x768xf32>
    %add3A = arith.addf %get3A_1, %convert_element_type3A : vector<512x768xf32>
    %get3A_5 = arith.constant 0 : index
    %get3A_6 = arith.constant 0 : index
    %get3A_7 = vector.load %arg3[%get3A_5, %get3A_6] : memref<768x768xf32, #tpu.memory_space<vmem>>, vector<768x768xf32>
    %dot_general3A = arith.constant dense<0.000000e+00> : vector<512x768xf32>
    %dot_general3A_8 = tpu.matmul %add3A, %get3A_7, %dot_general3A {dimension_numbers = #tpu.dot_dimension_numbers<[1], [0], [0], [1], [0, 0, 1, 1], [], []>, transpose_lhs_hint = false} : vector<512x768xf32>, vector<768x768xf32>, vector<512x768xf32> -> vector<512x768xf32>
    %get3A_9 = arith.constant 0 : index
    %get3A_10 = arith.constant 0 : index
    %get3A_11 = vector.load %arg4[%get3A_9, %get3A_10] : memref<1x768xf32, #tpu.memory_space<vmem>>, vector<1x768xf32>
    %add3A_12 = vector.broadcast %get3A_11 : vector<1x768xf32> to vector<512x768xf32>
    %add3A_13 = arith.addf %dot_general3A_8, %add3A_12 : vector<512x768xf32>
    %swap3A = arith.constant 0 : index
    %swap3A_14 = arith.constant 0 : index
    %swap3A_15 = vector.load %arg5[%swap3A, %swap3A_14] : memref<512x768xf32, #tpu.memory_space<vmem>>, vector<512x768xf32>
    tpu.vector_store %arg5[%swap3A, %swap3A_14], %add3A_13 {strides = array<i32>} : memref<512x768xf32, #tpu.memory_space<vmem>>, vector<512x768xf32>,
    return
  }
  func.func @transform_0(%arg0: i32) -> (i32, i32) {
    %c0_i32 = arith.constant 0 : i32
    %c0_i32_0 = arith.constant 0 : i32
    return %arg0, %c0_i32 : i32, i32
  }
  func.func @transform_1(%arg0: i32) -> (i32, i32) {
    %c0_i32 = arith.constant 0 : i32
    %c0_i32_0 = arith.constant 0 : i32
    return %arg0, %c0_i32 : i32, i32
  }
  func.func @transform_2(%arg0: i32) -> (i32, i32) {
    %c0_i32 = arith.constant 0 : i32
    %c0_i32_0 = arith.constant 0 : i32
    %c0_i32_1 = arith.constant 0 : i32
    return %c0_i32, %c0_i32_0 : i32, i32
  }
  func.func @transform_3(%arg0: i32) -> (i32, i32) {
    %c0_i32 = arith.constant 0 : i32
    %c0_i32_0 = arith.constant 0 : i32
    %c0_i32_1 = arith.constant 0 : i32
    return %c0_i32, %c0_i32_0 : i32, i32
  }
  func.func @transform_4(%arg0: i32) -> (i32, i32) {
    %c0_i32 = arith.constant 0 : i32
    %c0_i32_0 = arith.constant 0 : i32
    return %arg0, %c0_i32 : i32, i32
  }
}

</mosaic_0001>

<sc_bundles>
// kernel: kernel.10.cloned.1.call-start
scs
__scs_entry_jumppad:
0x0: {  	(pc) =	sbr.rel $0x88, $3  }
0x1: {  	(tag) =	ssettag $0x0;
	lr =	simm.s32 $0x1  }
0x2: {  	[smem:$0x3F95] =	sst lr;
	_ =	strace $0xD0000000  }
0x3: {  	_ = 	snop  }
0x4: {  	_ = 	snop  }
0x5: {  	_ = 	snop  }
0x6: {  	_ = 	snop  }
0x7: {  	_ = 	snop  }
__scs_overlays_trampoline_lowered:
0x8: {  	[smem:$0x3FA4] =	sst s0  }
0x9: {  	[smem:$0x3FA5] =	sst s1  }
0xa: {  	[smem:$0x3FA6] =	sst s2  }
0xb: {  	[smem:$0x3FA7] =	sst s3  }
0xc: {  	[smem:$0x3FA8] =	sst s4  }
0xd: {  	[smem:$0x3FA9] =	sst s5  }
0xe: {  	[smem:$0x3FAA] =	sst s6  }
0xf: {  	[smem:$0x3FAB] =	sst s7  }
0x10: {  	[smem:$0x3FAC] =	sst s8  }
0x11: {  	[smem:$0x3FAD] =	sst s9;
	s0 =	simm.s32 @!p0 $0x0  }
0x12: {  	s1 =	sld [smem:$0x3F93];
	s0 =	simm.s32 @p0 $0x1  }
0x13: {  	[smem:$0x3FAE] =	sst s0;
	s0 =	simm.s32 @!p1 $0x0  }
0x14: {  	s2 =	sld [smem:$0x3F92];
	s0 =	simm.s32 @p1 $0x1  }
0x15: {  	[smem:$0x3FAF] =	sst s0;
	s0 =	simm.s32 @!p2 $0x0  }
0x16: {  	s3 =	sld [smem:$0x3FDB];
	s0 =	simm.s32 @p2 $0x1  }
0x17: {  	s4 =	simm.s32 $0x1BF5;
	[smem:$0x3FB1] =	sst s0  }
0x18: {  	s0 =	sld [smem:$0x3F94];
	_ =	swait.ge [sflag:s4], $0x0  }
0x19: {  	s7 =	sld [smem:$0x3F95]  }
0x1a: {  	s8 =	sadd.s32 $0xFFFFE003, lr  }
0x1b: {  	s9 =	sadd.s32 $0xFFFFFEF7, lr;
	s5 =	simm.s32 $0xFFFFFFFF;
	p2 =	slt.u32 s8, $0xFFFFF086  }
0x1c: {  	p1 =	slt.u32 s9, $0xF7A;
	s5 =	simm.s32 @!p2 $0x0  }
0x1d: {  	s5 =	simm.s32 @p1 $0x1;
	p0 =	seq.s32 s7, s2  }
0x1e: {  	s7 =	smul.u32 @!p0 $0xF7A, s2;
	p2 =	seq.s32 @!p0 s5, $0x0  }
0x1f: {  	s9 =	smul.u32 $0xF7A, s1;
	s8 =	simm.s32 @!p0 $0x1BF5;
	p2 =	por !p2, p0  }
0x20: {  	[sflag:s8] =	ssyncset.s32 @!p0 $0xFFFFF086;
	s6 =	sadd.s32 @!p0 s3, s7;
	s7 =	simm.s32 @!p0 $0x108  }
0x21: {  	s3 =	sadd.s32 s3, s9;
	s6 =	sadd.s32 @!p0 $0x88, s6;
	s7 =	simm.s32 @p2 $0x1082  }
0x22: {  	[simem:s7], [sflag:s8] =	dma.local @!p0 [hbm:s6], $0xF7A  }
0x23: {  	s9 =	sor.u32 $0xD0000000, s2;
	s6 =	simm.s32 $0x108;
	_ =	swait.ge @!p0 [sflag:s8], $0x0  }
0x24: {  	s3 =	sadd.s32 $0x88, s3;
	s6 =	simm.s32 @!p1 $0x1082;
	[sflag:s4] =	ssyncset.s32 $0xFFFFF086  }
0x25: {  	[simem:s6], [sflag:s4] =	dma.local [hbm:s3], $0xF7A  }
0x26: {  	[smem:$0x3F95] =	sst s1;
	(tag) =	ssettag s2;
	_ =	strace s9  }
0x27: {  	s1 =	sld [smem:$0x3FA5]  }
0x28: {  	s2 =	sld [smem:$0x3FA6]  }
0x29: {  	s4 =	sld [smem:$0x3FA8]  }
0x2a: {  	p0 =	seq.s32 s5, $0x0;
	s5 =	sld [smem:$0x3FA9]  }
0x2b: {  	s6 =	sld [smem:$0x3FAA]  }
0x2c: {  	s7 =	sld [smem:$0x3FAB]  }
0x2d: {  	s3 =	simm.s32 $0x108;
	s8 =	sld [smem:$0x3FAC]  }
0x2e: {  	s3 =	simm.s32 @!p0 $0x1082;
	s9 =	sld [smem:$0x3FAD]  }
0x2f: {  	lr =	sadd.s32 s0, s3;
	s0 =	sld [smem:$0x3FA4]  }
0x30: {  	s3 =	sld [smem:$0x3FA7]  }
0x31: {  	[smem:$0x3FB0] =	sst s10  }
0x32: {  	s10 =	sld [smem:$0x3FAE];
	_ =	sdelay $0x3  }
0x33: {  	p0 =	seq.s32 s10, $0x1;
	s10 =	sld [smem:$0x3FB0];
	_ =	sdelay $0x3  }
0x34: {  	[smem:$0x3FB0] =	sst s10  }
0x35: {  	s10 =	sld [smem:$0x3FAF];
	_ =	sdelay $0x3  }
0x36: {  	p1 =	seq.s32 s10, $0x1;
	s10 =	sld [smem:$0x3FB0];
	_ =	sdelay $0x3  }
0x37: {  	[smem:$0x3FB0] =	sst s10  }
0x38: {  	s10 =	sld [smem:$0x3FB1]  }
0x39: {  	_ = 	snop;
	(pc) =	sbr.ind lr, $3  }
0x3a: {  	_ = 	snop  }
0x3b: {  	_ = 	snop  }
0x3c: {  	p2 =	seq.s32 s10, $0x1;
	s10 =	sld [smem:$0x3FB0]  }
0x3d: {  	_ =	shalt  }
0x3e: {  	_ =	shalt  }
0x3f: {  	_ =	shalt  }
0x40: {  	_ =	shalt  }
0x41: {  	_ =	shalt  }
0x42: {  	_ =	shalt  }
0x43: {  	_ =	shalt  }
0x44: {  	_ =	shalt  }
0x45: {  	_ =	shalt  }
0x46: {  	_ =	shalt  }
0x47: {  	_ =	shalt  }
0x48: {  	_ =	shalt  }
0x49: {  	_ =	shalt  }
0x4a: {  	_ =	shalt  }
0x4b: {  	_ =	shalt  }
0x4c: {  	_ =	shalt  }
0x4d: {  	_ =	shalt  }
0x4e: {  	_ =	shalt  }
0x4f: {  	_ =	shalt  }
0x50: {  	_ =	shalt  }
0x51: {  	_ =	shalt  }
0x52: {  	_ =	shalt  }
0x53: {  	_ =	shalt  }
0x54: {  	_ =	shalt  }
0x55: {  	_ =	shalt  }
0x56: {  	_ =	shalt  }
0x57: {  	_ =	shalt  }
0x58: {  	_ =	shalt  }
0x59: {  	_ =	shalt  }
0x5a: {  	_ =	shalt  }
0x5b: {  	_ =	shalt  }
0x5c: {  	_ =	shalt  }
0x5d: {  	_ =	shalt  }
0x5e: {  	_ =	shalt  }
0x5f: {  	_ =	shalt  }
0x60: {  	_ =	shalt  }
0x61: {  	_ =	shalt  }
0x62: {  	_ =	shalt  }
0x63: {  	_ =	shalt  }
0x64: {  	_ =	shalt  }
0x65: {  	_ =	shalt  }
0x66: {  	_ =	shalt  }
0x67: {  	_ =	shalt  }
0x68: {  	_ =	shalt  }
0x69: {  	_ =	shalt  }
0x6a: {  	_ =	shalt  }
0x6b: {  	_ =	shalt  }
0x6c: {  	_ =	shalt  }
0x6d: {  	_ =	shalt  }
0x6e: {  	_ =	shalt  }
0x6f: {  	_ =	shalt  }
0x70: {  	_ =	shalt  }
0x71: {  	_ =	shalt  }
0x72: {  	_ =	shalt  }
0x73: {  	_ =	shalt  }
0x74: {  	_ =	shalt  }
0x75: {  	_ =	shalt  }
0x76: {  	_ =	shalt  }
0x77: {  	_ =	shalt  }
0x78: {  	_ =	shalt  }
0x79: {  	_ =	shalt  }
0x7a: {  	_ =	shalt  }
0x7b: {  	_ =	shalt  }
0x7c: {  	_ =	shalt  }
0x7d: {  	_ =	shalt  }
0x7e: {  	_ =	shalt  }
0x7f: {  	_ =	shalt  }
0x80: {  	_ =	shalt  }
0x81: {  	_ =	shalt  }
0x82: {  	_ =	shalt  }
0x83: {  	_ =	shalt  }
0x84: {  	_ =	shalt  }
0x85: {  	_ =	shalt  }
0x86: {  	_ =	shalt  }
0x87: {  	_ =	shalt  }
.Lfunc_end0:
.L_simem_size_0:
called_computation.1_lowered:
.L_overlay_start_0:
0x88: {  	s2 =	sld [smem:$0x3FD9]  }
0x89: {  	s3 =	sld [smem:$0x3FFE];
	_ =	sdelay $0x1  }
0x8a: {  	s1 =	srdreg.scid  }
0x8b: {  	s0 =	sand.u32 $0x1, s1  }
0x8c: {  	s17 =	sshll.u32 s0, $0xA;
	s2 =	sadd.s32 s3, s2  }
0x8d: {  	s2 =	sadd.s32 s2, s17  }
0x8e: {  	[smem:$0x3FBC] =	sst s2  }
0x8f: {  	_ = 	snop  }
0x90: {  	s2 =	sld [smem:$0x3FD0];
	(tm) =	ssettm $0x1  }
0x91: {  	s18 =	sld [smem:$0x3FFB];
	_ =	sdelay $0x3  }
0x92: {  	_ =	strace s18  }
0x93: {  	s3 =	sld [smem:$0x3FFC];
	_ =	sdelay $0x3  }
0x94: {  	_ =	strace s3  }
0x95: {  	s3 =	sld [smem:$0x3FFD];
	_ =	sdelay $0x3  }
0x96: {  	_ =	strace s3  }
0x97: {  	_ =	strace $0x8FFFFFFF  }
0x98: {  	s19 =	sld [smem:$0x3FDB];
	_ =	sdelay $0x1  }
0x99: {  	s4 =	simm.s32 $_scs_section_size  }
0x9a: {  	s5 =	simm.s32 $_size__tile_overlayer_lowered;
	s6 =	simm.s32 $_tile_overlayer_lowered  }
0x9b: {  	s22 =	simm.s32 $0x1BFF;
	s21 =	sshll.u32 s6, $0x1;
	s3 =	sadd.s32 s4, s19  }
0x9c: {  	s7 =	simm.s32 $0x0;
	s20 =	sshll.u32 s5, $0x1;
	s5 =	sadd.s32 s21, s3  }
0x9d: {  	[timem:s7], [sflag:s22] =	dma.local [hbm:s5], s20  }
0x9e: {  	_ =	swait.ge [sflag:s22], s20  }
0x9f: {  	s4 =	ssub.s32 $0x0, s20;
	[sflag:s22] =	ssyncset.done $0x0  }
0xa0: {  	[sflag:s22] =	ssyncadd.s32 s4;
	_ =	sdelay $0x1  }
0xa1: {  	s23 =	simm.s32 $0x1B8B  }
0xa2: {  	_ =	swait.ge [sflag:s23], $0x1  }
0xa3: {  	[sflag:s23] =	ssyncset.done $0x0  }
0xa4: {  	s25 =	simm.s32 $0x1B8E;
	s24 =	sld [smem:$0x3FFE];
	[sflag:s23] =	ssyncadd.s32 $0xFFFFFFFF  }
0xa5: {  	s26 =	simm.s32 $execute0_lowered;
	[smem:$0x3FD2] =	sst s25  }
0xa6: {  	s5 =	sshll.u32 s26, $0x1;
	_ =	strace $0x80000049;
	[dreg:$0x1] =	wrdreg $0xFFFFFFFF  }
0xa7: {  	s28 =	simm.s32 $_size_execute0_lowered;
	s3 =	sadd.s32 s3, s5;
	[dreg:$0x0] =	wrdreg $0x0  }
0xa8: {  	s5 =	sshll.u32 s28, $0x1;
	[dreg:$0x2] =	wrdreg s3  }
0xa9: {  	[dreg:$0x3] =	wrdreg s5  }
0xaa: {  	[dreg:$0x4] =	wrdreg $0xC0  }
0xab: {  	_ =	task [dreg:s7], $0x5FFFF  }
0xac: {  	[dreg:$0x1] =	wrdreg $0xFFFFFFFF  }
0xad: {  	[dreg:$0x0] =	wrdreg $0x60  }
0xae: {  	[dreg:$0x2] =	wrdreg s24  }
0xaf: {  	[dreg:$0x3] =	wrdreg s2  }
0xb0: {  	[dreg:$0x4] =	wrdreg $0x9  }
0xb1: {  	_ =	task.clear_ibuf [dreg:s7], $0x5FFFF;
	_ =	strace $0x90000049  }
0xb2: {  	s29 =	simm.s32 $0x9;
	_ =	strace $0x8000004B  }
0xb3: {  	_ =	swait.ge [sflag:s29], $0x1  }
0xb4: {  	[sflag:s29] =	ssyncadd.s32 $0xFFFFFFFF  }
0xb5: {  	_ =	strace $0x9000004B  }
0xb6: {  	_ =	sfence  }
0xb7: {  	s30 =	sld [smem:$0x0];
	_ =	sdelay $0x2  }
0xb8: {  	s31 =	sshll.u32 s1, $0xD;
	s1 =	sshrl.u32 s1, $0x2  }
0xb9: {  	s3 =	sand.u32 $0x4000, s31;
	s1 =	sadd.s32 s1, s30  }
0xba: {  	s0 =	sor.u32 s3, s0;
	s1 =	sshll.u32 s1, $0x11  }
0xbb: {  	s0 =	sor.u32 s1, s0  }
0xbc: {  	s0 =	sadd.s32 $0x8F2B, s0  }
0xbd: {  	[sflag:s0] =	ssyncadd.remote.s32 $0x1  }
0xbe: {  	_ =	sfence.sel $0xFFFF  }
0xbf: {  	[dreg:$0x0] =	wrdreg $0xFFFFFFFF;
	(pc) =	sbr.abs _section_cstart, $3  }
0xc0: {  	[dreg:$0x1] =	wrdreg $0xFFFFFFFF  }
0xc1: {  	_ =	task.clear_ibuf [dreg:s7], $0x2FFFF;
	_ =	strace $0x9FFFFFFF  }
0xc2: {  	(tm) =	ssettm $0x7FFFFFFF  }
0xc3: {  	_ =	shalt  }
tec
execute0_lowered:
.L_overlay_start_1:
0x0: {  	(tag) =	ssettag $0x1  }
0x1: {  	s2 =	srdreg.scid;
	s1 =	rddreg [dreg:$0x0]  }
0x2: {  	s3 =	rddreg [dreg:$0x1];
	s4 =	sand.u32 $0x1, s2;
	s2 =	simm.s32 $0x0  }
0x3: {  	s0 =	stileid.u32;
	s25 =	simm.s32 $0x880;
	[smem:$0x7FF] =	sst s2  }
0x4: {  	s26 =	simm.s32 $0x1080;
	_ =	strace $0x8000004A;
	[dreg:$0x5] =	wrdreg s25  }
0x5: {  	s5 =	sshll.u32 s0, $0x5;
	s0 =	simm.s32 $0x1880;
	[dreg:$0x6] =	wrdreg s26  }
0x6: {  	s7 =	simm.s32 $0x3080;
	[dreg:$0x7] =	wrdreg s0  }
0x7: {  	s8 =	simm.s32 $0x3880;
	[dreg:$0xa] =	wrdreg s7  }
0x8: {  	s9 =	simm.s32 $0x4080;
	[dreg:$0xb] =	wrdreg s8  }
0x9: {  	s10 =	simm.s32 $0x4880;
	[dreg:$0xc] =	wrdreg s9  }
0xa: {  	s11 =	simm.s32 $0x5080;
	[dreg:$0xd] =	wrdreg s10  }
0xb: {  	s12 =	simm.s32 $0x5880;
	[dreg:$0xe] =	wrdreg s11  }
0xc: {  	s13 =	simm.s32 $0x6080;
	[dreg:$0xf] =	wrdreg s12  }
0xd: {  	s14 =	simm.s32 $0x6880;
	[dreg:$0x10] =	wrdreg s13  }
0xe: {  	s15 =	simm.s32 $0x7080;
	[dreg:$0x11] =	wrdreg s14  }
0xf: {  	s16 =	simm.s32 $0x7880;
	s17 =	simm.s32 $0x8080;
	[dreg:$0x12] =	wrdreg s15  }
0x10: {  	s18 =	simm.s32 $0x8880;
	s19 =	simm.s32 $0x9080;
	[dreg:$0x13] =	wrdreg s16  }
0x11: {  	s21 =	simm.s32 $0x9880;
	s22 =	simm.s32 $0xA080;
	[dreg:$0x14] =	wrdreg s17  }
0x12: {  	s23 =	simm.s32 $0xB080;
	s24 =	simm.s32 $0xB880;
	[dreg:$0x15] =	wrdreg s18  }
0x13: {  	s28 =	simm.s32 $0x16080;
	s29 =	simm.s32 $0x16880;
	[dreg:$0x16] =	wrdreg s19  }
0x14: {  	s30 =	simm.s32 $0x17080;
	s31 =	simm.s32 $0x17880;
	[dreg:$0x17] =	wrdreg s21  }
0x15: {  	s6 =	sshll.u32 s4, $0x4;
	s4 =	ssub.s32 $0x2, s4;
	[dreg:$0x18] =	wrdreg s22  }
0x16: {  	s5 =	sor.u32 s6, s5;
	s20 =	sshrl.u32 s4, $0x1;
	[dreg:$0x1a] =	wrdreg s23  }
0x17: {  	s7 =	simm.s32 $0xA880;
	[dreg:$0x1b] =	wrdreg s24;
	s25 =	simm.s32 $0xC080  }
0x18: {  	s8 =	simm.s32 $0x80;
	s26 =	simm.s32 $0xC880;
	s10 =	simm.s32 $0xD880  }
0x19: {  	s11 =	simm.s32 $0xE080;
	s12 =	simm.s32 $0xE880;
	s13 =	simm.s32 $0xF080  }
0x1a: {  	s14 =	simm.s32 $0xF880;
	s15 =	simm.s32 $0x10080;
	s16 =	simm.s32 $0x10880  }
0x1b: {  	s17 =	simm.s32 $0x11080;
	s18 =	simm.s32 $0x11880;
	s19 =	simm.s32 $0x12080  }
0x1c: {  	s21 =	simm.s32 $0x13080;
	s22 =	simm.s32 $0x13880;
	[dreg:$0x19] =	wrdreg s7  }
0x1d: {  	s6 =	sadd.s32 s5, s1;
	s5 =	smul.u32 $0x300, s5;
	[dreg:$0x1c] =	wrdreg s25  }
0x1e: {  	s23 =	simm.s32 $0x14080;
	[dreg:$0x1d] =	wrdreg s26;
	s6 =	sadd.s32 $0xC3C00, s6  }
0x1f: {  	s24 =	simm.s32 $0x14880;
	[dreg:$0x3] =	wrdreg s6;
	s3 =	sadd.s32 s3, s5  }
0x20: {  	s7 =	simm.s32 $0x2;
	s5 =	simm.s32 $0x2080;
	[dreg:$0x4] =	wrdreg s3  }
0x21: {  	s25 =	simm.s32 $0x15080;
	s6 =	simm.s32 $0x2880;
	[dreg:$0x8] =	wrdreg s5  }
0x22: {  	v2 =	vlaneseq.u32;
	s26 =	simm.s32 $0x15880;
	[dreg:$0x9] =	wrdreg s6;
	s3 =	sadd.s32 $0xC3E00, s1  }
0x23: {  	vm0 =	vmmov $0xffff;
	v1 =	vshrl.u32 v2, $0x3;
	s6 =	ssub.s32 s4, s20;
	s4 =	sadd.s32 $0xC3F00, s1;
	s5 =	sadd.s32 $0xC4000, s1  }
0x24: {  	v0 =	vand.u32 $0x7, v2;
	v2 =	vor.u32 $0x8, v2;
	v1 =	vmul.u32 $0x8, v1;
	s20 =	simm.s32 $0x12880;
	s1 =	simm.s32 $0x1;
	s6 =	smax.u32 s6, $0x1  }
.LBB2_1:
0x25: {  	s0 =	rddreg [dreg:$0x3]  }
0x26: {  	[tilespmem:s2], [sflag:$0x2] =	stream.linear.gather [hbm4b:s0+s2], $0x80, $0x38;
	[tilespmem:$0x18080] =	vst v63  }
0x27: {  	_ =	swait.ge [sflag:s7], $0x80  }
0x28: {  	[sflag:s7] =	ssyncset.done $0x0  }
0x29: {  	[sflag:s7] =	ssyncadd.s32 $0xFFFFFF80  }
0x2a: {  	v3 =	vld [tilespmem:$0x0];
	_ =	sdelay $0x4  }
0x2b: {  	v4 =	vshrl.u32 v3, $0x3  }
0x2c: {  	v4 =	vmul.u32 $0x30, v4  }
0x2d: {  	v3 =	vand.u32 $0x7, v3  }
0x2e: {  	v3 =	vor.u32 v3, v4  }
0x2f: {  	v4 =	vperm.xlane v3, v0;
	_ =	sdelay $0x1  }
0x30: {  	v4 =	vadd.s32 v1, v4;
	_ =	sdelay $0x3  }
0x31: {  	v3 =	vperm.xlane v3, v2  }
0x32: {  	[tilespmem:s8], [sflag:$0x1] =	stream.indirect_vreg.gather [hbm4b:s3+s2], $0x80, v4, vm0, $0xb8;
	[tilespmem:$0x18080] =	vst v63  }
0x33: {  	s0 =	rddreg [dreg:$0x5];
	v3 =	vadd.s32 v1, v3  }
0x34: {  	[tilespmem:s0], [sflag:$0x1] =	stream.indirect_vreg.gather [hbm4b:s4+s2], $0x80, v4, vm0, $0xb8;
	[tilespmem:$0x18080] =	vst v63  }
0x35: {  	s9 =	rddreg [dreg:$0x6]  }
0x36: {  	[tilespmem:s9], [sflag:$0x1] =	stream.indirect_vreg.gather [hbm4b:s5+s2], $0x80, v4, vm0, $0xb8;
	[tilespmem:$0x18080] =	vst v63  }
0x37: {  	s0 =	rddreg [dreg:$0x7]  }
0x38: {  	[tilespmem:s0], [sflag:$0x1] =	stream.indirect_vreg.gather [hbm4b:s3+s2], $0x80, v3, vm0, $0xb8;
	[tilespmem:$0x18080] =	vst v63  }
0x39: {  	s9 =	rddreg [dreg:$0x8]  }
0x3a: {  	[tilespmem:s9], [sflag:$0x1] =	stream.indirect_vreg.gather [hbm4b:s4+s2], $0x80, v3, vm0, $0xb8;
	[tilespmem:$0x18080] =	vst v63  }
0x3b: {  	s0 =	rddreg [dreg:$0x9]  }
0x3c: {  	[tilespmem:s0], [sflag:$0x1] =	stream.indirect_vreg.gather [hbm4b:s5+s2], $0x80, v3, vm0, $0xb8;
	[tilespmem:$0x18080] =	vst v63  }
0x3d: {  	v3 =	vld [tilespmem:$0x10];
	_ =	sdelay $0x4  }
0x3e: {  	v57 =	vshrl.u32 v3, $0x3  }
0x3f: {  	v4 =	vmul.u32 $0x30, v57  }
0x40: {  	v3 =	vand.u32 $0x7, v3  }
0x41: {  	v3 =	vor.u32 v3, v4  }
0x42: {  	v4 =	vperm.xlane v3, v0;
	_ =	sdelay $0x1  }
0x43: {  	v4 =	vadd.s32 v1, v4;
	_ =	sdelay $0x3  }
0x44: {  	s0 =	rddreg [dreg:$0xa];
	v3 =	vperm.xlane v3, v2  }
0x45: {  	[tilespmem:s0], [sflag:$0x1] =	stream.indirect_vreg.gather [hbm4b:s3+s2], $0x80, v4, vm0, $0xb8;
	[tilespmem:$0x18080] =	vst v63  }
0x46: {  	s9 =	rddreg [dreg:$0xb];
	v3 =	vadd.s32 v1, v3  }
0x47: {  	[tilespmem:s9], [sflag:$0x1] =	stream.indirect_vreg.gather [hbm4b:s4+s2], $0x80, v4, vm0, $0xb8;
	[tilespmem:$0x18080] =	vst v63  }
0x48: {  	s0 =	rddreg [dreg:$0xc]  }
0x49: {  	[tilespmem:s0], [sflag:$0x1] =	stream.indirect_vreg.gather [hbm4b:s5+s2], $0x80, v4, vm0, $0xb8;
	[tilespmem:$0x18080] =	vst v63  }
0x4a: {  	s9 =	rddreg [dreg:$0xd]  }
0x4b: {  	[tilespmem:s9], [sflag:$0x1] =	stream.indirect_vreg.gather [hbm4b:s3+s2], $0x80, v3, vm0, $0xb8;
	[tilespmem:$0x18080] =	vst v63  }
0x4c: {  	s0 =	rddreg [dreg:$0xe]  }
0x4d: {  	[tilespmem:s0], [sflag:$0x1] =	stream.indirect_vreg.gather [hbm4b:s4+s2], $0x80, v3, vm0, $0xb8;
	[tilespmem:$0x18080] =	vst v63  }
0x4e: {  	s9 =	rddreg [dreg:$0xf]  }
0x4f: {  	[tilespmem:s9], [sflag:$0x1] =	stream.indirect_vreg.gather [hbm4b:s5+s2], $0x80, v3, vm0, $0xb8;
	[tilespmem:$0x18080] =	vst v63  }
0x50: {  	v3 =	vld [tilespmem:$0x20];
	_ =	sdelay $0x4  }
0x51: {  	v58 =	vshrl.u32 v3, $0x3  }
0x52: {  	v4 =	vmul.u32 $0x30, v58  }
0x53: {  	v3 =	vand.u32 $0x7, v3  }
0x54: {  	v3 =	vor.u32 v3, v4  }
0x55: {  	v4 =	vperm.xlane v3, v0;
	_ =	sdelay $0x1  }
0x56: {  	v4 =	vadd.s32 v1, v4;
	_ =	sdelay $0x3  }
0x57: {  	s0 =	rddreg [dreg:$0x10];
	v3 =	vperm.xlane v3, v2  }
0x58: {  	[tilespmem:s0], [sflag:$0x1] =	stream.indirect_vreg.gather [hbm4b:s3+s2], $0x80, v4, vm0, $0xb8;
	[tilespmem:$0x18080] =	vst v63  }
0x59: {  	s9 =	rddreg [dreg:$0x11];
	v3 =	vadd.s32 v1, v3  }
0x5a: {  	[tilespmem:s9], [sflag:$0x1] =	stream.indirect_vreg.gather [hbm4b:s4+s2], $0x80, v4, vm0, $0xb8;
	[tilespmem:$0x18080] =	vst v63  }
0x5b: {  	s0 =	rddreg [dreg:$0x12]  }
0x5c: {  	[tilespmem:s0], [sflag:$0x1] =	stream.indirect_vreg.gather [hbm4b:s5+s2], $0x80, v4, vm0, $0xb8;
	[tilespmem:$0x18080] =	vst v63  }
0x5d: {  	s9 =	rddreg [dreg:$0x13]  }
0x5e: {  	[tilespmem:s9], [sflag:$0x1] =	stream.indirect_vreg.gather [hbm4b:s3+s2], $0x80, v3, vm0, $0xb8;
	[tilespmem:$0x18080] =	vst v63  }
0x5f: {  	s0 =	rddreg [dreg:$0x14]  }
0x60: {  	[tilespmem:s0], [sflag:$0x1] =	stream.indirect_vreg.gather [hbm4b:s4+s2], $0x80, v3, vm0, $0xb8;
	[tilespmem:$0x18080] =	vst v63  }
0x61: {  	s9 =	rddreg [dreg:$0x15]  }
0x62: {  	[tilespmem:s9], [sflag:$0x1] =	stream.indirect_vreg.gather [hbm4b:s5+s2], $0x80, v3, vm0, $0xb8;
	[tilespmem:$0x18080] =	vst v63  }
0x63: {  	v3 =	vld [tilespmem:$0x30];
	_ =	sdelay $0x4  }
0x64: {  	v59 =	vshrl.u32 v3, $0x3  }
0x65: {  	v4 =	vmul.u32 $0x30, v59  }
0x66: {  	v3 =	vand.u32 $0x7, v3  }
0x67: {  	v3 =	vor.u32 v3, v4  }
0x68: {  	v4 =	vperm.xlane v3, v0;
	_ =	sdelay $0x1  }
0x69: {  	v4 =	vadd.s32 v1, v4;
	_ =	sdelay $0x3  }
0x6a: {  	s0 =	rddreg [dreg:$0x16];
	v3 =	vperm.xlane v3, v2  }
0x6b: {  	[tilespmem:s0], [sflag:$0x1] =	stream.indirect_vreg.gather [hbm4b:s3+s2], $0x80, v4, vm0, $0xb8;
	[tilespmem:$0x18080] =	vst v63  }
0x6c: {  	s9 =	rddreg [dreg:$0x17];
	v3 =	vadd.s32 v1, v3  }
0x6d: {  	[tilespmem:s9], [sflag:$0x1] =	stream.indirect_vreg.gather [hbm4b:s4+s2], $0x80, v4, vm0, $0xb8;
	[tilespmem:$0x18080] =	vst v63  }
0x6e: {  	s0 =	rddreg [dreg:$0x18]  }
0x6f: {  	[tilespmem:s0], [sflag:$0x1] =	stream.indirect_vreg.gather [hbm4b:s5+s2], $0x80, v4, vm0, $0xb8;
	[tilespmem:$0x18080] =	vst v63  }
0x70: {  	s9 =	rddreg [dreg:$0x19]  }
0x71: {  	[tilespmem:s9], [sflag:$0x1] =	stream.indirect_vreg.gather [hbm4b:s3+s2], $0x80, v3, vm0, $0xb8;
	[tilespmem:$0x18080] =	vst v63  }
0x72: {  	s0 =	rddreg [dreg:$0x1a]  }
0x73: {  	[tilespmem:s0], [sflag:$0x1] =	stream.indirect_vreg.gather [hbm4b:s4+s2], $0x80, v3, vm0, $0xb8;
	[tilespmem:$0x18080] =	vst v63  }
0x74: {  	s9 =	rddreg [dreg:$0x1b]  }
0x75: {  	[tilespmem:s9], [sflag:$0x1] =	stream.indirect_vreg.gather [hbm4b:s5+s2], $0x80, v3, vm0, $0xb8;
	[tilespmem:$0x18080] =	vst v63  }
0x76: {  	v3 =	vld [tilespmem:$0x40];
	_ =	sdelay $0x4  }
0x77: {  	v60 =	vshrl.u32 v3, $0x3  }
0x78: {  	v4 =	vmul.u32 $0x30, v60  }
0x79: {  	v3 =	vand.u32 $0x7, v3  }
0x7a: {  	v3 =	vor.u32 v3, v4  }
0x7b: {  	v4 =	vperm.xlane v3, v0;
	_ =	sdelay $0x1  }
0x7c: {  	v4 =	vadd.s32 v1, v4;
	_ =	sdelay $0x3  }
0x7d: {  	s0 =	rddreg [dreg:$0x1c];
	v3 =	vperm.xlane v3, v2  }
0x7e: {  	[tilespmem:s0], [sflag:$0x1] =	stream.indirect_vreg.gather [hbm4b:s3+s2], $0x80, v4, vm0, $0xb8;
	[tilespmem:$0x18080] =	vst v63  }
0x7f: {  	s9 =	rddreg [dreg:$0x1d];
	v3 =	vadd.s32 v1, v3  }
0x80: {  	[tilespmem:s9], [sflag:$0x1] =	stream.indirect_vreg.gather [hbm4b:s4+s2], $0x80, v4, vm0, $0xb8;
	[tilespmem:$0x18080] =	vst v63  }
0x81: {  	s9 =	simm.s32 $0xD080  }
0x82: {  	[tilespmem:s9], [sflag:$0x1] =	stream.indirect_vreg.gather [hbm4b:s5+s2], $0x80, v4, vm0, $0xb8;
	[tilespmem:$0x18080] =	vst v63  }
0x83: {  	_ = 	snop  }
0x84: {  	[tilespmem:s10], [sflag:$0x1] =	stream.indirect_vreg.gather [hbm4b:s3+s2], $0x80, v3, vm0, $0xb8;
	[tilespmem:$0x18080] =	vst v63  }
0x85: {  	_ = 	snop  }
0x86: {  	[tilespmem:s11], [sflag:$0x1] =	stream.indirect_vreg.gather [hbm4b:s4+s2], $0x80, v3, vm0, $0xb8;
	[tilespmem:$0x18080] =	vst v63  }
0x87: {  	_ = 	snop  }
0x88: {  	[tilespmem:s12], [sflag:$0x1] =	stream.indirect_vreg.gather [hbm4b:s5+s2], $0x80, v3, vm0, $0xb8;
	[tilespmem:$0x18080] =	vst v63  }
0x89: {  	v3 =	vld [tilespmem:$0x50];
	_ =	sdelay $0x4  }
0x8a: {  	v61 =	vshrl.u32 v3, $0x3  }
0x8b: {  	v4 =	vmul.u32 $0x30, v61  }
0x8c: {  	v3 =	vand.u32 $0x7, v3  }
0x8d: {  	v3 =	vor.u32 v3, v4  }
0x8e: {  	v4 =	vperm.xlane v3, v0;
	_ =	sdelay $0x1  }
0x8f: {  	v4 =	vadd.s32 v1, v4;
	_ =	sdelay $0x3  }
0x90: {  	v3 =	vperm.xlane v3, v2  }
0x91: {  	[tilespmem:s13], [sflag:$0x1] =	stream.indirect_vreg.gather [hbm4b:s3+s2], $0x80, v4, vm0, $0xb8;
	[tilespmem:$0x18080] =	vst v63  }
0x92: {  	v3 =	vadd.s32 v1, v3  }
0x93: {  	[tilespmem:s14], [sflag:$0x1] =	stream.indirect_vreg.gather [hbm4b:s4+s2], $0x80, v4, vm0, $0xb8;
	[tilespmem:$0x18080] =	vst v63  }
0x94: {  	_ = 	snop  }
0x95: {  	[tilespmem:s15], [sflag:$0x1] =	stream.indirect_vreg.gather [hbm4b:s5+s2], $0x80, v4, vm0, $0xb8;
	[tilespmem:$0x18080] =	vst v63  }
0x96: {  	_ = 	snop  }
0x97: {  	[tilespmem:s16], [sflag:$0x1] =	stream.indirect_vreg.gather [hbm4b:s3+s2], $0x80, v3, vm0, $0xb8;
	[tilespmem:$0x18080] =	vst v63  }
0x98: {  	_ = 	snop  }
0x99: {  	[tilespmem:s17], [sflag:$0x1] =	stream.indirect_vreg.gather [hbm4b:s4+s2], $0x80, v3, vm0, $0xb8;
	[tilespmem:$0x18080] =	vst v63  }
0x9a: {  	_ = 	snop  }
0x9b: {  	[tilespmem:s18], [sflag:$0x1] =	stream.indirect_vreg.gather [hbm4b:s5+s2], $0x80, v3, vm0, $0xb8;
	[tilespmem:$0x18080] =	vst v63  }
0x9c: {  	v3 =	vld [tilespmem:$0x60];
	_ =	sdelay $0x4  }
0x9d: {  	v62 =	vshrl.u32 v3, $0x3  }
0x9e: {  	v4 =	vmul.u32 $0x30, v62  }
0x9f: {  	v3 =	vand.u32 $0x7, v3  }
0xa0: {  	v3 =	vor.u32 v3, v4  }
0xa1: {  	v4 =	vperm.xlane v3, v0;
	_ =	sdelay $0x1  }
0xa2: {  	v4 =	vadd.s32 v1, v4;
	_ =	sdelay $0x3  }
0xa3: {  	v3 =	vperm.xlane v3, v2  }
0xa4: {  	[tilespmem:s19], [sflag:$0x1] =	stream.indirect_vreg.gather [hbm4b:s3+s2], $0x80, v4, vm0, $0xb8;
	[tilespmem:$0x18080] =	vst v63  }
0xa5: {  	v3 =	vadd.s32 v1, v3  }
0xa6: {  	[tilespmem:s20], [sflag:$0x1] =	stream.indirect_vreg.gather [hbm4b:s4+s2], $0x80, v4, vm0, $0xb8;
	[tilespmem:$0x18080] =	vst v63  }
0xa7: {  	_ = 	snop  }
0xa8: {  	[tilespmem:s21], [sflag:$0x1] =	stream.indirect_vreg.gather [hbm4b:s5+s2], $0x80, v4, vm0, $0xb8;
	[tilespmem:$0x18080] =	vst v63  }
0xa9: {  	_ = 	snop  }
0xaa: {  	[tilespmem:s22], [sflag:$0x1] =	stream.indirect_vreg.gather [hbm4b:s3+s2], $0x80, v3, vm0, $0xb8;
	[tilespmem:$0x18080] =	vst v63  }
0xab: {  	_ = 	snop  }
0xac: {  	[tilespmem:s23], [sflag:$0x1] =	stream.indirect_vreg.gather [hbm4b:s4+s2], $0x80, v3, vm0, $0xb8;
	[tilespmem:$0x18080] =	vst v63  }
0xad: {  	_ = 	snop  }
0xae: {  	[tilespmem:s24], [sflag:$0x1] =	stream.indirect_vreg.gather [hbm4b:s5+s2], $0x80, v3, vm0, $0xb8;
	[tilespmem:$0x18080] =	vst v63  }
0xaf: {  	v3 =	vld [tilespmem:$0x70];
	_ =	sdelay $0x4  }
0xb0: {  	v63 =	vshrl.u32 v3, $0x3  }
0xb1: {  	v4 =	vmul.u32 $0x30, v63  }
0xb2: {  	v3 =	vand.u32 $0x7, v3  }
0xb3: {  	v3 =	vor.u32 v3, v4  }
0xb4: {  	v4 =	vperm.xlane v3, v0;
	_ =	sdelay $0x1  }
0xb5: {  	v4 =	vadd.s32 v1, v4;
	_ =	sdelay $0x3  }
0xb6: {  	v3 =	vperm.xlane v3, v2  }
0xb7: {  	[tilespmem:s25], [sflag:$0x1] =	stream.indirect_vreg.gather [hbm4b:s3+s2], $0x80, v4, vm0, $0xb8;
	[tilespmem:$0x18080] =	vst v63  }
0xb8: {  	v3 =	vadd.s32 v1, v3  }
0xb9: {  	[tilespmem:s26], [sflag:$0x1] =	stream.indirect_vreg.gather [hbm4b:s4+s2], $0x80, v4, vm0, $0xb8;
	[tilespmem:$0x18080] =	vst v63  }
0xba: {  	_ = 	snop  }
0xbb: {  	[tilespmem:s28], [sflag:$0x1] =	stream.indirect_vreg.gather [hbm4b:s5+s2], $0x80, v4, vm0, $0xb8;
	[tilespmem:$0x18080] =	vst v63  }
0xbc: {  	_ = 	snop  }
0xbd: {  	[tilespmem:s29], [sflag:$0x1] =	stream.indirect_vreg.gather [hbm4b:s3+s2], $0x80, v3, vm0, $0xb8;
	[tilespmem:$0x18080] =	vst v63  }
0xbe: {  	_ = 	snop  }
0xbf: {  	[tilespmem:s30], [sflag:$0x1] =	stream.indirect_vreg.gather [hbm4b:s4+s2], $0x80, v3, vm0, $0xb8;
	[tilespmem:$0x18080] =	vst v63  }
0xc0: {  	_ = 	snop  }
0xc1: {  	[tilespmem:s31], [sflag:$0x1] =	stream.indirect_vreg.gather [hbm4b:s5+s2], $0x80, v3, vm0, $0xb8;
	[tilespmem:$0x18080] =	vst v63  }
0xc2: {  	_ =	swait.ge [sflag:s1], $0x18000  }
0xc3: {  	p0 =	sne.s32 s6, $0x1;
	[sflag:s1] =	ssyncset.done $0x0  }
.Ltmp0:
0xc4: {  	s9 =	rddreg [dreg:$0x4];
	[sflag:s1] =	ssyncadd.s32 $0xFFFE8000;
	(pc) =	sbr.rel @p0 .LBB2_1-.Ltmp0, $4  }
0xc5: {  	[hbm4b:s9+s2] =	stream.linear.scatter [tilespmem:s8], [sflag:$0x2], $0x18000, $0x38;
	[tilespmem:$0x18080] =	vst v63  }
0xc6: {  	_ =	swait.ge [sflag:s7], $0x18000  }
0xc7: {  	[sflag:s7] =	ssyncset.done $0x0  }
0xc8: {  	s6 =	sadd.s32 $0xFFFFFFFF, s6;
	[sflag:s7] =	ssyncadd.s32 $0xFFFE8000  }
0xc9: {  	_ =	sfence.sel $0x180000  }
0xca: {  	[bflag:$0x0] =	sbarrier.arrive $0xFFFF  }
0xcb: {  	_ =	strace $0x9000004A  }
0xcc: {  	s0 =	stileid.u32;
	[bflag:$0x2] =	sbarrier.arrive $0xFFFF  }
0xcd: {  	p0 =	sne.s32 s0, $0x0;
	s0 =	rddreg [dreg:$0x2]  }
0xce: {  	s0 =	sadd.s32 @!p0 $0x100000, s0  }
0xcf: {  	[sflag:s0] =	ssyncadd.tile.s32 @!p0 $0x1;
	_ =	shalt  }
.Lfunc_end2:
_tile_overlayer_lowered:
.L_overlay_start_2:
0xd0: {  	(tag) =	ssettag $0x2  }
0xd1: {  	s0 =	rddreg [dreg:$0x0];
	s2 =	stileid.u32  }
0xd2: {  	s1 =	rddreg [dreg:$0x1];
	p0 =	sne.s32 s2, $0x0  }
0xd3: {  	s3 =	rddreg [dreg:$0x2];
	[bflag:$0x3] =	sbarrier.arrive $0xFFFF;
	s2 =	simm.s32 @!p0 $0x1C02  }
0xd4: {  	[timem:s3], [sflag:s2] =	dma.local @!p0 [hbm:s0], s1  }
0xd5: {  	s0 =	simm.s32 @!p0 $0x2  }
0xd6: {  	_ =	swait.ge @!p0 [sflag:s0], s1  }
0xd7: {  	s1 =	ssub.s32 @!p0 $0x0, s1;
	[sflag:s0] =	ssyncset.done @!p0 $0x0  }
0xd8: {  	[sflag:s0] =	ssyncadd.s32 @!p0 s1  }
0xd9: {  	[bflag:$0x3] =	sbarrier.arrive $0xFFFF  }
0xda: {  	_ =	shalt  }

// kernel: kernel.7.cloned.1.call-start
scs
__scs_entry_jumppad:
0x0: {  	(pc) =	sbr.rel $0x88, $3  }
0x1: {  	(tag) =	ssettag $0x0;
	lr =	simm.s32 $0x1  }
0x2: {  	[smem:$0x3F95] =	sst lr;
	_ =	strace $0xD0000000  }
0x3: {  	_ = 	snop  }
0x4: {  	_ = 	snop  }
0x5: {  	_ = 	snop  }
0x6: {  	_ = 	snop  }
0x7: {  	_ = 	snop  }
__scs_overlays_trampoline_lowered:
0x8: {  	[smem:$0x3FA4] =	sst s0  }
0x9: {  	[smem:$0x3FA5] =	sst s1  }
0xa: {  	[smem:$0x3FA6] =	sst s2  }
0xb: {  	[smem:$0x3FA7] =	sst s3  }
0xc: {  	[smem:$0x3FA8] =	sst s4  }
0xd: {  	[smem:$0x3FA9] =	sst s5  }
0xe: {  	[smem:$0x3FAA] =	sst s6  }
0xf: {  	[smem:$0x3FAB] =	sst s7  }
0x10: {  	[smem:$0x3FAC] =	sst s8  }
0x11: {  	[smem:$0x3FAD] =	sst s9;
	s0 =	simm.s32 @!p0 $0x0  }
0x12: {  	s1 =	sld [smem:$0x3F93];
	s0 =	simm.s32 @p0 $0x1  }
0x13: {  	[smem:$0x3FAE] =	sst s0;
	s0 =	simm.s32 @!p1 $0x0  }
0x14: {  	s2 =	sld [smem:$0x3F92];
	s0 =	simm.s32 @p1 $0x1  }
0x15: {  	[smem:$0x3FAF] =	sst s0;
	s0 =	simm.s32 @!p2 $0x0  }
0x16: {  	s3 =	sld [smem:$0x3FDB];
	s0 =	simm.s32 @p2 $0x1  }
0x17: {  	s4 =	simm.s32 $0x1BF5;
	[smem:$0x3FB1] =	sst s0  }
0x18: {  	s0 =	sld [smem:$0x3F94];
	_ =	swait.ge [sflag:s4], $0x0  }
0x19: {  	s7 =	sld [smem:$0x3F95]  }
0x1a: {  	s8 =	sadd.s32 $0xFFFFE003, lr  }
0x1b: {  	s9 =	sadd.s32 $0xFFFFFEF7, lr;
	s5 =	simm.s32 $0xFFFFFFFF;
	p2 =	slt.u32 s8, $0xFFFFF086  }
0x1c: {  	p1 =	slt.u32 s9, $0xF7A;
	s5 =	simm.s32 @!p2 $0x0  }
0x1d: {  	s5 =	simm.s32 @p1 $0x1;
	p0 =	seq.s32 s7, s2  }
0x1e: {  	s7 =	smul.u32 @!p0 $0xF7A, s2;
	p2 =	seq.s32 @!p0 s5, $0x0  }
0x1f: {  	s9 =	smul.u32 $0xF7A, s1;
	s8 =	simm.s32 @!p0 $0x1BF5;
	p2 =	por !p2, p0  }
0x20: {  	[sflag:s8] =	ssyncset.s32 @!p0 $0xFFFFF086;
	s6 =	sadd.s32 @!p0 s3, s7;
	s7 =	simm.s32 @!p0 $0x108  }
0x21: {  	s3 =	sadd.s32 s3, s9;
	s6 =	sadd.s32 @!p0 $0x88, s6;
	s7 =	simm.s32 @p2 $0x1082  }
0x22: {  	[simem:s7], [sflag:s8] =	dma.local @!p0 [hbm:s6], $0xF7A  }
0x23: {  	s9 =	sor.u32 $0xD0000000, s2;
	s6 =	simm.s32 $0x108;
	_ =	swait.ge @!p0 [sflag:s8], $0x0  }
0x24: {  	s3 =	sadd.s32 $0x88, s3;
	s6 =	simm.s32 @!p1 $0x1082;
	[sflag:s4] =	ssyncset.s32 $0xFFFFF086  }
0x25: {  	[simem:s6], [sflag:s4] =	dma.local [hbm:s3], $0xF7A  }
0x26: {  	[smem:$0x3F95] =	sst s1;
	(tag) =	ssettag s2;
	_ =	strace s9  }
0x27: {  	s1 =	sld [smem:$0x3FA5]  }
0x28: {  	s2 =	sld [smem:$0x3FA6]  }
0x29: {  	s4 =	sld [smem:$0x3FA8]  }
0x2a: {  	p0 =	seq.s32 s5, $0x0;
	s5 =	sld [smem:$0x3FA9]  }
0x2b: {  	s6 =	sld [smem:$0x3FAA]  }
0x2c: {  	s7 =	sld [smem:$0x3FAB]  }
0x2d: {  	s3 =	simm.s32 $0x108;
	s8 =	sld [smem:$0x3FAC]  }
0x2e: {  	s3 =	simm.s32 @!p0 $0x1082;
	s9 =	sld [smem:$0x3FAD]  }
0x2f: {  	lr =	sadd.s32 s0, s3;
	s0 =	sld [smem:$0x3FA4]  }
0x30: {  	s3 =	sld [smem:$0x3FA7]  }
0x31: {  	[smem:$0x3FB0] =	sst s10  }
0x32: {  	s10 =	sld [smem:$0x3FAE];
	_ =	sdelay $0x3  }
0x33: {  	p0 =	seq.s32 s10, $0x1;
	s10 =	sld [smem:$0x3FB0];
	_ =	sdelay $0x3  }
0x34: {  	[smem:$0x3FB0] =	sst s10  }
0x35: {  	s10 =	sld [smem:$0x3FAF];
	_ =	sdelay $0x3  }
0x36: {  	p1 =	seq.s32 s10, $0x1;
	s10 =	sld [smem:$0x3FB0];
	_ =	sdelay $0x3  }
0x37: {  	[smem:$0x3FB0] =	sst s10  }
0x38: {  	s10 =	sld [smem:$0x3FB1]  }
0x39: {  	_ = 	snop;
	(pc) =	sbr.ind lr, $3  }
0x3a: {  	_ = 	snop  }
0x3b: {  	_ = 	snop  }
0x3c: {  	p2 =	seq.s32 s10, $0x1;
	s10 =	sld [smem:$0x3FB0]  }
0x3d: {  	_ =	shalt  }
0x3e: {  	_ =	shalt  }
0x3f: {  	_ =	shalt  }
0x40: {  	_ =	shalt  }
0x41: {  	_ =	shalt  }
0x42: {  	_ =	shalt  }
0x43: {  	_ =	shalt  }
0x44: {  	_ =	shalt  }
0x45: {  	_ =	shalt  }
0x46: {  	_ =	shalt  }
0x47: {  	_ =	shalt  }
0x48: {  	_ =	shalt  }
0x49: {  	_ =	shalt  }
0x4a: {  	_ =	shalt  }
0x4b: {  	_ =	shalt  }
0x4c: {  	_ =	shalt  }
0x4d: {  	_ =	shalt  }
0x4e: {  	_ =	shalt  }
0x4f: {  	_ =	shalt  }
0x50: {  	_ =	shalt  }
0x51: {  	_ =	shalt  }
0x52: {  	_ =	shalt  }
0x53: {  	_ =	shalt  }
0x54: {  	_ =	shalt  }
0x55: {  	_ =	shalt  }
0x56: {  	_ =	shalt  }
0x57: {  	_ =	shalt  }
0x58: {  	_ =	shalt  }
0x59: {  	_ =	shalt  }
0x5a: {  	_ =	shalt  }
0x5b: {  	_ =	shalt  }
0x5c: {  	_ =	shalt  }
0x5d: {  	_ =	shalt  }
0x5e: {  	_ =	shalt  }
0x5f: {  	_ =	shalt  }
0x60: {  	_ =	shalt  }
0x61: {  	_ =	shalt  }
0x62: {  	_ =	shalt  }
0x63: {  	_ =	shalt  }
0x64: {  	_ =	shalt  }
0x65: {  	_ =	shalt  }
0x66: {  	_ =	shalt  }
0x67: {  	_ =	shalt  }
0x68: {  	_ =	shalt  }
0x69: {  	_ =	shalt  }
0x6a: {  	_ =	shalt  }
0x6b: {  	_ =	shalt  }
0x6c: {  	_ =	shalt  }
0x6d: {  	_ =	shalt  }
0x6e: {  	_ =	shalt  }
0x6f: {  	_ =	shalt  }
0x70: {  	_ =	shalt  }
0x71: {  	_ =	shalt  }
0x72: {  	_ =	shalt  }
0x73: {  	_ =	shalt  }
0x74: {  	_ =	shalt  }
0x75: {  	_ =	shalt  }
0x76: {  	_ =	shalt  }
0x77: {  	_ =	shalt  }
0x78: {  	_ =	shalt  }
0x79: {  	_ =	shalt  }
0x7a: {  	_ =	shalt  }
0x7b: {  	_ =	shalt  }
0x7c: {  	_ =	shalt  }
0x7d: {  	_ =	shalt  }
0x7e: {  	_ =	shalt  }
0x7f: {  	_ =	shalt  }
0x80: {  	_ =	shalt  }
0x81: {  	_ =	shalt  }
0x82: {  	_ =	shalt  }
0x83: {  	_ =	shalt  }
0x84: {  	_ =	shalt  }
0x85: {  	_ =	shalt  }
0x86: {  	_ =	shalt  }
0x87: {  	_ =	shalt  }
.Lfunc_end0:
.L_simem_size_0:
called_computation_lowered:
.L_overlay_start_0:
0x88: {  	s2 =	sld [smem:$0x3FD9]  }
0x89: {  	s3 =	sld [smem:$0x3FFE];
	_ =	sdelay $0x1  }
0x8a: {  	s1 =	srdreg.scid  }
0x8b: {  	s0 =	sand.u32 $0x1, s1  }
0x8c: {  	s17 =	sshll.u32 s0, $0xA;
	s2 =	sadd.s32 s3, s2  }
0x8d: {  	s2 =	sadd.s32 s2, s17  }
0x8e: {  	[smem:$0x3FBC] =	sst s2  }
0x8f: {  	_ = 	snop  }
0x90: {  	s2 =	sld [smem:$0x3FD0];
	(tm) =	ssettm $0x1  }
0x91: {  	s18 =	sld [smem:$0x3FFB];
	_ =	sdelay $0x3  }
0x92: {  	_ =	strace s18  }
0x93: {  	s3 =	sld [smem:$0x3FFC];
	_ =	sdelay $0x3  }
0x94: {  	_ =	strace s3  }
0x95: {  	s3 =	sld [smem:$0x3FFD];
	_ =	sdelay $0x3  }
0x96: {  	_ =	strace s3  }
0x97: {  	_ =	strace $0x8FFFFFFF  }
0x98: {  	s19 =	sld [smem:$0x3FDB];
	_ =	sdelay $0x1  }
0x99: {  	s4 =	simm.s32 $_scs_section_size  }
0x9a: {  	s5 =	simm.s32 $_size__tile_overlayer_lowered;
	s6 =	simm.s32 $_tile_overlayer_lowered  }
0x9b: {  	s22 =	simm.s32 $0x1BFF;
	s21 =	sshll.u32 s6, $0x1;
	s3 =	sadd.s32 s4, s19  }
0x9c: {  	s7 =	simm.s32 $0x0;
	s20 =	sshll.u32 s5, $0x1;
	s5 =	sadd.s32 s21, s3  }
0x9d: {  	[timem:s7], [sflag:s22] =	dma.local [hbm:s5], s20  }
0x9e: {  	_ =	swait.ge [sflag:s22], s20  }
0x9f: {  	s4 =	ssub.s32 $0x0, s20;
	[sflag:s22] =	ssyncset.done $0x0  }
0xa0: {  	[sflag:s22] =	ssyncadd.s32 s4;
	_ =	sdelay $0x1  }
0xa1: {  	s23 =	simm.s32 $0x1B8B  }
0xa2: {  	_ =	swait.ge [sflag:s23], $0x1  }
0xa3: {  	[sflag:s23] =	ssyncset.done $0x0  }
0xa4: {  	s25 =	simm.s32 $0x1B8E;
	s24 =	sld [smem:$0x3FFE];
	[sflag:s23] =	ssyncadd.s32 $0xFFFFFFFF  }
0xa5: {  	s26 =	simm.s32 $execute0_lowered;
	[smem:$0x3FD2] =	sst s25  }
0xa6: {  	s5 =	sshll.u32 s26, $0x1;
	_ =	strace $0x80000046;
	[dreg:$0x1] =	wrdreg $0xFFFFFFFF  }
0xa7: {  	s28 =	simm.s32 $_size_execute0_lowered;
	s3 =	sadd.s32 s3, s5;
	[dreg:$0x0] =	wrdreg $0x0  }
0xa8: {  	s5 =	sshll.u32 s28, $0x1;
	[dreg:$0x2] =	wrdreg s3  }
0xa9: {  	[dreg:$0x3] =	wrdreg s5  }
0xaa: {  	[dreg:$0x4] =	wrdreg $0xC0  }
0xab: {  	_ =	task [dreg:s7], $0x5FFFF  }
0xac: {  	[dreg:$0x1] =	wrdreg $0xFFFFFFFF  }
0xad: {  	[dreg:$0x0] =	wrdreg $0x60  }
0xae: {  	[dreg:$0x2] =	wrdreg s24  }
0xaf: {  	[dreg:$0x3] =	wrdreg s2  }
0xb0: {  	[dreg:$0x4] =	wrdreg $0x9  }
0xb1: {  	_ =	task.clear_ibuf [dreg:s7], $0x5FFFF;
	_ =	strace $0x90000046  }
0xb2: {  	s29 =	simm.s32 $0x9;
	_ =	strace $0x80000048  }
0xb3: {  	_ =	swait.ge [sflag:s29], $0x1  }
0xb4: {  	[sflag:s29] =	ssyncadd.s32 $0xFFFFFFFF  }
0xb5: {  	_ =	strace $0x90000048  }
0xb6: {  	_ =	sfence  }
0xb7: {  	s30 =	sld [smem:$0x0];
	_ =	sdelay $0x2  }
0xb8: {  	s31 =	sshll.u32 s1, $0xD;
	s1 =	sshrl.u32 s1, $0x2  }
0xb9: {  	s3 =	sand.u32 $0x4000, s31;
	s1 =	sadd.s32 s1, s30  }
0xba: {  	s0 =	sor.u32 s3, s0;
	s1 =	sshll.u32 s1, $0x11  }
0xbb: {  	s0 =	sor.u32 s1, s0  }
0xbc: {  	s0 =	sadd.s32 $0x8F2B, s0  }
0xbd: {  	[sflag:s0] =	ssyncadd.remote.s32 $0x1  }
0xbe: {  	_ =	sfence.sel $0xFFFF  }
0xbf: {  	[dreg:$0x0] =	wrdreg $0xFFFFFFFF;
	(pc) =	sbr.abs _section_cstart, $3  }
0xc0: {  	[dreg:$0x1] =	wrdreg $0xFFFFFFFF  }
0xc1: {  	_ =	task.clear_ibuf [dreg:s7], $0x2FFFF;
	_ =	strace $0x9FFFFFFF  }
0xc2: {  	(tm) =	ssettm $0x7FFFFFFF  }
0xc3: {  	_ =	shalt  }
tec
execute0_lowered:
.L_overlay_start_1:
0x0: {  	(tag) =	ssettag $0x1  }
0x1: {  	s0 =	rddreg [dreg:$0x0]  }
0x2: {  	s1 =	rddreg [dreg:$0x1]  }
0x3: {  	s2 =	simm.s32 $0x0;
	s3 =	srdreg.scid;
	s11 =	stileid.u32  }
0x4: {  	s15 =	simm.s32 $0x2;
	s17 =	simm.s32 $0x1;
	s18 =	simm.s32 $0x0  }
0x5: {  	[smem:$0x7FF] =	sst s2;
	s4 =	sadd.s32 $0x3800, s0;
	s3 =	sand.u32 $0x1, s3  }
0x6: {  	s5 =	sshll.u32 s11, $0x1;
	s25 =	sadd.s32 $0x3A00, s0;
	s28 =	sshll.u32 s11, $0x4  }
0x7: {  	s30 =	sshll.u32 s11, $0xA;
	_ =	strace $0x80000047;
	[dreg:$0x3] =	wrdreg s4  }
0x8: {  	s4 =	sadd.s32 $0x3C00, s0;
	s5 =	sor.u32 s3, s5;
	s6 =	ssub.s32 $0x2, s3  }
0x9: {  	[dreg:$0x4] =	wrdreg s25;
	s29 =	sshll.u32 s3, $0x3;
	s3 =	sshll.u32 s3, $0x9  }
0xa: {  	s7 =	sshll.u32 s5, $0x4;
	s8 =	sshrl.u32 s6, $0x1;
	s9 =	smul.u32 $0x3000, s5  }
0xb: {  	s31 =	sor.u32 s3, s30;
	p0 =	sne.s32 s5, $0x0;
	s3 =	simm.s32 $0x1080  }
.Ltmp0:
0xc: {  	s10 =	sadd.s32 s7, s0;
	s6 =	ssub.s32 s6, s8;
	(pc) =	sbr.rel .LBB2_1-.Ltmp0, $4  }
0xd: {  	s7 =	sshll.u32 s5, $0x7;
	s14 =	sshrl.u32 s31, $0x2;
	s1 =	sadd.s32 s1, s9  }
0xe: {  	v0 =	vlaneseq.u32;
	s26 =	sadd.s32 $0xC3C00, s10;
	s9 =	sadd.s32 $0x3D00, s0;
	s10 =	sadd.s32 $0x3E00, s0  }
0xf: {  	v1 =	vimm.s32 $0x0;
	vm0 =	vmmov $0xffff;
	v3 =	vshrl.u32 v0, $0x3;
	s11 =	smax.u32 s6, $0x1;
	s0 =	sor.u32 s28, s29;
	[dreg:$0x5] =	wrdreg s1  }
0x10: {  	v2 =	vand.u32 $0x7, v0;
	v4 =	vor.u32 $0x8, v0;
	v3 =	vmul.u32 $0x8, v3;
	[dreg:$0x6] =	wrdreg s26;
	s12 =	smax.u32 s0, $0x1;
	s13 =	ssub.s32 $0x100, s0  }
.LBB2_15:
0x11: {  	s18 =	sadd.s32 $0x1, s18  }
0x12: {  	p1 =	sne.s32 s18, s11  }
.Ltmp1:
0x13: {  	_ = 	snop;
	(pc) =	sbr.rel @!p1 .LBB2_16-.Ltmp1, $1  }
0x14: {  	_ =	sdelay $0x3  }
.LBB2_1:
0x15: {  	s0 =	rddreg [dreg:$0x3]  }
0x16: {  	[tilespmem:s2], [sflag:$0x2] =	stream.linear.gather [hbm4b:s0+s2], $0x1000, $0x38;
	[tilespmem:$0x19100] =	vst v63  }
.Ltmp2:
0x17: {  	_ = 	snop;
	(pc) =	sbr.rel @!p0 .LBB2_2-.Ltmp2, $4  }
0x18: {  	_ =	swait.ge [sflag:s15], $0x1000  }
0x19: {  	v14 =	vimm.s32 $0x0;
	v15 =	vimm.s32 $0x0;
	[sflag:s15] =	ssyncset.done $0x0  }
0x1a: {  	v13 =	vimm.s32 $0x0;
	v12 =	vimm.s32 $0x0;
	v10 =	vimm.s32 $0x0;
	s31 =	rddreg [dreg:$0x5];
	[sflag:s15] =	ssyncadd.s32 $0xFFFFF000  }
0x1b: {  	v8 =	vimm.s32 $0x0;
	v9 =	vimm.s32 $0x0;
	v7 =	vimm.s32 $0x0;
	[tilespmem:s3], [sflag:$0x1] =	stream.linear.gather [hbm4b:s31+s2], $0x18000, $0x38;
	[tilespmem:$0x19100] =	vst v63  }
0x1c: {  	p2 =	seq.s32 s12, $0x1  }
.Ltmp3:
0x1d: {  	_ = 	snop;
	(pc) =	sbr.rel @p2 .LBB2_5-.Ltmp3, $2  }
0x1e: {  	_ =	sdelay $0x2  }
0x1f: {  	v12 =	vld [tilespmem:s2+$0x0];
	s1 =	sadd.s32 $0xFFFFFFFF, s12;
	p1 =	por $0x0, $0x0  }
0x20: {  	_ = 	snop  }
0x21: {  	v6 =	vimm.s32 $0x0  }
0x22: {  	p2 =	seq.s32 s1, $0x1;
	v7 =	vimm.s32 $0x0;
	v8 =	vimm.s32 $0x0;
	v9 =	vimm.s32 $0x0  }
.Ltmp4:
0x23: {  	v10 =	vimm.s32 $0x0;
	v11 =	vimm.s32 $0x0;
	v13 =	vimm.s32 $0x0;
	(pc) =	sbr.rel @p2 .LBB2_7-.Ltmp4, $4  }
0x24: {  	vm5 =	veq.s32 v12, $0x0;
	vm6 =	veq.s32 v12, $0x1;
	vm3 =	veq.s32 v12, $0x7  }
0x25: {  	vm1 =	veq.s32 v12, $0x2;
	vm2 =	veq.s32 v12, $0x3;
	vm4 =	veq.s32 v12, $0x4  }
0x26: {  	s0 =	sadd.s32 $0x10, s2;
	v5 =	vsel vm3, $0x1, v1;
	vm3 =	veq.s32 v12, $0x5;
	v15 =	vsel vm5, $0x1, v1  }
0x27: {  	s1 =	sadd.s32 $0xFFFFFFFF, s1;
	p1 =	por $0x1, $0x1;
	v14 =	vsel vm6, $0x1, v1;
	vm5 =	veq.s32 v12, $0x6;
	v12 =	vld [tilespmem:s0+$0x0];
	v5 =	vadd.s32 v5, v1  }
.LBB2_8:
0x28: {  	p2 =	seq.s32 s1, $0x1;
	v16 =	vsel vm1, $0x1, v1;
	v17 =	vsel vm2, $0x1, v1;
	v18 =	vsel vm4, $0x1, v1  }
0x29: {  	v6 =	vadd.s32 v15, v6;
	v15 =	vsel vm3, $0x1, v1;
	v19 =	vsel vm5, $0x1, v1  }
0x2a: {  	v7 =	vadd.s32 v14, v7;
	v8 =	vadd.s32 v16, v8;
	v9 =	vadd.s32 v17, v9  }
.Ltmp5:
0x2b: {  	v10 =	vadd.s32 v18, v10;
	v11 =	vadd.s32 v15, v11;
	v13 =	vadd.s32 v19, v13;
	(pc) =	sbr.rel @!p2 .LBB2_8-.Ltmp5, $4  }
0x2c: {  	vm5 =	veq.s32 v12, $0x0;
	vm6 =	veq.s32 v12, $0x1;
	vm3 =	veq.s32 v12, $0x7  }
0x2d: {  	vm1 =	veq.s32 v12, $0x2;
	vm2 =	veq.s32 v12, $0x3;
	v14 =	vsel vm3, $0x1, v1  }
0x2e: {  	s0 =	sadd.s32 $0x10, s0;
	vm4 =	veq.s32 v12, $0x4;
	vm3 =	veq.s32 v12, $0x5;
	v5 =	vadd.s32 v14, v5  }
0x2f: {  	s1 =	sadd.s32 $0xFFFFFFFF, s1;
	v15 =	vsel vm5, $0x1, v1;
	vm5 =	veq.s32 v12, $0x6;
	v14 =	vsel vm6, $0x1, v1;
	v12 =	vld [tilespmem:s0+$0x0]  }
.LBB2_9:
0x30: {  	v16 =	vsel @p1 vm1, $0x1, v1  }
0x31: {  	v17 =	vsel @p1 vm2, $0x1, v1;
	v18 =	vsel @p1 vm4, $0x1, v1;
	v6 =	vadd.s32 @p1 v15, v6  }
0x32: {  	v15 =	vsel @p1 vm3, $0x1, v1;
	v19 =	vsel @p1 vm5, $0x1, v1;
	v14 =	vadd.s32 @p1 v14, v7  }
0x33: {  	v8 =	vadd.s32 @p1 v16, v8;
	v9 =	vadd.s32 @p1 v17, v9;
	v10 =	vadd.s32 @p1 v18, v10  }
0x34: {  	v11 =	vadd.s32 @p1 v15, v11;
	v13 =	vadd.s32 @p1 v19, v13;
	v6 =	vpsel p1, v6, v1  }
0x35: {  	v8 =	vpsel p1, v8, v1;
	v9 =	vpsel p1, v9, v1;
	v10 =	vpsel p1, v10, v1  }
0x36: {  	v11 =	vpsel p1, v11, v1;
	v16 =	vpsel p1, v13, v1;
	vm1 =	veq.s32 v12, $0x0  }
0x37: {  	vm2 =	veq.s32 v12, $0x1;
	vm3 =	veq.s32 v12, $0x7;
	vm14 =	veq.s32 v12, $0x2  }
0x38: {  	vm15 =	veq.s32 v12, $0x3;
	vm6 =	veq.s32 v12, $0x5;
	v7 =	vsel vm3, $0x1, v1  }
0x39: {  	vm3 =	veq.s32 v12, $0x4;
	v15 =	vsel vm2, $0x1, v1;
	v13 =	vsel vm14, $0x1, v1  }
0x3a: {  	v17 =	vsel vm15, $0x1, v1;
	v7 =	vadd.s32 v7, v5;
	v5 =	vsel vm1, $0x1, v1  }
0x3b: {  	vm1 =	veq.s32 v12, $0x6;
	v12 =	vpsel p1, v14, v1;
	v63 =	vsel vm3, $0x1, v1  }
0x3c: {  	v13 =	vadd.s32 v13, v8;
	v14 =	vadd.s32 v5, v6;
	v5 =	vsel vm6, $0x1, v1  }
0x3d: {  	v6 =	vsel vm1, $0x1, v1;
	v15 =	vadd.s32 v15, v12;
	v12 =	vadd.s32 v17, v9  }
0x3e: {  	v10 =	vadd.s32 v63, v10;
	v8 =	vadd.s32 v5, v11;
	v9 =	vadd.s32 v6, v16  }
.LBB2_2:
0x3f: {  	p2 =	sne.s32 s13, $0x1  }
.Ltmp6:
0x40: {  	_ = 	snop;
	(pc) =	sbr.rel @!p2 .LBB2_3-.Ltmp6, $2  }
0x41: {  	_ =	sdelay $0x2  }
0x42: {  	v11 =	vimm.s32 $0x0;
	v6 =	vld [tilespmem:s14+$0x0];
	s1 =	sadd.s32 $0xFFFFFFFF, s13;
	p1 =	por $0x0, $0x0  }
0x43: {  	_ = 	snop  }
0x44: {  	v16 =	vimm.s32 $0x0  }
0x45: {  	p2 =	sne.s32 s1, $0x1;
	v17 =	vimm.s32 $0x0;
	v18 =	vimm.s32 $0x0;
	v19 =	vimm.s32 $0x0  }
.Ltmp7:
0x46: {  	v20 =	vimm.s32 $0x0;
	v21 =	vimm.s32 $0x0;
	v22 =	vimm.s32 $0x0;
	(pc) =	sbr.rel @!p2 .LBB2_11-.Ltmp7, $4  }
0x47: {  	vm5 =	veq.s32 v6, $0x0;
	vm6 =	veq.s32 v6, $0x1;
	vm3 =	veq.s32 v6, $0x7  }
0x48: {  	vm1 =	veq.s32 v6, $0x2;
	vm2 =	veq.s32 v6, $0x3;
	vm4 =	veq.s32 v6, $0x4  }
0x49: {  	s0 =	sadd.s32 $0x10, s14;
	v5 =	vsel vm3, $0x1, v1;
	vm3 =	veq.s32 v6, $0x5;
	v24 =	vsel vm5, $0x1, v1  }
0x4a: {  	s1 =	sadd.s32 $0xFFFFFFFF, s1;
	p1 =	por $0x1, $0x1;
	v23 =	vsel vm6, $0x1, v1;
	vm5 =	veq.s32 v6, $0x6;
	v6 =	vld [tilespmem:s0+$0x0];
	v5 =	vadd.s32 v5, v11  }
.LBB2_12:
0x4b: {  	p2 =	sne.s32 s1, $0x1;
	v25 =	vsel vm1, $0x1, v1;
	v26 =	vsel vm2, $0x1, v1;
	v27 =	vsel vm4, $0x1, v1  }
0x4c: {  	v16 =	vadd.s32 v24, v16;
	v24 =	vsel vm3, $0x1, v1;
	v28 =	vsel vm5, $0x1, v1  }
0x4d: {  	v17 =	vadd.s32 v23, v17;
	v18 =	vadd.s32 v25, v18;
	v19 =	vadd.s32 v26, v19  }
.Ltmp8:
0x4e: {  	v20 =	vadd.s32 v27, v20;
	v21 =	vadd.s32 v24, v21;
	v22 =	vadd.s32 v28, v22;
	(pc) =	sbr.rel @p2 .LBB2_12-.Ltmp8, $4  }
0x4f: {  	vm5 =	veq.s32 v6, $0x0;
	vm6 =	veq.s32 v6, $0x1;
	vm3 =	veq.s32 v6, $0x7  }
0x50: {  	vm1 =	veq.s32 v6, $0x2;
	vm2 =	veq.s32 v6, $0x3;
	v23 =	vsel vm3, $0x1, v1  }
0x51: {  	s0 =	sadd.s32 $0x10, s0;
	vm4 =	veq.s32 v6, $0x4;
	vm3 =	veq.s32 v6, $0x5;
	v5 =	vadd.s32 v23, v5  }
0x52: {  	s1 =	sadd.s32 $0xFFFFFFFF, s1;
	v24 =	vsel vm5, $0x1, v1;
	vm5 =	veq.s32 v6, $0x6;
	v23 =	vsel vm6, $0x1, v1;
	v6 =	vld [tilespmem:s0+$0x0]  }
.LBB2_13:
0x53: {  	v25 =	vsel @p1 vm1, $0x1, v1;
	v26 =	vsel @p1 vm2, $0x1, v1  }
0x54: {  	v27 =	vsel @p1 vm4, $0x1, v1;
	v16 =	vadd.s32 @p1 v24, v16;
	v24 =	vsel @p1 vm3, $0x1, v1;
	(xrf0) =	vadd.scan.msk.s32 $0xffff, v14  }
0x55: {  	v17 =	vadd.s32 @p1 v23, v17;
	v18 =	vadd.s32 @p1 v25, v18;
	v19 =	vadd.s32 @p1 v26, v19;
	(xrf0) =	vadd.scan.msk.s32 $0xffff, v15  }
0x56: {  	v14 =	vadd.s32 @p1 v27, v20;
	v20 =	vadd.s32 @p1 v24, v21;
	v44 =	vpsel p1, v16, v11;
	(xrf0) =	vadd.scan.msk.s32 $0xffff, v13  }
0x57: {  	v45 =	vpsel p1, v17, v11;
	v46 =	vpsel p1, v18, v11;
	v47 =	vpsel p1, v19, v11;
	(xrf0) =	vadd.scan.msk.s32 $0xffff, v12  }
0x58: {  	v14 =	vpsel p1, v14, v11;
	v48 =	vpsel p1, v20, v11;
	vm1 =	veq.s32 v6, $0x0;
	(xrf0) =	vadd.scan.msk.s32 $0xffff, v10  }
0x59: {  	vm3 =	veq.s32 v6, $0x1;
	vm14 =	veq.s32 v6, $0x2;
	vm15 =	veq.s32 v6, $0x3;
	(xrf0) =	vadd.scan.msk.s32 $0xffff, v8  }
0x5a: {  	vm6 =	veq.s32 v6, $0x4;
	vm2 =	veq.s32 v6, $0x5;
	v42 =	vsel vm1, $0x1, v1;
	v49, _, _ =	vpop (xrf0);
	(xrf0) =	vadd.scan.msk.s32 $0xffff, v9  }
0x5b: {  	v43 =	vsel vm3, $0x1, v1;
	v10 =	vadd.s32 v42, v44;
	(v2sf) =	vpush v49, $0xF;
	v51, _, _ =	vpop (xrf0);
	(xrf0) =	vadd.scan.msk.s32 $0xffff, v7  }
0x5c: {  	v52 =	vadd.s32 v43, v45;
	v7 =	vsel vm14, $0x1, v1;
	(v2sf) =	vpush v51, $0xF;
	v53, _, _ =	vpop (xrf0);
	(xrf0) =	vadd.scan.msk.s32 $0xffff, v10  }
0x5d: {  	v54 =	vsel vm15, $0x1, v1;
	v7 =	vadd.s32 v7, v46;
	(v2sf) =	vpush v53, $0xF;
	v55, _, _ =	vpop (xrf0);
	(xrf0) =	vadd.scan.msk.s32 $0xffff, v52  }
0x5e: {  	v10 =	vadd.s32 v54, v47;
	(v2sf) =	vpush v55, $0xF;
	v57, _, _ =	vpop (xrf0);
	(xrf0) =	vadd.scan.msk.s32 $0xffff, v7;
	v7 =	vsel vm2, $0x1, v1  }
0x5f: {  	v56 =	vsel vm6, $0x1, v1;
	(v2sf) =	vpush v57, $0xF;
	v58, _, _ =	vpop (xrf0);
	(xrf0) =	vadd.scan.msk.s32 $0xffff, v10;
	v7 =	vadd.s32 v7, v48  }
0x60: {  	v12 =	vadd.s32 v56, v14;
	(v2sf) =	vpush v58, $0xF;
	v60, _, _ =	vpop (xrf0)  }
0x61: {  	(xrf0) =	vadd.scan.msk.s32 $0xffff, v12;
	(v2sf) =	vpush v60, $0xF;
	v61, _, _ =	vpop (xrf0)  }
0x62: {  	(xrf0) =	vadd.scan.msk.s32 $0xffff, v7;
	(v2sf) =	vpush v61, $0xF;
	v7, _, _ =	vpop (xrf0)  }
0x63: {  	v28 =	vsel @p1 vm5, $0x1, v1;
	v62, _, _ =	vpop (xrf0);
	(v2sf) =	vpush v7, $0xF  }
0x64: {  	v21 =	vadd.s32 @p1 v28, v22;
	vm1 =	veq.s32 v6, $0x6;
	(v2sf) =	vpush v62, $0xF;
	v7, _, _ =	vpop (xrf0)  }
0x65: {  	v50 =	vpsel p1, v21, v11;
	v59 =	vsel vm1, $0x1, v1;
	(v2sf) =	vpush v7, $0xF;
	v7, _, _ =	vpop (xrf0)  }
0x66: {  	v9 =	vadd.s32 v59, v50;
	(v2sf) =	vpush v7, $0xF  }
0x67: {  	(xrf0) =	vadd.scan.msk.s32 $0xffff, v9;
	v7, _, _ =	vpop (xrf0)  }
0x68: {  	(v2sf) =	vpush v7, $0xF;
	_ =	sdelay $0x1  }
0x69: {  	v7, _, _ =	vpop (xrf0);
	s29 =	spop (v2sf)  }
0x6a: {  	(v2sf) =	vpush v7, $0xF;
	s1 =	spop (v2sf)  }
0x6b: {  	s0 =	spop (v2sf)  }
0x6c: {  	v7, _, _ =	vpop (xrf0);
	s28 =	spop (v2sf)  }
0x6d: {  	(v2sf) =	vpush v7, $0xF;
	s25 =	spop (v2sf)  }
0x6e: {  	s26 =	spop (v2sf)  }
0x6f: {  	s30 =	spop (v2sf)  }
0x70: {  	s19 =	spop (v2sf)  }
0x71: {  	s3 =	spop (v2sf)  }
0x72: {  	s5 =	spop (v2sf);
	s20 =	sadd.s32 s3, s29  }
0x73: {  	s6 =	spop (v2sf);
	s20 =	sadd.s32 $0x1FF, s20  }
0x74: {  	s5 =	sadd.s32 s5, s1;
	s8 =	spop (v2sf);
	s21 =	sshra.s32 s20, $0x1F  }
0x75: {  	s22 =	sand.u32 $0x1FF, s20;
	p6 =	slt.s32 s20, $0x1;
	s5 =	sadd.s32 $0x1FF, s5  }
0x76: {  	s6 =	sadd.s32 s6, s0;
	s16 =	spop (v2sf);
	s21 =	sshrl.u32 s21, $0x17  }
0x77: {  	p2 =	sne.s32 s22, $0x0;
	s31 =	sand.u32 $0x1FF, s5;
	s23 =	sshra.s32 s5, $0x1F  }
0x78: {  	p3 =	slt.s32 s5, $0x1;
	s22 =	simm.s32 $0x1;
	s6 =	sadd.s32 $0x1FF, s6  }
0x79: {  	s8 =	sadd.s32 s8, s28;
	s3 =	spop (v2sf);
	s20 =	sadd.s32 s21, s20  }
0x7a: {  	p1 =	por !p6, !p2;
	s21 =	simm.s32 $0x1;
	p4 =	sne.s32 s31, $0x0  }
0x7b: {  	s31 =	sshrl.u32 s23, $0x17;
	s23 =	sand.u32 $0x1FF, s6;
	p5 =	slt.s32 s6, $0x1  }
0x7c: {  	s8 =	sadd.s32 $0x1FF, s8;
	s16 =	sadd.s32 s16, s25;
	s24 =	spop (v2sf)  }
0x7d: {  	p1 =	por !p1, !p1;
	s20 =	sshra.s32 s20, $0x9;
	s5 =	sadd.s32 s31, s5  }
0x7e: {  	p6 =	sne.s32 s23, $0x0;
	s23 =	sshra.s32 s8, $0x1F;
	s16 =	sadd.s32 $0x1FF, s16  }
0x7f: {  	s3 =	sadd.s32 s3, s26;
	s21 =	simm.s32 @!p1 $0x0;
	p1 =	por !p3, !p4  }
0x80: {  	s5 =	sshra.s32 s5, $0x9;
	p3 =	slt.s32 s8, $0x1;
	p1 =	por !p1, !p1  }
0x81: {  	s3 =	sadd.s32 $0x1FF, s3;
	s21 =	ssub.s32 s20, s21;
	s22 =	simm.s32 @!p1 $0x0  }
0x82: {  	s20 =	sshll.u32 s21, $0x9;
	p1 =	por !p5, !p6;
	p5 =	slt.s32 s16, $0x1  }
0x83: {  	s5 =	ssub.s32 s5, s22;
	s22 =	sshra.s32 s6, $0x1F;
	p1 =	por !p1, !p1  }
0x84: {  	s5 =	sadd.s32 s21, s5;
	s31 =	sshrl.u32 s22, $0x17;
	s22 =	simm.s32 $0x1  }
0x85: {  	v7 =	vld [tilespmem:s7+$0x0];
	s21 =	sshll.u32 s5, $0x9;
	s6 =	sadd.s32 s31, s6;
	s31 =	sand.u32 $0x1FF, s8  }
0x86: {  	s22 =	simm.s32 @!p1 $0x0;
	s6 =	sshra.s32 s6, $0x9;
	p4 =	sne.s32 s31, $0x0  }
0x87: {  	s31 =	sshra.s32 s16, $0x1F;
	s0 =	sadd.s32 s0, s21;
	s6 =	ssub.s32 s6, s22  }
0x88: {  	s22 =	sshrl.u32 s23, $0x17;
	p1 =	por !p3, !p4;
	s23 =	sand.u32 $0x1FF, s16  }
0x89: {  	s31 =	sshrl.u32 s31, $0x17;
	p3 =	slt.s32 s3, $0x1;
	s5 =	sadd.s32 s5, s6  }
0x8a: {  	vm8 =	veq.s32 v7, $0x0;
	s22 =	sadd.s32 s22, s8;
	p1 =	por !p1, !p1;
	s8 =	simm.s32 $0x1  }
0x8b: {  	vm3 =	veq.s32 v7, $0x1;
	v63 =	vsel vm8, $0x1, v1;
	p6 =	sne.s32 s23, $0x0;
	s6 =	sshra.s32 s22, $0x9;
	s8 =	simm.s32 @!p1 $0x0  }
0x8c: {  	v12 =	vsel vm3, $0x1, v1;
	(xrf0) =	vadd.scan.msk.s32 $0xffff, v63;
	s22 =	sshll.u32 s5, $0x9;
	p1 =	por !p5, !p6;
	s6 =	ssub.s32 s6, s8  }
0x8d: {  	(xrf0) =	vadd.scan.msk.s32 $0xffff, v12;
	p1 =	por !p1, !p1;
	s8 =	simm.s32 $0x1;
	s5 =	sadd.s32 s5, s6  }
0x8e: {  	vm1 =	veq.s32 v7, $0x2;
	s6 =	sadd.s32 s31, s16;
	s8 =	simm.s32 @!p1 $0x0;
	s31 =	sadd.s32 s1, s20  }
0x8f: {  	v8 =	vadd.s32 $0xFFFFFFFF, v49;
	v13 =	vsel vm1, $0x1, v1;
	s16 =	sand.u32 $0x1FF, s3;
	s6 =	sshra.s32 s6, $0x9;
	s23 =	sshll.u32 s5, $0x9  }
0x90: {  	v8 =	vbroadcast v8, $0xF;
	vm2 =	veq.s32 v7, $0x3;
	(xrf0) =	vadd.scan.msk.s32 $0xffff, v13;
	v14 =	vmov s31;
	p4 =	sne.s32 s16, $0x0;
	s6 =	ssub.s32 s6, s8;
	s8 =	sshra.s32 s3, $0x1F  }
0x91: {  	vm9 =	veq.s32 v7, $0x5;
	v17 =	vsel vm2, $0x1, v1;
	v9 =	vadd.s32 $0xFFFFFFFF, v14;
	p1 =	por !p3, !p4;
	s5 =	sadd.s32 s5, s6;
	s1 =	sshrl.u32 s8, $0x17  }
0x92: {  	vm10 =	veq.s32 v7, $0x6;
	vm11 =	veq.s32 v7, $0x7;
	v16, _, _ =	vpop (xrf0);
	(xrf0) =	vadd.scan.msk.s32 $0xffff, v17;
	s8 =	sadd.s32 s24, s30;
	v9 =	vbroadcast v9, $0x0;
	p1 =	por !p1, !p1;
	s3 =	sadd.s32 s1, s3  }
0x93: {  	v23 =	vsel vm9, $0x1, v1;
	v8 =	vadd.s32 v16, v8;
	v18, _, _ =	vpop (xrf0);
	v15 =	vmov s0;
	s6 =	sadd.s32 $0x1FF, s8;
	s8 =	simm.s32 $0x1;
	s24 =	sshll.u32 s5, $0x9  }
0x94: {  	v8 =	vnsel vm8, $0x0, v8;
	v10 =	vadd.s32 $0xFFFFFFFF, v15;
	s1 =	sadd.s32 s28, s22;
	s16 =	sand.u32 $0x1FF, s6;
	s8 =	simm.s32 @!p1 $0x0;
	v9 =	vadd.s32 v18, v9  }
0x95: {  	v10 =	vbroadcast v10, $0x0;
	p6 =	slt.s32 s6, $0x1;
	p5 =	sne.s32 s16, $0x0;
	s16 =	sshra.s32 s6, $0x1F;
	v8 =	vsel vm3, v9, v8;
	vm3 =	veq.s32 v7, $0x4  }
0x96: {  	(v2sf) =	vpush v16, $0xF;
	v19, _, _ =	vpop (xrf0);
	s3 =	sshra.s32 s3, $0x9;
	v21 =	vmov s1;
	s16 =	sshrl.u32 s16, $0x17;
	p1 =	por !p6, !p5;
	v22 =	vsel vm3, $0x1, v1  }
0x97: {  	(v2sf) =	vpush v18, $0xF;
	v20 =	vadd.s32 v19, v10;
	v10 =	vadd.s32 $0xFFFFFFFF, v21;
	s6 =	sadd.s32 s16, s6;
	p1 =	por !p1, !p1;
	s16 =	simm.s32 $0x1;
	(xrf0) =	vadd.scan.msk.s32 $0xffff, v22  }
0x98: {  	v24 =	vsel vm10, $0x1, v1;
	(v2sf) =	vpush v19, $0xF;
	v25, _, _ =	vpop (xrf0);
	s3 =	ssub.s32 s3, s8;
	v10 =	vbroadcast v10, $0x0;
	s6 =	sshra.s32 s6, $0x9;
	s16 =	simm.s32 @!p1 $0x0;
	(xrf0) =	vadd.scan.msk.s32 $0xffff, v23  }
0x99: {  	v26 =	vsel vm11, $0x1, v1;
	(v2sf) =	vpush v25, $0xF;
	s3 =	sadd.s32 s5, s3;
	s5 =	sadd.s32 s25, s23;
	s6 =	ssub.s32 s6, s16;
	(xrf0) =	vadd.scan.msk.s32 $0xffff, v24  }
0x9a: {  	v7 =	vsel vm1, v20, v8;
	s25 =	sshll.u32 s3, $0x9;
	v27 =	vmov s5;
	v10 =	vadd.s32 v25, v10;
	s28 =	sadd.s32 s3, s6;
	s3 =	sadd.s32 s26, s24;
	(xrf0) =	vadd.scan.msk.s32 $0xffff, v26  }
0x9b: {  	v28 =	vadd.s32 $0xFFFFFFFF, v27;
	s16 =	sadd.s32 s30, s25;
	v7 =	vsel vm2, v10, v7;
	s26 =	sshll.u32 s28, $0x9;
	v29 =	vmov s3  }
0x9c: {  	v9 =	vbroadcast v28, $0x0;
	v30 =	vmov s16;
	s30 =	sadd.s32 s19, s26;
	v10 =	vadd.s32 $0xFFFFFFFF, v29  }
0x9d: {  	v11 =	vadd.s32 $0xFFFFFFFF, v30;
	v31, _, _ =	vpop (xrf0);
	v10 =	vbroadcast v10, $0x0;
	v32 =	vmov s30  }
0x9e: {  	v11 =	vbroadcast v11, $0x0;
	v9 =	vadd.s32 v31, v9;
	v33, _, _ =	vpop (xrf0);
	v13 =	vadd.s32 $0xFFFFFFFF, v32  }
0x9f: {  	v7 =	vsel vm3, v9, v7;
	v34 =	vadd.s32 v33, v10;
	v35, _, _ =	vpop (xrf0);
	v13 =	vbroadcast v13, $0x0  }
0xa0: {  	v7 =	vsel vm9, v34, v7;
	v36 =	vadd.s32 v35, v11;
	v37, _, _ =	vpop (xrf0)  }
0xa1: {  	v7 =	vsel vm10, v36, v7;
	v38 =	vadd.s32 v37, v13  }
0xa2: {  	v7 =	vsel vm11, v38, v7  }
0xa3: {  	[tilespmem:$0x1000] =	vst v7  }
0xa4: {  	(v2sf) =	vpush v31, $0xF;
	v7 =	vld [tilespmem:s7+$0x10]  }
0xa5: {  	(v2sf) =	vpush v33, $0xF  }
0xa6: {  	(v2sf) =	vpush v35, $0xF  }
0xa7: {  	(v2sf) =	vpush v37, $0xF;
	_ =	sdelay $0x1  }
0xa8: {  	vm12 =	veq.s32 v7, $0x0  }
0xa9: {  	s8 =	spop (v2sf);
	vm3 =	veq.s32 v7, $0x1;
	v39 =	vsel vm12, $0x1, v1  }
0xaa: {  	s29 =	sadd.s32 s29, s8;
	s8 =	spop (v2sf);
	v40 =	vsel vm3, $0x1, v1;
	(xrf0) =	vadd.scan.msk.s32 $0xffff, v39  }
0xab: {  	v42 =	vmov s29;
	s31 =	sadd.s32 s31, s8;
	s8 =	spop (v2sf);
	(xrf0) =	vadd.scan.msk.s32 $0xffff, v40  }
0xac: {  	v43 =	vadd.s32 $0xFFFFFFFF, v42;
	s0 =	sadd.s32 s0, s8;
	s8 =	spop (v2sf);
	vm1 =	veq.s32 v7, $0x2  }
0xad: {  	v44 =	vmov s31;
	v8 =	vbroadcast v43, $0x0;
	s1 =	sadd.s32 s1, s8;
	v41 =	vsel vm1, $0x1, v1  }
0xae: {  	v45 =	vmov s0;
	v51 =	vmov s1;
	v9 =	vadd.s32 $0xFFFFFFFF, v44;
	(xrf0) =	vadd.scan.msk.s32 $0xffff, v41  }
0xaf: {  	v10 =	vadd.s32 $0xFFFFFFFF, v45;
	v9 =	vbroadcast v9, $0x0;
	vm2 =	veq.s32 v7, $0x3  }
0xb0: {  	v10 =	vbroadcast v10, $0x0;
	vm13 =	veq.s32 v7, $0x4;
	v47 =	vsel vm2, $0x1, v1;
	v46, _, _ =	vpop (xrf0)  }
0xb1: {  	vm14 =	veq.s32 v7, $0x6;
	vm15 =	veq.s32 v7, $0x7;
	(xrf0) =	vadd.scan.msk.s32 $0xffff, v47;
	v8 =	vadd.s32 v46, v8;
	v48, _, _ =	vpop (xrf0)  }
0xb2: {  	v52 =	vsel vm13, $0x1, v1;
	s8 =	spop (v2sf);
	v8 =	vnsel vm12, $0x0, v8;
	v9 =	vadd.s32 v48, v9  }
0xb3: {  	v54 =	vsel vm14, $0x1, v1;
	s5 =	sadd.s32 s5, s8;
	s8 =	spop (v2sf);
	v8 =	vsel vm3, v9, v8;
	vm3 =	veq.s32 v7, $0x5  }
0xb4: {  	v56 =	vsel vm15, $0x1, v1;
	s3 =	sadd.s32 s3, s8;
	s8 =	spop (v2sf);
	v57 =	vmov s5;
	(xrf0) =	vadd.scan.msk.s32 $0xffff, v52;
	v49, _, _ =	vpop (xrf0);
	v53 =	vsel vm3, $0x1, v1  }
0xb5: {  	s16 =	sadd.s32 s16, s8;
	s8 =	spop (v2sf);
	v58 =	vadd.s32 $0xFFFFFFFF, v57;
	v50 =	vadd.s32 v49, v10;
	v10 =	vadd.s32 $0xFFFFFFFF, v51;
	(xrf0) =	vadd.scan.msk.s32 $0xffff, v53  }
0xb6: {  	v59 =	vmov s3;
	s30 =	sadd.s32 s30, s8;
	v60 =	vmov s16;
	v10 =	vbroadcast v10, $0x0;
	(xrf0) =	vadd.scan.msk.s32 $0xffff, v54  }
0xb7: {  	(v2sf) =	vpush v46, $0xF;
	v11 =	vadd.s32 $0xFFFFFFFF, v60;
	v62 =	vmov s30;
	v55, _, _ =	vpop (xrf0);
	(xrf0) =	vadd.scan.msk.s32 $0xffff, v56  }
0xb8: {  	(v2sf) =	vpush v48, $0xF;
	v7 =	vsel vm1, v50, v8;
	v10 =	vadd.s32 v55, v10  }
0xb9: {  	v9 =	vbroadcast v58, $0x0;
	v7 =	vsel vm2, v10, v7;
	v10 =	vadd.s32 $0xFFFFFFFF, v59  }
0xba: {  	v11 =	vbroadcast v11, $0x0;
	v13 =	vadd.s32 $0xFFFFFFFF, v62;
	v61, _, _ =	vpop (xrf0);
	v10 =	vbroadcast v10, $0x0  }
0xbb: {  	(v2sf) =	vpush v49, $0xF;
	v13 =	vbroadcast v13, $0x0;
	v9 =	vadd.s32 v61, v9;
	v63, _, _ =	vpop (xrf0)  }
0xbc: {  	(v2sf) =	vpush v55, $0xF;
	v7 =	vsel vm13, v9, v7;
	v16 =	vadd.s32 v63, v10;
	v17, _, _ =	vpop (xrf0)  }
0xbd: {  	v7 =	vsel vm3, v16, v7;
	v18 =	vadd.s32 v17, v11;
	v19, _, _ =	vpop (xrf0)  }
0xbe: {  	v7 =	vsel vm14, v18, v7;
	v20 =	vadd.s32 v19, v13  }
0xbf: {  	v7 =	vsel vm15, v20, v7  }
0xc0: {  	[tilespmem:$0x1010] =	vst v7  }
0xc1: {  	(v2sf) =	vpush v61, $0xF;
	v7 =	vld [tilespmem:s7+$0x20]  }
0xc2: {  	(v2sf) =	vpush v63, $0xF  }
0xc3: {  	(v2sf) =	vpush v17, $0xF;
	_ =	sdelay $0x2  }
0xc4: {  	vm8 =	veq.s32 v7, $0x0  }
0xc5: {  	s8 =	spop (v2sf);
	(v2sf) =	vpush v19, $0xF;
	vm3 =	veq.s32 v7, $0x1;
	v21 =	vsel vm8, $0x1, v1  }
0xc6: {  	s29 =	sadd.s32 s29, s8;
	s8 =	spop (v2sf);
	v22 =	vsel vm3, $0x1, v1;
	(xrf0) =	vadd.scan.msk.s32 $0xffff, v21  }
0xc7: {  	s31 =	sadd.s32 s31, s8;
	(xrf0) =	vadd.scan.msk.s32 $0xffff, v22  }
0xc8: {  	v24 =	vmov s29;
	s8 =	spop (v2sf);
	v26 =	vmov s31;
	vm1 =	veq.s32 v7, $0x2  }
0xc9: {  	v25 =	vadd.s32 $0xFFFFFFFF, v24;
	s0 =	sadd.s32 s0, s8;
	s8 =	spop (v2sf);
	v9 =	vadd.s32 $0xFFFFFFFF, v26;
	v23 =	vsel vm1, $0x1, v1  }
0xca: {  	v8 =	vbroadcast v25, $0x0;
	v27 =	vmov s0;
	s1 =	sadd.s32 s1, s8;
	v9 =	vbroadcast v9, $0x0;
	(xrf0) =	vadd.scan.msk.s32 $0xffff, v23  }
0xcb: {  	v10 =	vadd.s32 $0xFFFFFFFF, v27;
	v33 =	vmov s1;
	vm2 =	veq.s32 v7, $0x3  }
0xcc: {  	v10 =	vbroadcast v10, $0x0;
	vm9 =	veq.s32 v7, $0x4;
	v29 =	vsel vm2, $0x1, v1;
	v28, _, _ =	vpop (xrf0)  }
0xcd: {  	vm10 =	veq.s32 v7, $0x6;
	vm11 =	veq.s32 v7, $0x7;
	(xrf0) =	vadd.scan.msk.s32 $0xffff, v29;
	v8 =	vadd.s32 v28, v8;
	v30, _, _ =	vpop (xrf0)  }
0xce: {  	s8 =	spop (v2sf);
	v34 =	vsel vm9, $0x1, v1;
	v8 =	vnsel vm8, $0x0, v8;
	v9 =	vadd.s32 v30, v9  }
0xcf: {  	v36 =	vsel vm10, $0x1, v1;
	s5 =	sadd.s32 s5, s8;
	s8 =	spop (v2sf);
	v8 =	vsel vm3, v9, v8;
	vm3 =	veq.s32 v7, $0x5  }
0xd0: {  	v38 =	vsel vm11, $0x1, v1;
	v39 =	vmov s5;
	s3 =	sadd.s32 s3, s8;
	s8 =	spop (v2sf);
	(xrf0) =	vadd.scan.msk.s32 $0xffff, v34;
	v31, _, _ =	vpop (xrf0);
	v35 =	vsel vm3, $0x1, v1  }
0xd1: {  	v40 =	vadd.s32 $0xFFFFFFFF, v39;
	s16 =	sadd.s32 s16, s8;
	v32 =	vadd.s32 v31, v10;
	v10 =	vadd.s32 $0xFFFFFFFF, v33;
	(xrf0) =	vadd.scan.msk.s32 $0xffff, v35  }
0xd2: {  	v42 =	vmov s16;
	(v2sf) =	vpush v28, $0xF;
	v10 =	vbroadcast v10, $0x0;
	(xrf0) =	vadd.scan.msk.s32 $0xffff, v36  }
0xd3: {  	v41 =	vmov s3;
	v11 =	vadd.s32 $0xFFFFFFFF, v42;
	(v2sf) =	vpush v30, $0xF;
	v37, _, _ =	vpop (xrf0);
	(xrf0) =	vadd.scan.msk.s32 $0xffff, v38  }
0xd4: {  	s8 =	spop (v2sf);
	v11 =	vbroadcast v11, $0x0;
	v7 =	vsel vm1, v32, v8;
	v10 =	vadd.s32 v37, v10  }
0xd5: {  	s30 =	sadd.s32 s30, s8;
	v9 =	vbroadcast v40, $0x0;
	v7 =	vsel vm2, v10, v7;
	v10 =	vadd.s32 $0xFFFFFFFF, v41  }
0xd6: {  	(v2sf) =	vpush v31, $0xF;
	v44 =	vmov s30;
	v43, _, _ =	vpop (xrf0);
	v10 =	vbroadcast v10, $0x0  }
0xd7: {  	v13 =	vadd.s32 $0xFFFFFFFF, v44;
	(v2sf) =	vpush v37, $0xF;
	v9 =	vadd.s32 v43, v9;
	v45, _, _ =	vpop (xrf0)  }
0xd8: {  	v13 =	vbroadcast v13, $0x0;
	v7 =	vsel vm9, v9, v7;
	v46 =	vadd.s32 v45, v10;
	v47, _, _ =	vpop (xrf0)  }
0xd9: {  	v7 =	vsel vm3, v46, v7;
	v48 =	vadd.s32 v47, v11;
	v49, _, _ =	vpop (xrf0)  }
0xda: {  	v7 =	vsel vm10, v48, v7;
	v50 =	vadd.s32 v49, v13  }
0xdb: {  	v7 =	vsel vm11, v50, v7  }
0xdc: {  	[tilespmem:$0x1020] =	vst v7  }
0xdd: {  	(v2sf) =	vpush v43, $0xF;
	v7 =	vld [tilespmem:s7+$0x30]  }
0xde: {  	(v2sf) =	vpush v45, $0xF  }
0xdf: {  	(v2sf) =	vpush v47, $0xF;
	_ =	sdelay $0x2  }
0xe0: {  	vm12 =	veq.s32 v7, $0x0  }
0xe1: {  	s8 =	spop (v2sf);
	(v2sf) =	vpush v49, $0xF;
	vm3 =	veq.s32 v7, $0x1;
	v51 =	vsel vm12, $0x1, v1  }
0xe2: {  	s29 =	sadd.s32 s29, s8;
	s8 =	spop (v2sf);
	v52 =	vsel vm3, $0x1, v1;
	(xrf0) =	vadd.scan.msk.s32 $0xffff, v51  }
0xe3: {  	s31 =	sadd.s32 s31, s8;
	(xrf0) =	vadd.scan.msk.s32 $0xffff, v52  }
0xe4: {  	v54 =	vmov s29;
	s8 =	spop (v2sf);
	v56 =	vmov s31;
	vm1 =	veq.s32 v7, $0x2  }
0xe5: {  	v55 =	vadd.s32 $0xFFFFFFFF, v54;
	s0 =	sadd.s32 s0, s8;
	s8 =	spop (v2sf);
	v9 =	vadd.s32 $0xFFFFFFFF, v56;
	v53 =	vsel vm1, $0x1, v1  }
0xe6: {  	v8 =	vbroadcast v55, $0x0;
	v57 =	vmov s0;
	s1 =	sadd.s32 s1, s8;
	v9 =	vbroadcast v9, $0x0;
	(xrf0) =	vadd.scan.msk.s32 $0xffff, v53  }
0xe7: {  	v10 =	vadd.s32 $0xFFFFFFFF, v57;
	v63 =	vmov s1;
	vm2 =	veq.s32 v7, $0x3  }
0xe8: {  	v10 =	vbroadcast v10, $0x0;
	vm13 =	veq.s32 v7, $0x4;
	v59 =	vsel vm2, $0x1, v1;
	v58, _, _ =	vpop (xrf0)  }
0xe9: {  	vm14 =	veq.s32 v7, $0x6;
	vm15 =	veq.s32 v7, $0x7;
	(xrf0) =	vadd.scan.msk.s32 $0xffff, v59;
	v8 =	vadd.s32 v58, v8;
	v60, _, _ =	vpop (xrf0)  }
0xea: {  	s8 =	spop (v2sf);
	v16 =	vsel vm13, $0x1, v1;
	v8 =	vnsel vm12, $0x0, v8;
	v9 =	vadd.s32 v60, v9  }
0xeb: {  	v18 =	vsel vm14, $0x1, v1;
	s5 =	sadd.s32 s5, s8;
	s8 =	spop (v2sf);
	v8 =	vsel vm3, v9, v8;
	vm3 =	veq.s32 v7, $0x5  }
0xec: {  	v20 =	vsel vm15, $0x1, v1;
	v21 =	vmov s5;
	s3 =	sadd.s32 s3, s8;
	s8 =	spop (v2sf);
	(xrf0) =	vadd.scan.msk.s32 $0xffff, v16;
	v61, _, _ =	vpop (xrf0);
	v17 =	vsel vm3, $0x1, v1  }
0xed: {  	v22 =	vadd.s32 $0xFFFFFFFF, v21;
	s16 =	sadd.s32 s16, s8;
	v62 =	vadd.s32 v61, v10;
	v10 =	vadd.s32 $0xFFFFFFFF, v63;
	(xrf0) =	vadd.scan.msk.s32 $0xffff, v17  }
0xee: {  	v24 =	vmov s16;
	(v2sf) =	vpush v58, $0xF;
	v10 =	vbroadcast v10, $0x0;
	(xrf0) =	vadd.scan.msk.s32 $0xffff, v18  }
0xef: {  	v23 =	vmov s3;
	v11 =	vadd.s32 $0xFFFFFFFF, v24;
	(v2sf) =	vpush v60, $0xF;
	v19, _, _ =	vpop (xrf0);
	(xrf0) =	vadd.scan.msk.s32 $0xffff, v20  }
0xf0: {  	s8 =	spop (v2sf);
	v11 =	vbroadcast v11, $0x0;
	v7 =	vsel vm1, v62, v8;
	v10 =	vadd.s32 v19, v10  }
0xf1: {  	s30 =	sadd.s32 s30, s8;
	v9 =	vbroadcast v22, $0x0;
	v7 =	vsel vm2, v10, v7;
	v10 =	vadd.s32 $0xFFFFFFFF, v23  }
0xf2: {  	(v2sf) =	vpush v61, $0xF;
	v26 =	vmov s30;
	v25, _, _ =	vpop (xrf0);
	v10 =	vbroadcast v10, $0x0  }
0xf3: {  	v13 =	vadd.s32 $0xFFFFFFFF, v26;
	(v2sf) =	vpush v19, $0xF;
	v9 =	vadd.s32 v25, v9;
	v27, _, _ =	vpop (xrf0)  }
0xf4: {  	v13 =	vbroadcast v13, $0x0;
	v7 =	vsel vm13, v9, v7;
	v28 =	vadd.s32 v27, v10;
	v29, _, _ =	vpop (xrf0)  }
0xf5: {  	v7 =	vsel vm3, v28, v7;
	v30 =	vadd.s32 v29, v11;
	v31, _, _ =	vpop (xrf0)  }
0xf6: {  	v7 =	vsel vm14, v30, v7;
	v32 =	vadd.s32 v31, v13  }
0xf7: {  	v7 =	vsel vm15, v32, v7  }
0xf8: {  	[tilespmem:$0x1030] =	vst v7  }
0xf9: {  	(v2sf) =	vpush v25, $0xF;
	v7 =	vld [tilespmem:s7+$0x40]  }
0xfa: {  	(v2sf) =	vpush v27, $0xF  }
0xfb: {  	(v2sf) =	vpush v29, $0xF;
	_ =	sdelay $0x2  }
0xfc: {  	vm8 =	veq.s32 v7, $0x0  }
0xfd: {  	s8 =	spop (v2sf);
	(v2sf) =	vpush v31, $0xF;
	vm3 =	veq.s32 v7, $0x1;
	v33 =	vsel vm8, $0x1, v1  }
0xfe: {  	s29 =	sadd.s32 s29, s8;
	s8 =	spop (v2sf);
	v34 =	vsel vm3, $0x1, v1;
	(xrf0) =	vadd.scan.msk.s32 $0xffff, v33  }
0xff: {  	s31 =	sadd.s32 s31, s8;
	(xrf0) =	vadd.scan.msk.s32 $0xffff, v34  }
0x100: {  	v36 =	vmov s29;
	s8 =	spop (v2sf);
	v38 =	vmov s31;
	vm1 =	veq.s32 v7, $0x2  }
0x101: {  	v37 =	vadd.s32 $0xFFFFFFFF, v36;
	s0 =	sadd.s32 s0, s8;
	s8 =	spop (v2sf);
	v9 =	vadd.s32 $0xFFFFFFFF, v38;
	v35 =	vsel vm1, $0x1, v1  }
0x102: {  	v8 =	vbroadcast v37, $0x0;
	v39 =	vmov s0;
	s1 =	sadd.s32 s1, s8;
	v9 =	vbroadcast v9, $0x0;
	(xrf0) =	vadd.scan.msk.s32 $0xffff, v35  }
0x103: {  	v10 =	vadd.s32 $0xFFFFFFFF, v39;
	v45 =	vmov s1;
	vm2 =	veq.s32 v7, $0x3  }
0x104: {  	v10 =	vbroadcast v10, $0x0;
	vm9 =	veq.s32 v7, $0x4;
	v41 =	vsel vm2, $0x1, v1;
	v40, _, _ =	vpop (xrf0)  }
0x105: {  	vm10 =	veq.s32 v7, $0x6;
	vm11 =	veq.s32 v7, $0x7;
	(xrf0) =	vadd.scan.msk.s32 $0xffff, v41;
	v8 =	vadd.s32 v40, v8;
	v42, _, _ =	vpop (xrf0)  }
0x106: {  	s8 =	spop (v2sf);
	v46 =	vsel vm9, $0x1, v1;
	v8 =	vnsel vm8, $0x0, v8;
	v9 =	vadd.s32 v42, v9  }
0x107: {  	v48 =	vsel vm10, $0x1, v1;
	s5 =	sadd.s32 s5, s8;
	s8 =	spop (v2sf);
	v8 =	vsel vm3, v9, v8;
	vm3 =	veq.s32 v7, $0x5  }
0x108: {  	v50 =	vsel vm11, $0x1, v1;
	v51 =	vmov s5;
	s3 =	sadd.s32 s3, s8;
	s8 =	spop (v2sf);
	(xrf0) =	vadd.scan.msk.s32 $0xffff, v46;
	v43, _, _ =	vpop (xrf0);
	v47 =	vsel vm3, $0x1, v1  }
0x109: {  	v52 =	vadd.s32 $0xFFFFFFFF, v51;
	s16 =	sadd.s32 s16, s8;
	v44 =	vadd.s32 v43, v10;
	v10 =	vadd.s32 $0xFFFFFFFF, v45;
	(xrf0) =	vadd.scan.msk.s32 $0xffff, v47  }
0x10a: {  	v54 =	vmov s16;
	(v2sf) =	vpush v40, $0xF;
	v10 =	vbroadcast v10, $0x0;
	(xrf0) =	vadd.scan.msk.s32 $0xffff, v48  }
0x10b: {  	v53 =	vmov s3;
	v11 =	vadd.s32 $0xFFFFFFFF, v54;
	(v2sf) =	vpush v42, $0xF;
	v49, _, _ =	vpop (xrf0);
	(xrf0) =	vadd.scan.msk.s32 $0xffff, v50  }
0x10c: {  	s8 =	spop (v2sf);
	v11 =	vbroadcast v11, $0x0;
	v7 =	vsel vm1, v44, v8;
	v10 =	vadd.s32 v49, v10  }
0x10d: {  	s30 =	sadd.s32 s30, s8;
	v9 =	vbroadcast v52, $0x0;
	v7 =	vsel vm2, v10, v7;
	v10 =	vadd.s32 $0xFFFFFFFF, v53  }
0x10e: {  	(v2sf) =	vpush v43, $0xF;
	v56 =	vmov s30;
	v55, _, _ =	vpop (xrf0);
	v10 =	vbroadcast v10, $0x0  }
0x10f: {  	v13 =	vadd.s32 $0xFFFFFFFF, v56;
	(v2sf) =	vpush v49, $0xF;
	v9 =	vadd.s32 v55, v9;
	v57, _, _ =	vpop (xrf0)  }
0x110: {  	v13 =	vbroadcast v13, $0x0;
	v7 =	vsel vm9, v9, v7;
	v58 =	vadd.s32 v57, v10;
	v59, _, _ =	vpop (xrf0)  }
0x111: {  	v7 =	vsel vm3, v58, v7;
	v60 =	vadd.s32 v59, v11;
	v61, _, _ =	vpop (xrf0)  }
0x112: {  	v7 =	vsel vm10, v60, v7;
	v62 =	vadd.s32 v61, v13  }
0x113: {  	v7 =	vsel vm11, v62, v7  }
0x114: {  	[tilespmem:$0x1040] =	vst v7  }
0x115: {  	(v2sf) =	vpush v55, $0xF;
	v7 =	vld [tilespmem:s7+$0x50]  }
0x116: {  	(v2sf) =	vpush v57, $0xF  }
0x117: {  	(v2sf) =	vpush v59, $0xF;
	_ =	sdelay $0x2  }
0x118: {  	vm12 =	veq.s32 v7, $0x0  }
0x119: {  	s8 =	spop (v2sf);
	(v2sf) =	vpush v61, $0xF;
	vm3 =	veq.s32 v7, $0x1;
	v63 =	vsel vm12, $0x1, v1  }
0x11a: {  	s29 =	sadd.s32 s29, s8;
	s8 =	spop (v2sf);
	v12 =	vsel vm3, $0x1, v1;
	(xrf0) =	vadd.scan.msk.s32 $0xffff, v63  }
0x11b: {  	s31 =	sadd.s32 s31, s8;
	(xrf0) =	vadd.scan.msk.s32 $0xffff, v12  }
0x11c: {  	v14 =	vmov s29;
	s8 =	spop (v2sf);
	v16 =	vmov s31;
	vm1 =	veq.s32 v7, $0x2  }
0x11d: {  	v15 =	vadd.s32 $0xFFFFFFFF, v14;
	s0 =	sadd.s32 s0, s8;
	s8 =	spop (v2sf);
	v9 =	vadd.s32 $0xFFFFFFFF, v16;
	v13 =	vsel vm1, $0x1, v1  }
0x11e: {  	v8 =	vbroadcast v15, $0x0;
	v17 =	vmov s0;
	s1 =	sadd.s32 s1, s8;
	v9 =	vbroadcast v9, $0x0;
	(xrf0) =	vadd.scan.msk.s32 $0xffff, v13  }
0x11f: {  	v10 =	vadd.s32 $0xFFFFFFFF, v17;
	v23 =	vmov s1;
	vm2 =	veq.s32 v7, $0x3  }
0x120: {  	v10 =	vbroadcast v10, $0x0;
	vm13 =	veq.s32 v7, $0x4;
	v19 =	vsel vm2, $0x1, v1;
	v18, _, _ =	vpop (xrf0)  }
0x121: {  	vm14 =	veq.s32 v7, $0x6;
	vm15 =	veq.s32 v7, $0x7;
	(xrf0) =	vadd.scan.msk.s32 $0xffff, v19;
	v8 =	vadd.s32 v18, v8;
	v20, _, _ =	vpop (xrf0)  }
0x122: {  	s8 =	spop (v2sf);
	v24 =	vsel vm13, $0x1, v1;
	v8 =	vnsel vm12, $0x0, v8;
	v9 =	vadd.s32 v20, v9  }
0x123: {  	v26 =	vsel vm14, $0x1, v1;
	s5 =	sadd.s32 s5, s8;
	s8 =	spop (v2sf);
	v8 =	vsel vm3, v9, v8;
	vm3 =	veq.s32 v7, $0x5  }
0x124: {  	v28 =	vsel vm15, $0x1, v1;
	v29 =	vmov s5;
	s3 =	sadd.s32 s3, s8;
	s8 =	spop (v2sf);
	(xrf0) =	vadd.scan.msk.s32 $0xffff, v24;
	v21, _, _ =	vpop (xrf0);
	v25 =	vsel vm3, $0x1, v1  }
0x125: {  	v30 =	vadd.s32 $0xFFFFFFFF, v29;
	s16 =	sadd.s32 s16, s8;
	v22 =	vadd.s32 v21, v10;
	v10 =	vadd.s32 $0xFFFFFFFF, v23;
	(xrf0) =	vadd.scan.msk.s32 $0xffff, v25  }
0x126: {  	v32 =	vmov s16;
	(v2sf) =	vpush v18, $0xF;
	v10 =	vbroadcast v10, $0x0;
	(xrf0) =	vadd.scan.msk.s32 $0xffff, v26  }
0x127: {  	v31 =	vmov s3;
	v11 =	vadd.s32 $0xFFFFFFFF, v32;
	(v2sf) =	vpush v20, $0xF;
	v27, _, _ =	vpop (xrf0);
	(xrf0) =	vadd.scan.msk.s32 $0xffff, v28  }
0x128: {  	s8 =	spop (v2sf);
	v11 =	vbroadcast v11, $0x0;
	v7 =	vsel vm1, v22, v8;
	v10 =	vadd.s32 v27, v10  }
0x129: {  	s30 =	sadd.s32 s30, s8;
	v9 =	vbroadcast v30, $0x0;
	v7 =	vsel vm2, v10, v7;
	v10 =	vadd.s32 $0xFFFFFFFF, v31  }
0x12a: {  	(v2sf) =	vpush v21, $0xF;
	v34 =	vmov s30;
	v33, _, _ =	vpop (xrf0);
	v10 =	vbroadcast v10, $0x0  }
0x12b: {  	v13 =	vadd.s32 $0xFFFFFFFF, v34;
	(v2sf) =	vpush v27, $0xF;
	v9 =	vadd.s32 v33, v9;
	v35, _, _ =	vpop (xrf0)  }
0x12c: {  	v13 =	vbroadcast v13, $0x0;
	v7 =	vsel vm13, v9, v7;
	v36 =	vadd.s32 v35, v10;
	v37, _, _ =	vpop (xrf0)  }
0x12d: {  	v7 =	vsel vm3, v36, v7;
	v38 =	vadd.s32 v37, v11;
	v39, _, _ =	vpop (xrf0)  }
0x12e: {  	v7 =	vsel vm14, v38, v7;
	v40 =	vadd.s32 v39, v13  }
0x12f: {  	v7 =	vsel vm15, v40, v7  }
0x130: {  	[tilespmem:$0x1050] =	vst v7  }
0x131: {  	(v2sf) =	vpush v33, $0xF;
	v7 =	vld [tilespmem:s7+$0x60]  }
0x132: {  	(v2sf) =	vpush v35, $0xF  }
0x133: {  	(v2sf) =	vpush v37, $0xF;
	_ =	sdelay $0x2  }
0x134: {  	vm9 =	veq.s32 v7, $0x0  }
0x135: {  	s8 =	spop (v2sf);
	(v2sf) =	vpush v39, $0xF;
	vm3 =	veq.s32 v7, $0x1;
	v41 =	vsel vm9, $0x1, v1  }
0x136: {  	s29 =	sadd.s32 s29, s8;
	s8 =	spop (v2sf);
	v42 =	vsel vm3, $0x1, v1;
	(xrf0) =	vadd.scan.msk.s32 $0xffff, v41  }
0x137: {  	s31 =	sadd.s32 s31, s8;
	(xrf0) =	vadd.scan.msk.s32 $0xffff, v42  }
0x138: {  	v44 =	vmov s29;
	s8 =	spop (v2sf);
	v46 =	vmov s31;
	vm1 =	veq.s32 v7, $0x2  }
0x139: {  	v45 =	vadd.s32 $0xFFFFFFFF, v44;
	s0 =	sadd.s32 s0, s8;
	s8 =	spop (v2sf);
	v9 =	vadd.s32 $0xFFFFFFFF, v46;
	v43 =	vsel vm1, $0x1, v1  }
0x13a: {  	v8 =	vbroadcast v45, $0x0;
	v47 =	vmov s0;
	s6 =	sadd.s32 s1, s8;
	v9 =	vbroadcast v9, $0x0;
	(xrf0) =	vadd.scan.msk.s32 $0xffff, v43  }
0x13b: {  	v10 =	vadd.s32 $0xFFFFFFFF, v47;
	v53 =	vmov s6;
	vm2 =	veq.s32 v7, $0x3  }
0x13c: {  	v10 =	vbroadcast v10, $0x0;
	vm10 =	veq.s32 v7, $0x4;
	v49 =	vsel vm2, $0x1, v1;
	v48, _, _ =	vpop (xrf0)  }
0x13d: {  	vm11 =	veq.s32 v7, $0x6;
	vm12 =	veq.s32 v7, $0x7;
	(xrf0) =	vadd.scan.msk.s32 $0xffff, v49;
	v8 =	vadd.s32 v48, v8;
	v50, _, _ =	vpop (xrf0)  }
0x13e: {  	s8 =	spop (v2sf);
	v54 =	vsel vm10, $0x1, v1;
	v8 =	vnsel vm9, $0x0, v8;
	v9 =	vadd.s32 v50, v9  }
0x13f: {  	v56 =	vsel vm11, $0x1, v1;
	s8 =	sadd.s32 s5, s8;
	s5 =	spop (v2sf);
	v8 =	vsel vm3, v9, v8;
	vm3 =	veq.s32 v7, $0x5  }
0x140: {  	v58 =	vsel vm12, $0x1, v1;
	v59 =	vmov s8;
	s5 =	sadd.s32 s3, s5;
	s3 =	spop (v2sf);
	(xrf0) =	vadd.scan.msk.s32 $0xffff, v54;
	v51, _, _ =	vpop (xrf0);
	v55 =	vsel vm3, $0x1, v1  }
0x141: {  	v60 =	vadd.s32 $0xFFFFFFFF, v59;
	s3 =	sadd.s32 s16, s3;
	v52 =	vadd.s32 v51, v10;
	v10 =	vadd.s32 $0xFFFFFFFF, v53;
	(xrf0) =	vadd.scan.msk.s32 $0xffff, v55  }
0x142: {  	v62 =	vmov s3;
	(v2sf) =	vpush v48, $0xF;
	v10 =	vbroadcast v10, $0x0;
	(xrf0) =	vadd.scan.msk.s32 $0xffff, v56  }
0x143: {  	v61 =	vmov s5;
	v11 =	vadd.s32 $0xFFFFFFFF, v62;
	(v2sf) =	vpush v50, $0xF;
	v57, _, _ =	vpop (xrf0);
	(xrf0) =	vadd.scan.msk.s32 $0xffff, v58  }
0x144: {  	s16 =	spop (v2sf);
	v11 =	vbroadcast v11, $0x0;
	v7 =	vsel vm1, v52, v8;
	v10 =	vadd.s32 v57, v10  }
0x145: {  	s1 =	sadd.s32 s30, s16;
	v9 =	vbroadcast v60, $0x0;
	v7 =	vsel vm2, v10, v7;
	v10 =	vadd.s32 $0xFFFFFFFF, v61  }
0x146: {  	(v2sf) =	vpush v51, $0xF;
	v16 =	vmov s1;
	v63, _, _ =	vpop (xrf0);
	v10 =	vbroadcast v10, $0x0  }
0x147: {  	v13 =	vadd.s32 $0xFFFFFFFF, v16;
	(v2sf) =	vpush v57, $0xF;
	v9 =	vadd.s32 v63, v9;
	v17, _, _ =	vpop (xrf0)  }
0x148: {  	v13 =	vbroadcast v13, $0x0;
	v7 =	vsel vm10, v9, v7;
	v18 =	vadd.s32 v17, v10;
	v19, _, _ =	vpop (xrf0)  }
0x149: {  	v7 =	vsel vm3, v18, v7;
	v20 =	vadd.s32 v19, v11;
	v21, _, _ =	vpop (xrf0)  }
0x14a: {  	v7 =	vsel vm11, v20, v7;
	v22 =	vadd.s32 v21, v13  }
0x14b: {  	v7 =	vsel vm12, v22, v7  }
0x14c: {  	[tilespmem:$0x1060] =	vst v7  }
0x14d: {  	(v2sf) =	vpush v63, $0xF;
	v7 =	vld [tilespmem:s7+$0x70]  }
0x14e: {  	(v2sf) =	vpush v17, $0xF  }
0x14f: {  	(v2sf) =	vpush v19, $0xF  }
0x150: {  	(v2sf) =	vpush v21, $0xF;
	_ =	sdelay $0x1  }
0x151: {  	vm3 =	veq.s32 v7, $0x0  }
0x152: {  	s30 =	spop (v2sf);
	v23 =	vsel vm3, $0x1, v1  }
0x153: {  	s16 =	sadd.s32 s29, s30;
	(xrf0) =	vadd.scan.msk.s32 $0xffff, v23  }
0x154: {  	s30 =	spop (v2sf);
	v24 =	vmov s16  }
0x155: {  	s29 =	sadd.s32 s31, s30;
	s31 =	spop (v2sf);
	v8 =	vadd.s32 $0xFFFFFFFF, v24  }
0x156: {  	v25 =	vmov s29;
	s30 =	spop (v2sf);
	s0 =	sadd.s32 s0, s31;
	v8 =	vbroadcast v8, $0x0  }
0x157: {  	s6 =	sadd.s32 s6, s30;
	v27 =	vmov s0;
	v9 =	vadd.s32 $0xFFFFFFFF, v25;
	vm1 =	veq.s32 v7, $0x1  }
0x158: {  	v28 =	vmov s6;
	vm2 =	veq.s32 v7, $0x2;
	v26 =	vsel vm1, $0x1, v1  }
0x159: {  	v9 =	vbroadcast v9, $0x0;
	v11 =	vadd.s32 $0xFFFFFFFF, v27;
	v30 =	vsel vm2, $0x1, v1;
	(xrf0) =	vadd.scan.msk.s32 $0xffff, v26;
	v29, _, _ =	vpop (xrf0)  }
0x15a: {  	vm13 =	veq.s32 v7, $0x3;
	vm14 =	veq.s32 v7, $0x5;
	(xrf0) =	vadd.scan.msk.s32 $0xffff, v30;
	v8 =	vadd.s32 v29, v8  }
0x15b: {  	s31 =	spop (v2sf);
	v32 =	vsel vm13, $0x1, v1;
	v8 =	vnsel vm3, $0x0, v8;
	vm3 =	veq.s32 v7, $0x4  }
0x15c: {  	v11 =	vbroadcast v11, $0x0;
	vm15 =	veq.s32 v7, $0x6;
	s29 =	spop (v2sf);
	(xrf0) =	vadd.scan.msk.s32 $0xffff, v32;
	v34 =	vsel vm3, $0x1, v1  }
0x15d: {  	vm7 =	veq.s32 v7, $0x7;
	v12 =	vadd.s32 $0xFFFFFFFF, v28;
	v35 =	vsel vm14, $0x1, v1;
	s0 =	sadd.s32 s5, s29;
	s30 =	spop (v2sf);
	(xrf0) =	vadd.scan.msk.s32 $0xffff, v34  }
0x15e: {  	s8 =	sadd.s32 s8, s31;
	v37 =	vsel vm15, $0x1, v1;
	v40 =	vsel vm7, $0x1, v1;
	v33 =	vmov s0;
	s0 =	sadd.s32 s3, s30;
	s31 =	spop (v2sf);
	(xrf0) =	vadd.scan.msk.s32 $0xffff, v35  }
0x15f: {  	v42 =	vbroadcast v12, $0x0;
	v31 =	vmov s8;
	v38 =	vmov s0;
	s0 =	sadd.s32 s1, s31;
	v36, _, _ =	vpop (xrf0);
	(xrf0) =	vadd.scan.msk.s32 $0xffff, v37  }
0x160: {  	v45 =	vadd.s32 $0xFFFFFFFF, v31;
	v10 =	vadd.s32 $0xFFFFFFFF, v33;
	v43 =	vmov s0;
	v39, _, _ =	vpop (xrf0);
	(xrf0) =	vadd.scan.msk.s32 $0xffff, v40  }
0x161: {  	v47 =	vbroadcast v10, $0x0;
	v48 =	vadd.s32 $0xFFFFFFFF, v38;
	v7 =	vadd.s32 v36, v9  }
0x162: {  	v7 =	vsel vm1, v7, v8;
	v8 =	vbroadcast v45, $0x0;
	v41 =	vadd.s32 v39, v11;
	v44, _, _ =	vpop (xrf0)  }
0x163: {  	v10 =	vbroadcast v48, $0x0;
	v7 =	vsel vm2, v41, v7;
	v9 =	vadd.s32 v44, v42;
	v46, _, _ =	vpop (xrf0)  }
0x164: {  	v11 =	vadd.s32 $0xFFFFFFFF, v43;
	v7 =	vsel vm13, v9, v7;
	v49, _, _ =	vpop (xrf0);
	v8 =	vadd.s32 v46, v8  }
0x165: {  	v52 =	vbroadcast v11, $0x0;
	v50, _, _ =	vpop (xrf0);
	v7 =	vsel vm3, v8, v7;
	v51 =	vadd.s32 v49, v47  }
0x166: {  	v7 =	vsel vm14, v51, v7;
	v53 =	vadd.s32 v50, v10;
	v54, _, _ =	vpop (xrf0)  }
0x167: {  	v7 =	vsel vm15, v53, v7;
	v55 =	vadd.s32 v54, v52  }
0x168: {  	v7 =	vsel vm7, v55, v7  }
0x169: {  	s3 =	simm.s32 $0x1000;
	s1 =	rddreg [dreg:$0x6];
	[tilespmem:$0x1070] =	vst v7  }
0x16a: {  	[hbm4b:s1+s2] =	stream.linear.scatter [tilespmem:s3], [sflag:$0x2], $0x80, $0x38;
	[tilespmem:$0x19100] =	vst v63  }
0x16b: {  	_ =	swait.ge [sflag:s15], $0x80  }
0x16c: {  	[sflag:s15] =	ssyncset.done $0x0  }
0x16d: {  	[sflag:s15] =	ssyncadd.s32 $0xFFFFFF80  }
0x16e: {  	_ =	swait.ge [sflag:s17], $0x18000  }
0x16f: {  	[sflag:s17] =	ssyncset.done $0x0  }
0x170: {  	[sflag:s17] =	ssyncadd.s32 $0xFFFE8000  }
0x171: {  	v7 =	vld [tilespmem:$0x1000];
	_ =	sdelay $0x4  }
0x172: {  	v56 =	vshrl.u32 v7, $0x3  }
0x173: {  	v8 =	vmul.u32 $0x30, v56  }
0x174: {  	v7 =	vand.u32 $0x7, v7  }
0x175: {  	v7 =	vor.u32 v7, v8  }
0x176: {  	v8 =	vperm.xlane v7, v2;
	_ =	sdelay $0x1  }
0x177: {  	v8 =	vadd.s32 v3, v8;
	_ =	sdelay $0x3  }
0x178: {  	s3 =	simm.s32 $0x1080;
	v7 =	vperm.xlane v7, v4  }
0x179: {  	[hbm4b:s4+s2] =	stream.indirect_vreg.scatter [tilespmem:s3], [sflag:$0x1], $0x80, v8, vm0, $0xb8;
	[tilespmem:$0x19100] =	vst v63  }
0x17a: {  	s5 =	simm.s32 $0x1880;
	v7 =	vadd.s32 v3, v7  }
0x17b: {  	[hbm4b:s9+s2] =	stream.indirect_vreg.scatter [tilespmem:s5], [sflag:$0x1], $0x80, v8, vm0, $0xb8;
	[tilespmem:$0x19100] =	vst v63  }
0x17c: {  	s6 =	simm.s32 $0x2080  }
0x17d: {  	[hbm4b:s10+s2] =	stream.indirect_vreg.scatter [tilespmem:s6], [sflag:$0x1], $0x80, v8, vm0, $0xb8;
	[tilespmem:$0x19100] =	vst v63  }
0x17e: {  	s8 =	simm.s32 $0x2880  }
0x17f: {  	[hbm4b:s4+s2] =	stream.indirect_vreg.scatter [tilespmem:s8], [sflag:$0x1], $0x80, v7, vm0, $0xb8;
	[tilespmem:$0x19100] =	vst v63  }
0x180: {  	s16 =	simm.s32 $0x3080  }
0x181: {  	[hbm4b:s9+s2] =	stream.indirect_vreg.scatter [tilespmem:s16], [sflag:$0x1], $0x80, v7, vm0, $0xb8;
	[tilespmem:$0x19100] =	vst v63  }
0x182: {  	s29 =	simm.s32 $0x3880  }
0x183: {  	[hbm4b:s10+s2] =	stream.indirect_vreg.scatter [tilespmem:s29], [sflag:$0x1], $0x80, v7, vm0, $0xb8;
	[tilespmem:$0x19100] =	vst v63  }
0x184: {  	v7 =	vld [tilespmem:$0x1010];
	_ =	sdelay $0x4  }
0x185: {  	v57 =	vshrl.u32 v7, $0x3  }
0x186: {  	v8 =	vmul.u32 $0x30, v57  }
0x187: {  	v7 =	vand.u32 $0x7, v7  }
0x188: {  	v7 =	vor.u32 v7, v8  }
0x189: {  	v8 =	vperm.xlane v7, v2;
	_ =	sdelay $0x1  }
0x18a: {  	v8 =	vadd.s32 v3, v8;
	_ =	sdelay $0x3  }
0x18b: {  	s30 =	simm.s32 $0x4080;
	v7 =	vperm.xlane v7, v4  }
0x18c: {  	[hbm4b:s4+s2] =	stream.indirect_vreg.scatter [tilespmem:s30], [sflag:$0x1], $0x80, v8, vm0, $0xb8;
	[tilespmem:$0x19100] =	vst v63  }
0x18d: {  	s31 =	simm.s32 $0x4880;
	v7 =	vadd.s32 v3, v7  }
0x18e: {  	[hbm4b:s9+s2] =	stream.indirect_vreg.scatter [tilespmem:s31], [sflag:$0x1], $0x80, v8, vm0, $0xb8;
	[tilespmem:$0x19100] =	vst v63  }
0x18f: {  	s1 =	simm.s32 $0x5080  }
0x190: {  	[hbm4b:s10+s2] =	stream.indirect_vreg.scatter [tilespmem:s1], [sflag:$0x1], $0x80, v8, vm0, $0xb8;
	[tilespmem:$0x19100] =	vst v63  }
0x191: {  	s5 =	simm.s32 $0x5880  }
0x192: {  	[hbm4b:s4+s2] =	stream.indirect_vreg.scatter [tilespmem:s5], [sflag:$0x1], $0x80, v7, vm0, $0xb8;
	[tilespmem:$0x19100] =	vst v63  }
0x193: {  	s6 =	simm.s32 $0x6080  }
0x194: {  	[hbm4b:s9+s2] =	stream.indirect_vreg.scatter [tilespmem:s6], [sflag:$0x1], $0x80, v7, vm0, $0xb8;
	[tilespmem:$0x19100] =	vst v63  }
0x195: {  	s8 =	simm.s32 $0x6880  }
0x196: {  	[hbm4b:s10+s2] =	stream.indirect_vreg.scatter [tilespmem:s8], [sflag:$0x1], $0x80, v7, vm0, $0xb8;
	[tilespmem:$0x19100] =	vst v63  }
0x197: {  	v7 =	vld [tilespmem:$0x1020];
	_ =	sdelay $0x4  }
0x198: {  	v58 =	vshrl.u32 v7, $0x3  }
0x199: {  	v8 =	vmul.u32 $0x30, v58  }
0x19a: {  	v7 =	vand.u32 $0x7, v7  }
0x19b: {  	v7 =	vor.u32 v7, v8  }
0x19c: {  	v8 =	vperm.xlane v7, v2;
	_ =	sdelay $0x1  }
0x19d: {  	v8 =	vadd.s32 v3, v8;
	_ =	sdelay $0x3  }
0x19e: {  	s16 =	simm.s32 $0x7080;
	v7 =	vperm.xlane v7, v4  }
0x19f: {  	[hbm4b:s4+s2] =	stream.indirect_vreg.scatter [tilespmem:s16], [sflag:$0x1], $0x80, v8, vm0, $0xb8;
	[tilespmem:$0x19100] =	vst v63  }
0x1a0: {  	s29 =	simm.s32 $0x7880;
	v7 =	vadd.s32 v3, v7  }
0x1a1: {  	[hbm4b:s9+s2] =	stream.indirect_vreg.scatter [tilespmem:s29], [sflag:$0x1], $0x80, v8, vm0, $0xb8;
	[tilespmem:$0x19100] =	vst v63  }
0x1a2: {  	s30 =	simm.s32 $0x8080  }
0x1a3: {  	[hbm4b:s10+s2] =	stream.indirect_vreg.scatter [tilespmem:s30], [sflag:$0x1], $0x80, v8, vm0, $0xb8;
	[tilespmem:$0x19100] =	vst v63  }
0x1a4: {  	s31 =	simm.s32 $0x8880  }
0x1a5: {  	[hbm4b:s4+s2] =	stream.indirect_vreg.scatter [tilespmem:s31], [sflag:$0x1], $0x80, v7, vm0, $0xb8;
	[tilespmem:$0x19100] =	vst v63  }
0x1a6: {  	s1 =	simm.s32 $0x9080  }
0x1a7: {  	[hbm4b:s9+s2] =	stream.indirect_vreg.scatter [tilespmem:s1], [sflag:$0x1], $0x80, v7, vm0, $0xb8;
	[tilespmem:$0x19100] =	vst v63  }
0x1a8: {  	s5 =	simm.s32 $0x9880  }
0x1a9: {  	[hbm4b:s10+s2] =	stream.indirect_vreg.scatter [tilespmem:s5], [sflag:$0x1], $0x80, v7, vm0, $0xb8;
	[tilespmem:$0x19100] =	vst v63  }
0x1aa: {  	v7 =	vld [tilespmem:$0x1030];
	_ =	sdelay $0x4  }
0x1ab: {  	v59 =	vshrl.u32 v7, $0x3  }
0x1ac: {  	v8 =	vmul.u32 $0x30, v59  }
0x1ad: {  	v7 =	vand.u32 $0x7, v7  }
0x1ae: {  	v7 =	vor.u32 v7, v8  }
0x1af: {  	v8 =	vperm.xlane v7, v2;
	_ =	sdelay $0x1  }
0x1b0: {  	v8 =	vadd.s32 v3, v8;
	_ =	sdelay $0x3  }
0x1b1: {  	s6 =	simm.s32 $0xA080;
	v7 =	vperm.xlane v7, v4  }
0x1b2: {  	[hbm4b:s4+s2] =	stream.indirect_vreg.scatter [tilespmem:s6], [sflag:$0x1], $0x80, v8, vm0, $0xb8;
	[tilespmem:$0x19100] =	vst v63  }
0x1b3: {  	s8 =	simm.s32 $0xA880;
	v7 =	vadd.s32 v3, v7  }
0x1b4: {  	[hbm4b:s9+s2] =	stream.indirect_vreg.scatter [tilespmem:s8], [sflag:$0x1], $0x80, v8, vm0, $0xb8;
	[tilespmem:$0x19100] =	vst v63  }
0x1b5: {  	s16 =	simm.s32 $0xB080  }
0x1b6: {  	[hbm4b:s10+s2] =	stream.indirect_vreg.scatter [tilespmem:s16], [sflag:$0x1], $0x80, v8, vm0, $0xb8;
	[tilespmem:$0x19100] =	vst v63  }
0x1b7: {  	s29 =	simm.s32 $0xB880  }
0x1b8: {  	[hbm4b:s4+s2] =	stream.indirect_vreg.scatter [tilespmem:s29], [sflag:$0x1], $0x80, v7, vm0, $0xb8;
	[tilespmem:$0x19100] =	vst v63  }
0x1b9: {  	s30 =	simm.s32 $0xC080  }
0x1ba: {  	[hbm4b:s9+s2] =	stream.indirect_vreg.scatter [tilespmem:s30], [sflag:$0x1], $0x80, v7, vm0, $0xb8;
	[tilespmem:$0x19100] =	vst v63  }
0x1bb: {  	s31 =	simm.s32 $0xC880  }
0x1bc: {  	[hbm4b:s10+s2] =	stream.indirect_vreg.scatter [tilespmem:s31], [sflag:$0x1], $0x80, v7, vm0, $0xb8;
	[tilespmem:$0x19100] =	vst v63  }
0x1bd: {  	v7 =	vld [tilespmem:$0x1040];
	_ =	sdelay $0x4  }
0x1be: {  	v60 =	vshrl.u32 v7, $0x3  }
0x1bf: {  	v8 =	vmul.u32 $0x30, v60  }
0x1c0: {  	v7 =	vand.u32 $0x7, v7  }
0x1c1: {  	v7 =	vor.u32 v7, v8  }
0x1c2: {  	v8 =	vperm.xlane v7, v2;
	_ =	sdelay $0x1  }
0x1c3: {  	v8 =	vadd.s32 v3, v8;
	_ =	sdelay $0x3  }
0x1c4: {  	s1 =	simm.s32 $0xD080;
	v7 =	vperm.xlane v7, v4  }
0x1c5: {  	[hbm4b:s4+s2] =	stream.indirect_vreg.scatter [tilespmem:s1], [sflag:$0x1], $0x80, v8, vm0, $0xb8;
	[tilespmem:$0x19100] =	vst v63  }
0x1c6: {  	s5 =	simm.s32 $0xD880;
	v7 =	vadd.s32 v3, v7  }
0x1c7: {  	[hbm4b:s9+s2] =	stream.indirect_vreg.scatter [tilespmem:s5], [sflag:$0x1], $0x80, v8, vm0, $0xb8;
	[tilespmem:$0x19100] =	vst v63  }
0x1c8: {  	s6 =	simm.s32 $0xE080  }
0x1c9: {  	[hbm4b:s10+s2] =	stream.indirect_vreg.scatter [tilespmem:s6], [sflag:$0x1], $0x80, v8, vm0, $0xb8;
	[tilespmem:$0x19100] =	vst v63  }
0x1ca: {  	s8 =	simm.s32 $0xE880  }
0x1cb: {  	[hbm4b:s4+s2] =	stream.indirect_vreg.scatter [tilespmem:s8], [sflag:$0x1], $0x80, v7, vm0, $0xb8;
	[tilespmem:$0x19100] =	vst v63  }
0x1cc: {  	s16 =	simm.s32 $0xF080  }
0x1cd: {  	[hbm4b:s9+s2] =	stream.indirect_vreg.scatter [tilespmem:s16], [sflag:$0x1], $0x80, v7, vm0, $0xb8;
	[tilespmem:$0x19100] =	vst v63  }
0x1ce: {  	s29 =	simm.s32 $0xF880  }
0x1cf: {  	[hbm4b:s10+s2] =	stream.indirect_vreg.scatter [tilespmem:s29], [sflag:$0x1], $0x80, v7, vm0, $0xb8;
	[tilespmem:$0x19100] =	vst v63  }
0x1d0: {  	v7 =	vld [tilespmem:$0x1050];
	_ =	sdelay $0x4  }
0x1d1: {  	v61 =	vshrl.u32 v7, $0x3  }
0x1d2: {  	v8 =	vmul.u32 $0x30, v61  }
0x1d3: {  	v7 =	vand.u32 $0x7, v7  }
0x1d4: {  	v7 =	vor.u32 v7, v8  }
0x1d5: {  	v8 =	vperm.xlane v7, v2;
	_ =	sdelay $0x1  }
0x1d6: {  	v8 =	vadd.s32 v3, v8;
	_ =	sdelay $0x3  }
0x1d7: {  	s30 =	simm.s32 $0x10080;
	v7 =	vperm.xlane v7, v4  }
0x1d8: {  	[hbm4b:s4+s2] =	stream.indirect_vreg.scatter [tilespmem:s30], [sflag:$0x1], $0x80, v8, vm0, $0xb8;
	[tilespmem:$0x19100] =	vst v63  }
0x1d9: {  	s31 =	simm.s32 $0x10880;
	v7 =	vadd.s32 v3, v7  }
0x1da: {  	[hbm4b:s9+s2] =	stream.indirect_vreg.scatter [tilespmem:s31], [sflag:$0x1], $0x80, v8, vm0, $0xb8;
	[tilespmem:$0x19100] =	vst v63  }
0x1db: {  	s1 =	simm.s32 $0x11080  }
0x1dc: {  	[hbm4b:s10+s2] =	stream.indirect_vreg.scatter [tilespmem:s1], [sflag:$0x1], $0x80, v8, vm0, $0xb8;
	[tilespmem:$0x19100] =	vst v63  }
0x1dd: {  	s5 =	simm.s32 $0x11880  }
0x1de: {  	[hbm4b:s4+s2] =	stream.indirect_vreg.scatter [tilespmem:s5], [sflag:$0x1], $0x80, v7, vm0, $0xb8;
	[tilespmem:$0x19100] =	vst v63  }
0x1df: {  	s6 =	simm.s32 $0x12080  }
0x1e0: {  	[hbm4b:s9+s2] =	stream.indirect_vreg.scatter [tilespmem:s6], [sflag:$0x1], $0x80, v7, vm0, $0xb8;
	[tilespmem:$0x19100] =	vst v63  }
0x1e1: {  	s8 =	simm.s32 $0x12880  }
0x1e2: {  	[hbm4b:s10+s2] =	stream.indirect_vreg.scatter [tilespmem:s8], [sflag:$0x1], $0x80, v7, vm0, $0xb8;
	[tilespmem:$0x19100] =	vst v63  }
0x1e3: {  	v7 =	vld [tilespmem:$0x1060];
	_ =	sdelay $0x4  }
0x1e4: {  	v62 =	vshrl.u32 v7, $0x3  }
0x1e5: {  	v8 =	vmul.u32 $0x30, v62  }
0x1e6: {  	v7 =	vand.u32 $0x7, v7  }
0x1e7: {  	v7 =	vor.u32 v7, v8  }
0x1e8: {  	v8 =	vperm.xlane v7, v2;
	_ =	sdelay $0x1  }
0x1e9: {  	v8 =	vadd.s32 v3, v8;
	_ =	sdelay $0x3  }
0x1ea: {  	s16 =	simm.s32 $0x13080;
	v7 =	vperm.xlane v7, v4  }
0x1eb: {  	[hbm4b:s4+s2] =	stream.indirect_vreg.scatter [tilespmem:s16], [sflag:$0x1], $0x80, v8, vm0, $0xb8;
	[tilespmem:$0x19100] =	vst v63  }
0x1ec: {  	s29 =	simm.s32 $0x13880;
	v7 =	vadd.s32 v3, v7  }
0x1ed: {  	[hbm4b:s9+s2] =	stream.indirect_vreg.scatter [tilespmem:s29], [sflag:$0x1], $0x80, v8, vm0, $0xb8;
	[tilespmem:$0x19100] =	vst v63  }
0x1ee: {  	s30 =	simm.s32 $0x14080  }
0x1ef: {  	[hbm4b:s10+s2] =	stream.indirect_vreg.scatter [tilespmem:s30], [sflag:$0x1], $0x80, v8, vm0, $0xb8;
	[tilespmem:$0x19100] =	vst v63  }
0x1f0: {  	s31 =	simm.s32 $0x14880  }
0x1f1: {  	[hbm4b:s4+s2] =	stream.indirect_vreg.scatter [tilespmem:s31], [sflag:$0x1], $0x80, v7, vm0, $0xb8;
	[tilespmem:$0x19100] =	vst v63  }
0x1f2: {  	s1 =	simm.s32 $0x15080  }
0x1f3: {  	[hbm4b:s9+s2] =	stream.indirect_vreg.scatter [tilespmem:s1], [sflag:$0x1], $0x80, v7, vm0, $0xb8;
	[tilespmem:$0x19100] =	vst v63  }
0x1f4: {  	s5 =	simm.s32 $0x15880  }
0x1f5: {  	[hbm4b:s10+s2] =	stream.indirect_vreg.scatter [tilespmem:s5], [sflag:$0x1], $0x80, v7, vm0, $0xb8;
	[tilespmem:$0x19100] =	vst v63  }
0x1f6: {  	v7 =	vld [tilespmem:$0x1070];
	_ =	sdelay $0x4  }
0x1f7: {  	v63 =	vshrl.u32 v7, $0x3  }
0x1f8: {  	v8 =	vmul.u32 $0x30, v63  }
0x1f9: {  	v7 =	vand.u32 $0x7, v7  }
0x1fa: {  	v7 =	vor.u32 v7, v8  }
0x1fb: {  	v8 =	vperm.xlane v7, v2;
	_ =	sdelay $0x1  }
0x1fc: {  	v8 =	vadd.s32 v3, v8;
	_ =	sdelay $0x3  }
0x1fd: {  	s6 =	simm.s32 $0x16080;
	v7 =	vperm.xlane v7, v4  }
0x1fe: {  	[hbm4b:s4+s2] =	stream.indirect_vreg.scatter [tilespmem:s6], [sflag:$0x1], $0x80, v8, vm0, $0xb8;
	[tilespmem:$0x19100] =	vst v63  }
0x1ff: {  	s8 =	simm.s32 $0x16880;
	v7 =	vadd.s32 v3, v7  }
0x200: {  	[hbm4b:s9+s2] =	stream.indirect_vreg.scatter [tilespmem:s8], [sflag:$0x1], $0x80, v8, vm0, $0xb8;
	[tilespmem:$0x19100] =	vst v63  }
0x201: {  	s16 =	simm.s32 $0x17080  }
0x202: {  	[hbm4b:s10+s2] =	stream.indirect_vreg.scatter [tilespmem:s16], [sflag:$0x1], $0x80, v8, vm0, $0xb8;
	[tilespmem:$0x19100] =	vst v63  }
0x203: {  	s29 =	simm.s32 $0x17880  }
0x204: {  	[hbm4b:s4+s2] =	stream.indirect_vreg.scatter [tilespmem:s29], [sflag:$0x1], $0x80, v7, vm0, $0xb8;
	[tilespmem:$0x19100] =	vst v63  }
0x205: {  	s30 =	simm.s32 $0x18080  }
0x206: {  	[hbm4b:s9+s2] =	stream.indirect_vreg.scatter [tilespmem:s30], [sflag:$0x1], $0x80, v7, vm0, $0xb8;
	[tilespmem:$0x19100] =	vst v63  }
.Ltmp9:
0x207: {  	s31 =	simm.s32 $0x18880;
	(pc) =	sbr.rel @p0 .LBB2_15-.Ltmp9, $4  }
0x208: {  	[hbm4b:s10+s2] =	stream.indirect_vreg.scatter [tilespmem:s31], [sflag:$0x1], $0x80, v7, vm0, $0xb8;
	[tilespmem:$0x19100] =	vst v63  }
0x209: {  	vm1 =	veq.s32 v6, $0x7;
	_ =	swait.ge [sflag:s17], $0x18000  }
0x20a: {  	v6 =	vsel vm1, $0x1, v1;
	[sflag:s17] =	ssyncset.done $0x0  }
0x20b: {  	v5 =	vadd.s32 v6, v5;
	[sflag:s17] =	ssyncadd.s32 $0xFFFE8000  }
0x20c: {  	(xrf0) =	vadd.scan.msk.s32 $0xffff, v5;
	_ =	sdelay $0x5  }
0x20d: {  	v5, _, _ =	vpop (xrf0)  }
0x20e: {  	(v2sf) =	vpush v5, $0xF;
	_ =	sdelay $0xe  }
0x20f: {  	s0 =	spop (v2sf)  }
0x210: {  	s0 =	sadd.s32 s0, s19  }
0x211: {  	s0 =	sadd.s32 $0x1FF, s0  }
0x212: {  	s1 =	sand.u32 $0x1FF, s0  }
0x213: {  	s19 =	sshra.s32 s0, $0x1F;
	p2 =	slt.s32 s0, $0x1;
	p1 =	sne.s32 s1, $0x0  }
0x214: {  	s1 =	sshrl.u32 s19, $0x17;
	p1 =	por !p2, !p1  }
0x215: {  	s0 =	sadd.s32 s1, s0;
	s1 =	simm.s32 $0x1;
	p1 =	por !p1, !p1  }
0x216: {  	s0 =	sshrl.u32 s0, $0x9;
	s1 =	simm.s32 @!p1 $0x0  }
0x217: {  	s0 =	ssub.s32 s0, s1  }
0x218: {  	s0 =	sadd.s32 s28, s0  }
0x219: {  	s0 =	sshll.u32 s0, $0x9  }
0x21a: {  	v5 =	vmul.u32 $0x200, v0;
	s28 =	sadd.s32 $0xFFFFFFFF, s0  }
0x21b: {  	v6 =	vmov s28  }
0x21c: {  	vm1 =	vlt.s32 v6, v5  }
0x21d: {  	v5 =	vsel vm1, s28, v5  }
0x21e: {  	vm1 =	vge.s32 v5, s20;
	vm2 =	vge.s32 v5, s21  }
0x21f: {  	v6 =	vsel vm1, $0x1, v1;
	v7 =	vsel vm2, $0x1, v1;
	vm1 =	vge.s32 v5, s22  }
0x220: {  	v6 =	vadd.s32 v7, v6;
	v7 =	vsel vm1, $0x1, v1;
	vm1 =	vge.s32 v5, s23  }
0x221: {  	v6 =	vadd.s32 v7, v6;
	v7 =	vsel vm1, $0x1, v1;
	vm1 =	vge.s32 v5, s24  }
0x222: {  	s0 =	sshra.s32 s0, $0x9;
	v6 =	vadd.s32 v7, v6;
	v7 =	vsel vm1, $0x1, v1;
	vm1 =	vge.s32 v5, s25  }
0x223: {  	s29 =	sadd.s32 $0xFFFFFFFF, s0;
	v6 =	vadd.s32 v7, v6;
	v7 =	vsel vm1, $0x1, v1;
	vm1 =	vge.s32 v5, s26  }
0x224: {  	v5 =	vadd.s32 v7, v6;
	v6 =	vsel vm1, $0x1, v1;
	v7 =	vmov s29  }
0x225: {  	v5 =	vadd.s32 v6, v5;
	vm1 =	vlt.s32 v7, v0;
	v6 =	vmov s0  }
0x226: {  	[tilespmem:$0x19080] =	vst v5;
	v5 =	vsel vm1, s29, v0;
	vm1 =	vgt.s32 v6, v0  }
0x227: {  	[tilespmem:$0x19090] =	vst v5;
	v5 =	vnsel vm1, $0x10, v0  }
.Ltmp10:
0x228: {  	s30 =	rddreg [dreg:$0x4];
	s31 =	simm.s32 $0x19080;
	[tilespmem:$0x190A0] =	vst v5;
	(pc) =	sbr.rel .LBB2_15-.Ltmp10, $4  }
0x229: {  	[hbm4b:s30+s2] =	stream.linear.scatter [tilespmem:s31], [sflag:$0x2], $0x80, $0x38;
	[tilespmem:$0x19100] =	vst v63  }
0x22a: {  	_ =	swait.ge [sflag:s15], $0x80  }
0x22b: {  	[sflag:s15] =	ssyncset.done $0x0  }
0x22c: {  	[sflag:s15] =	ssyncadd.s32 $0xFFFFFF80  }
.LBB2_3:
.Ltmp11:
0x22d: {  	(pc) =	sbr.rel .LBB2_13-.Ltmp11, $4  }
0x22e: {  	_ = 	snop  }
0x22f: {  	v16 =	vimm.s32 $0x0;
	v17 =	vimm.s32 $0x0  }
0x230: {  	v18 =	vimm.s32 $0x0;
	v19 =	vimm.s32 $0x0;
	v20 =	vimm.s32 $0x0  }
0x231: {  	v21 =	vimm.s32 $0x0;
	v22 =	vimm.s32 $0x0;
	v5 =	vimm.s32 $0x0  }
.LBB2_11:
.Ltmp12:
0x232: {  	(pc) =	sbr.rel .LBB2_13-.Ltmp12, $4  }
0x233: {  	_ = 	snop  }
0x234: {  	v16 =	vimm.s32 $0x0  }
0x235: {  	v17 =	vimm.s32 $0x0;
	v18 =	vimm.s32 $0x0;
	v19 =	vimm.s32 $0x0  }
0x236: {  	v20 =	vimm.s32 $0x0;
	v21 =	vimm.s32 $0x0;
	v22 =	vimm.s32 $0x0  }
.LBB2_5:
.Ltmp13:
0x237: {  	(pc) =	sbr.rel .LBB2_9-.Ltmp13, $4  }
0x238: {  	_ = 	snop  }
0x239: {  	v6 =	vimm.s32 $0x0;
	v7 =	vimm.s32 $0x0  }
0x23a: {  	v8 =	vimm.s32 $0x0;
	v9 =	vimm.s32 $0x0;
	v10 =	vimm.s32 $0x0  }
0x23b: {  	v11 =	vimm.s32 $0x0;
	v13 =	vimm.s32 $0x0;
	v5 =	vimm.s32 $0x0  }
.LBB2_7:
.Ltmp14:
0x23c: {  	(pc) =	sbr.rel .LBB2_9-.Ltmp14, $4  }
0x23d: {  	_ = 	snop  }
0x23e: {  	v6 =	vimm.s32 $0x0  }
0x23f: {  	v7 =	vimm.s32 $0x0;
	v8 =	vimm.s32 $0x0;
	v9 =	vimm.s32 $0x0  }
0x240: {  	v10 =	vimm.s32 $0x0;
	v11 =	vimm.s32 $0x0;
	v13 =	vimm.s32 $0x0  }
.LBB2_16:
0x241: {  	_ =	sfence.sel $0x180000  }
0x242: {  	[bflag:$0x0] =	sbarrier.arrive $0xFFFF  }
0x243: {  	_ =	strace $0x90000047  }
0x244: {  	s0 =	stileid.u32;
	[bflag:$0x2] =	sbarrier.arrive $0xFFFF  }
0x245: {  	p0 =	sne.s32 s0, $0x0;
	s0 =	rddreg [dreg:$0x2]  }
0x246: {  	s0 =	sadd.s32 @!p0 $0x100000, s0  }
0x247: {  	[sflag:s0] =	ssyncadd.tile.s32 @!p0 $0x1;
	_ =	shalt  }
.Lfunc_end2:
_tile_overlayer_lowered:
.L_overlay_start_2:
0x248: {  	(tag) =	ssettag $0x2  }
0x249: {  	s0 =	rddreg [dreg:$0x0];
	s2 =	stileid.u32  }
0x24a: {  	s1 =	rddreg [dreg:$0x1];
	p0 =	sne.s32 s2, $0x0  }
0x24b: {  	s3 =	rddreg [dreg:$0x2];
	[bflag:$0x3] =	sbarrier.arrive $0xFFFF;
	s2 =	simm.s32 @!p0 $0x1C02  }
0x24c: {  	[timem:s3], [sflag:s2] =	dma.local @!p0 [hbm:s0], s1  }
0x24d: {  	s0 =	simm.s32 @!p0 $0x2  }
0x24e: {  	_ =	swait.ge @!p0 [sflag:s0], s1  }
0x24f: {  	s1 =	ssub.s32 @!p0 $0x0, s1;
	[sflag:s0] =	ssyncset.done @!p0 $0x0  }
0x250: {  	[sflag:s0] =	ssyncadd.s32 @!p0 s1  }
0x251: {  	[bflag:$0x3] =	sbarrier.arrive $0xFFFF  }
0x252: {  	_ =	shalt  }

</sc_bundles>
